<compile_context>
chip_gen: v7x
topology: tpu7x:2x2x1
jax: 0.10.2.dev20260603
libtpu: 0.0.44.dev20260713+nightly
codegen_flags: <defaults>
</compile_context>

<pallas_src>
import functools

import jax
import jax.numpy as jnp
from jax import lax
from jax.experimental import pallas as pl
from jax.experimental.pallas import tpu as pltpu
from jax.experimental.pallas import tpu_sc as plsc

N = 10000
E = 320000
G = 256
H = 128

NW = 32
ET = E // NW
CH = 80
NCH = ET // CH
NP = 10240
NT = NP // 16
WCH = 128
NWCH = NT // WCH

def _mesh():
    return plsc.VectorSubcoreMesh(core_axis_name="c", subcore_axis_name="s")


def _silu(x):
    return x * jax.nn.sigmoid(x)


def _p1_body(nf, latp, whi_t, whj_t, wlat_t, be1, a_out, b_out, c_out):
    x = nf[...]
    a_out[...] = jnp.dot(x, whi_t[...], preferred_element_type=jnp.float32)
    b_out[...] = jnp.dot(x, whj_t[...], preferred_element_type=jnp.float32)
    c_out[...] = (
        jnp.dot(latp[...], wlat_t[...], preferred_element_type=jnp.float32)
        + be1[...]
    )


def _p1(nf, latp, whi_t, whj_t, wlat_t, be1):
    return pl.pallas_call(
        _p1_body,
        out_shape=(
            jax.ShapeDtypeStruct((N, H), jnp.float32),
            jax.ShapeDtypeStruct((N, H), jnp.float32),
            jax.ShapeDtypeStruct((G, H), jnp.float32),
        ),
    )(nf, latp, whi_t, whj_t, wlat_t, be1)


def _p2_body(a_hbm, b_hbm, src_hbm, dst_hbm, out_hbm,
             isrc, idst, bufs, outs, gsems, wsems):
    c = lax.axis_index("c")
    s = lax.axis_index("s")
    wid = s * 2 + c
    base = wid * ET

    pltpu.sync_copy(src_hbm.at[pl.ds(pl.multiple_of(base, 8), ET)], isrc)
    pltpu.sync_copy(dst_hbm.at[pl.ds(pl.multiple_of(base, 8), ET)], idst)

    def issue(ci, k):
        lo = pl.multiple_of(ci * CH, 8)
        pltpu.async_copy(a_hbm.at[isrc.at[pl.ds(lo, CH)]], bufs[k][0],
                         gsems[k][0])
        pltpu.async_copy(b_hbm.at[idst.at[pl.ds(lo, CH)]], bufs[k][1],
                         gsems[k][1])

    def wait_gather(k):
        for j in range(2):
            pltpu.make_async_copy(a_hbm.at[isrc.at[pl.ds(0, CH)]],
                                  bufs[k][j], gsems[k][j]).wait()

    def wait_write(k):
        pltpu.make_async_copy(outs[k], out_hbm.at[pl.ds(0, CH)],
                              wsems[k]).wait()

    def process(ci, k):
        ba, bb = bufs[k]
        bo = outs[k]

        def add_row(r, c2):
            for j in range(H // 16):
                sl = pl.ds(j * 16, 16)
                bo[r, sl] = ba[r, sl] + bb[r, sl]
            return c2

        lax.fori_loop(0, CH, add_row, 0)
        off = pl.multiple_of(base + ci * CH, 8)
        pltpu.async_copy(bo, out_hbm.at[pl.ds(off, CH)], wsems[k])

    issue(0, 0)

    def body2(kk, carry):
        ci = kk * 2
        issue(ci + 1, 1)
        wait_gather(0)

        @pl.when(kk > 0)
        def _():
            wait_write(0)

        process(ci, 0)
        issue(ci + 2, 0)
        wait_gather(1)

        @pl.when(kk > 0)
        def _():
            wait_write(1)

        process(ci + 1, 1)
        return carry

    lax.fori_loop(0, (NCH - 1) // 2, body2, 0)
    wait_gather(0)
    wait_write(0)
    process(NCH - 1, 0)
    wait_write(0)
    wait_write(1)


def _p2(a, b, src, dst):
    f = functools.partial(
        pl.kernel,
        out_type=jax.ShapeDtypeStruct((E, H), jnp.float32),
        mesh=_mesh(),
        scratch_types=[
            pltpu.VMEM((ET,), jnp.int32),
            pltpu.VMEM((ET,), jnp.int32),
            [[pltpu.VMEM((CH, H), jnp.float32) for _ in range(2)]
             for _ in range(2)],
            [pltpu.VMEM((CH, H), jnp.float32) for _ in range(2)],
            [[pltpu.SemaphoreType.DMA for _ in range(2)] for _ in range(2)],
            [pltpu.SemaphoreType.DMA for _ in range(2)],
        ],
    )(_p2_body)
    return f(a, b, src, dst)


def _p2c_body(src3_hbm, cnt_hbm, idx2, ones_b, z_b, cacc):
    c = lax.axis_index("c")
    s = lax.axis_index("s")
    wid = c * 16 + s

    def orow(r, c2):
        for j in range(H // 16):
            ones_b[r, pl.ds(j * 16, 16)] = jnp.ones((16,), jnp.float32)
        return c2

    lax.fori_loop(0, CH, orow, 0)

    def zrow(r, c2):
        for j in range(H // 16):
            z_b[r, pl.ds(j * 16, 16)] = jnp.zeros((16,), jnp.float32)
        return c2

    lax.fori_loop(0, WCH, zrow, 0)

    pltpu.sync_copy(src3_hbm.at[wid], idx2)
    for j in range(NWCH):
        r0 = pl.multiple_of(s * NT + j * WCH, 8)
        pltpu.sync_copy(z_b, cacc.at[pl.ds(r0, WCH)])

    plsc.subcore_barrier()

    def chunk(ci, carry):
        pltpu.sync_copy(ones_b, cacc.at[idx2.at[ci]], add=True)
        return carry

    lax.fori_loop(0, NCH, chunk, 0)

    plsc.subcore_barrier()

    for j in range(NWCH):
        r0 = pl.multiple_of(s * NT + j * WCH, 8)
        o0 = pl.multiple_of(c * NP + r0, 8)
        pltpu.sync_copy(cacc.at[pl.ds(r0, WCH)], z_b)
        pltpu.sync_copy(z_b, cnt_hbm.at[pl.ds(o0, WCH)])


def _p2c(src3):
    f = functools.partial(
        pl.kernel,
        out_type=jax.ShapeDtypeStruct((2 * NP, H), jnp.float32),
        mesh=_mesh(),
        scratch_types=[
            pltpu.VMEM((NCH, CH), jnp.int32),
            pltpu.VMEM((CH, H), jnp.float32),
            pltpu.VMEM((WCH, H), jnp.float32),
            pltpu.VMEM_SHARED((NP, H), jnp.float32),
        ],
    )(_p2c_body)
    return f(src3)


BE = 2560


def _p3_body(pre, g2, cmat, fdp, wfd_t, we2_t, be2, out):
    oh = (jax.lax.broadcasted_iota(jnp.int32, (BE, G), 1)
          == g2[...]).astype(jnp.float32)
    x = (pre[...]
         + jnp.dot(oh, cmat[...], preferred_element_type=jnp.float32)
         + jnp.dot(fdp[...], wfd_t[...], preferred_element_type=jnp.float32))
    e1 = _silu(x)
    y = jnp.dot(e1, we2_t[...], preferred_element_type=jnp.float32) + be2[...]
    out[...] = _silu(y)


def _p3(pre, g2, cmat, fdp, wfd_t, we2_t, be2):
    return pl.pallas_call(
        _p3_body,
        grid=(E // BE,),
        in_specs=[
            pl.BlockSpec((BE, H), lambda i: (i, 0)),
            pl.BlockSpec((BE, 1), lambda i: (i, 0)),
            pl.BlockSpec((G, H), lambda i: (0, 0)),
            pl.BlockSpec((BE, 8), lambda i: (i, 0)),
            pl.BlockSpec((8, H), lambda i: (0, 0)),
            pl.BlockSpec((H, H), lambda i: (0, 0)),
            pl.BlockSpec((1, H), lambda i: (0, 0)),
        ],
        out_specs=pl.BlockSpec((BE, H), lambda i: (i, 0)),
        out_shape=jax.ShapeDtypeStruct((E, H), jnp.float32),
    )(pre, g2, cmat, fdp, wfd_t, we2_t, be2)


def _p4_body(ef_hbm, src3_hbm, sum_hbm, idx2, buf0, buf1, acc, se0, se1):
    c = lax.axis_index("c")
    s = lax.axis_index("s")
    wid = c * 16 + s
    base = wid * ET
    bufs = (buf0, buf1)
    sems = (se0, se1)

    pltpu.sync_copy(src3_hbm.at[wid], idx2)

    def zrow(r, c2):
        for j in range(H // 16):
            buf0[r, pl.ds(j * 16, 16)] = jnp.zeros((16,), jnp.float32)
        return c2

    lax.fori_loop(0, CH, zrow, 0)

    for j in range(NT // CH):
        r0 = pl.multiple_of(s * NT + j * CH, 8)
        pltpu.sync_copy(buf0, acc.at[pl.ds(r0, CH)])

    plsc.subcore_barrier()

    def issue(ci, k):
        off = pl.multiple_of(base + ci * CH, 8)
        pltpu.async_copy(ef_hbm.at[pl.ds(off, CH)], bufs[k], sems[k])

    def wait(k):
        pltpu.make_async_copy(ef_hbm.at[pl.ds(0, CH)], bufs[k],
                              sems[k]).wait()

    def scat(ci, k):
        pltpu.sync_copy(bufs[k], acc.at[idx2.at[ci]], add=True)

    issue(0, 0)

    def body2(kk, carry):
        ci = kk * 2
        issue(ci + 1, 1)
        wait(0)
        scat(ci, 0)
        issue(ci + 2, 0)
        wait(1)
        scat(ci + 1, 1)
        return carry

    lax.fori_loop(0, (NCH - 1) // 2, body2, 0)
    wait(0)
    scat(NCH - 1, 0)

    plsc.subcore_barrier()

    for j in range(NT // CH):
        r0 = pl.multiple_of(s * NT + j * CH, 8)
        o0 = pl.multiple_of(c * NP + r0, 8)
        pltpu.sync_copy(acc.at[pl.ds(r0, CH)], buf0)
        pltpu.sync_copy(buf0, sum_hbm.at[pl.ds(o0, CH)])


def _p4(ef, src3):
    f = functools.partial(
        pl.kernel,
        out_type=jax.ShapeDtypeStruct((2 * NP, H), jnp.float32),
        mesh=_mesh(),
        scratch_types=[
            pltpu.VMEM((NCH, CH), jnp.int32),
            pltpu.VMEM((CH, H), jnp.float32),
            pltpu.VMEM((CH, H), jnp.float32),
            pltpu.VMEM_SHARED((NP, H), jnp.float32),
            pltpu.SemaphoreType.DMA,
            pltpu.SemaphoreType.DMA,
        ],
    )(_p4_body)
    return f(ef, src3)


BN = 2000


def _p5_body(nf, sum0, sum1, cnt0, cnt1, wn1a_t, wn1b_t, bn1, wn2_t, bn2,
             out):
    x = nf[...]
    ssum = sum0[0] + sum1[0]
    cnt = cnt0[0][:, 0:1] + cnt1[0][:, 0:1]
    agg = ssum / jnp.clip(cnt, 1.0, None)
    h = (
        jnp.dot(x, wn1a_t[...], preferred_element_type=jnp.float32)
        + jnp.dot(agg, wn1b_t[...], preferred_element_type=jnp.float32)
        + bn1[...]
    )
    h = _silu(h)
    y = jnp.dot(h, wn2_t[...], preferred_element_type=jnp.float32) + bn2[...]
    out[...] = x + _silu(y)


def _p5(nf, sums, cnts, wn1a_t, wn1b_t, bn1, wn2_t, bn2):
    nb = N // BN
    return pl.pallas_call(
        _p5_body,
        grid=(nb,),
        in_specs=[
            pl.BlockSpec((BN, H), lambda i: (i, 0)),
            pl.BlockSpec((1, BN, H), lambda i: (0, i, 0)),
            pl.BlockSpec((1, BN, H), lambda i: (1, i, 0)),
            pl.BlockSpec((1, BN, H), lambda i: (0, i, 0)),
            pl.BlockSpec((1, BN, H), lambda i: (1, i, 0)),
            pl.BlockSpec((H, H), lambda i: (0, 0)),
            pl.BlockSpec((H, H), lambda i: (0, 0)),
            pl.BlockSpec((1, H), lambda i: (0, 0)),
            pl.BlockSpec((H, H), lambda i: (0, 0)),
            pl.BlockSpec((1, H), lambda i: (0, 0)),
        ],
        out_specs=pl.BlockSpec((BN, H), lambda i: (i, 0)),
        out_shape=jax.ShapeDtypeStruct((N, H), jnp.float32),
    )(nf, sums, sums, cnts, cnts, wn1a_t, wn1b_t, bn1, wn2_t, bn2)


def kernel(node_features, frac_coords, lattices, edge_index, edge2graph,
           frac_diff, We1, be1, We2, be2, Wn1, bn1, Wn2, bn2):
    src = edge_index[0].astype(jnp.int32)
    dst = edge_index[1].astype(jnp.int32)
    g = edge2graph.astype(jnp.int32)

    whi_t = We1[:, :H].T
    whj_t = We1[:, H:2 * H].T
    wlat_t = jnp.pad(We1[:, 2 * H:2 * H + 6].T, ((0, 2), (0, 0)))
    wfd_t = jnp.pad(We1[:, 2 * H + 6:].T, ((0, 5), (0, 0)))
    latp = jnp.pad(lattices, ((0, 0), (0, 2)))
    fdp = jnp.pad(frac_diff, ((0, 0), (0, 5)))

    a, b, c = _p1(node_features, latp, whi_t, whj_t, wlat_t,
                  be1.reshape(1, H))
    src3 = src.reshape(NW, NCH, CH)
    pre = _p2(a, b, src, dst)
    cnts = _p2c(src3)
    ef = _p3(pre, g.reshape(E, 1), c, fdp, wfd_t, We2.T, be2.reshape(1, H))
    sums = _p4(ef, src3)
    sums = sums.reshape(2, NP, H)
    cnts = cnts.reshape(2, NP, H)
    return _p5(node_features, sums, cnts, Wn1[:, :H].T, Wn1[:, H:].T,
               bn1.reshape(1, H), Wn2.T, bn2.reshape(1, H))

# --- scband reference (transcript-rebuilt; emitter-appended) ---
"""Pipeline reference for scband-csplayer-48936857370783 (READ-ONLY COPY).

The authoritative reference and input builder live on the scoring server;
editing this copy changes nothing except your own understanding.
"""

import jax, jax.numpy as jnp
import numpy as np

N = 10000
E = 320000
G = 256
H = 128
D_EDGE_IN = 2 * H + 6 + 3  # hi, hj, lattice(6), frac_diff(3) = 265
D_NODE_IN = 2 * H


def _lin_init(key, fan_in, fan_out):
    s = 1.0 / np.sqrt(fan_in)
    kw, kb = jax.random.split(key)
    W = jax.random.uniform(kw, (fan_out, fan_in), minval=-s, maxval=s, dtype=jnp.float32)
    b = jax.random.uniform(kb, (fan_out,), minval=-s, maxval=s, dtype=jnp.float32)
    return W, b


def setup_inputs(seed: int = 0):
    key = jax.random.key(seed)
    ks = jax.random.split(key, 10)
    node_features = jax.random.normal(ks[0], (N, H), dtype=jnp.float32)
    frac_coords = jax.random.uniform(ks[1], (N, 3), dtype=jnp.float32)
    lattices = jax.random.normal(ks[2], (G, 6), dtype=jnp.float32)
    edge_index = jax.random.randint(ks[3], (2, E), 0, N, dtype=jnp.int64)
    edge2graph = jax.random.randint(ks[4], (E,), 0, G, dtype=jnp.int64)
    frac_diff = jax.random.uniform(ks[5], (E, 3), dtype=jnp.float32)
    We1, be1 = _lin_init(ks[6], D_EDGE_IN, H)
    We2, be2 = _lin_init(ks[7], H, H)
    Wn1, bn1 = _lin_init(ks[8], D_NODE_IN, H)
    Wn2, bn2 = _lin_init(ks[9], H, H)
    return {
        'node_features': node_features,
        'frac_coords': frac_coords,
        'lattices': lattices,
        'edge_index': edge_index,
        'edge2graph': edge2graph,
        'frac_diff': frac_diff,
        'We1': We1, 'be1': be1, 'We2': We2, 'be2': be2,
        'Wn1': Wn1, 'bn1': bn1, 'Wn2': Wn2, 'bn2': bn2,
    }


def reference(node_features, frac_coords, lattices, edge_index, edge2graph, frac_diff,
              We1, be1, We2, be2, Wn1, bn1, Wn2, bn2):
    node_input = node_features
    # edge_model (ln=False so node_features unchanged)
    hi = node_features[edge_index[0]]
    hj = node_features[edge_index[1]]
    lat_e = lattices[edge2graph]
    edges_input = jnp.concatenate([hi, hj, lat_e, frac_diff], axis=1)
    e = jax.nn.silu(edges_input @ We1.T + be1)
    edge_features = jax.nn.silu(e @ We2.T + be2)
    # node_model: scatter-mean over edge_index[0]
    summed = jax.ops.segment_sum(edge_features, edge_index[0], num_segments=N)
    counts = jax.ops.segment_sum(jnp.ones((E,), dtype=jnp.float32), edge_index[0], num_segments=N)
    agg = summed / jnp.clip(counts, 1.0, None)[:, None]
    agg = jnp.concatenate([node_features, agg], axis=1)
    h = jax.nn.silu(agg @ Wn1.T + bn1)
    node_output = jax.nn.silu(h @ Wn2.T + bn2)
    return node_input + node_output

if __name__ == "__main__":
    import jax
    _d = setup_inputs()
    print(jax.jit(kernel)(*tuple(_d.values())))

</pallas_src>

<mosaic_0001>
#map = affine_map<(d0, d1) -> (0, 0)>
#map1 = affine_map<(d0, d1) -> (0)>
module attributes {stable_mosaic.version = 14 : i64} {
  func.func @_p2_body(%arg0: i32, %arg1: i32, %arg2: memref<10000x128xf32, #tpu.memory_space<hbm>>, %arg3: memref<10000x128xf32, #tpu.memory_space<hbm>>, %arg4: memref<320000xi32, #tpu.memory_space<hbm>>, %arg5: memref<320000xi32, #tpu.memory_space<hbm>>, %arg6: memref<320000x128xf32, #tpu.memory_space<hbm>>, %arg7: memref<10000xi32, #tpu.memory_space<vmem>>, %arg8: memref<10000xi32, #tpu.memory_space<vmem>>, %arg9: memref<80x128xf32, #tpu.memory_space<vmem>>, %arg10: memref<80x128xf32, #tpu.memory_space<vmem>>, %arg11: memref<80x128xf32, #tpu.memory_space<vmem>>, %arg12: memref<80x128xf32, #tpu.memory_space<vmem>>, %arg13: memref<80x128xf32, #tpu.memory_space<vmem>>, %arg14: memref<80x128xf32, #tpu.memory_space<vmem>>, %arg15: memref<!tpu.dma_semaphore, #tpu.memory_space<semaphore_mem>>, %arg16: memref<!tpu.dma_semaphore, #tpu.memory_space<semaphore_mem>>, %arg17: memref<!tpu.dma_semaphore, #tpu.memory_space<semaphore_mem>>, %arg18: memref<!tpu.dma_semaphore, #tpu.memory_space<semaphore_mem>>, %arg19: memref<!tpu.dma_semaphore, #tpu.memory_space<semaphore_mem>>, %arg20: memref<!tpu.dma_semaphore, #tpu.memory_space<semaphore_mem>>) attributes {dimension_semantics = [#tpu.dimension_semantics<core_parallel>, #tpu.dimension_semantics<subcore_parallel>], iteration_bounds = array<i64: 2, 16>, scalar_prefetch = 0 : i64, scratch_operands = 14 : i64, tpu.core_type = #tpu.core_type<sc_vector_subcore>, window_params = [{transform_indices = #map}, {transform_indices = #map}, {transform_indices = #map1}, {transform_indices = #map1}, {transform_indices = #map}]} {
    %mul3A = arith.constant 2 : i32
    %mul3A_0 = arith.muli %arg1, %mul3A : i32
    %add3A = arith.addi %mul3A_0, %arg0 : i32
    %mul3A_1 = arith.constant 10000 : i32
    %mul3A_2 = arith.muli %add3A, %mul3A_1 : i32
    %multiple_of3A = tpu.assume_multiple %mul3A_2, 8 : i32
    "tpu.region"() ({
      %run_scoped3A = tpu.sem_alloc : memref<!tpu.dma_semaphore, #tpu.memory_space<semaphore_mem>>
      %dma_start3A_58 = tpu.memref_slice %arg4[%multiple_of3A] : memref<320000xi32, #tpu.memory_space<hbm>> -> memref<10000xi32, #tpu.memory_space<hbm>>
      %dma_start3A_59 = tpu.memref_slice %arg4[%multiple_of3A] : memref<320000xi32, #tpu.memory_space<hbm>> -> memref<10000xi32, #tpu.memory_space<hbm>>
      tpu.enqueue_dma source(%dma_start3A_59 : memref<10000xi32, #tpu.memory_space<hbm>>) target(%arg7 : memref<10000xi32, #tpu.memory_space<vmem>>) target_semaphore(%run_scoped3A : memref<!tpu.dma_semaphore, #tpu.memory_space<semaphore_mem>>)
      %dma_wait3A_60 = tpu.memref_slice %arg4[%multiple_of3A] : memref<320000xi32, #tpu.memory_space<hbm>> -> memref<10000xi32, #tpu.memory_space<hbm>>
      %dma_wait3A_61 = tpu.memref_slice %arg4[%multiple_of3A] : memref<320000xi32, #tpu.memory_space<hbm>> -> memref<10000xi32, #tpu.memory_space<hbm>>
      tpu.wait_dma2 semaphore(%run_scoped3A : memref<!tpu.dma_semaphore, #tpu.memory_space<semaphore_mem>>) src(%dma_wait3A_61 : memref<10000xi32, #tpu.memory_space<hbm>>) dst(%arg7 : memref<10000xi32, #tpu.memory_space<vmem>>)
      tpu.yield
    }) : () -> ()
    %multiple_of3A_3 = tpu.assume_multiple %mul3A_2, 8 : i32
    "tpu.region"() ({
      %run_scoped3A = tpu.sem_alloc : memref<!tpu.dma_semaphore, #tpu.memory_space<semaphore_mem>>
      %dma_start3A_58 = tpu.memref_slice %arg5[%multiple_of3A_3] : memref<320000xi32, #tpu.memory_space<hbm>> -> memref<10000xi32, #tpu.memory_space<hbm>>
      %dma_start3A_59 = tpu.memref_slice %arg5[%multiple_of3A_3] : memref<320000xi32, #tpu.memory_space<hbm>> -> memref<10000xi32, #tpu.memory_space<hbm>>
      tpu.enqueue_dma source(%dma_start3A_59 : memref<10000xi32, #tpu.memory_space<hbm>>) target(%arg8 : memref<10000xi32, #tpu.memory_space<vmem>>) target_semaphore(%run_scoped3A : memref<!tpu.dma_semaphore, #tpu.memory_space<semaphore_mem>>)
      %dma_wait3A_60 = tpu.memref_slice %arg5[%multiple_of3A_3] : memref<320000xi32, #tpu.memory_space<hbm>> -> memref<10000xi32, #tpu.memory_space<hbm>>
      %dma_wait3A_61 = tpu.memref_slice %arg5[%multiple_of3A_3] : memref<320000xi32, #tpu.memory_space<hbm>> -> memref<10000xi32, #tpu.memory_space<hbm>>
      tpu.wait_dma2 semaphore(%run_scoped3A : memref<!tpu.dma_semaphore, #tpu.memory_space<semaphore_mem>>) src(%dma_wait3A_61 : memref<10000xi32, #tpu.memory_space<hbm>>) dst(%arg8 : memref<10000xi32, #tpu.memory_space<vmem>>)
      tpu.yield
    }) : () -> ()
    %multiple_of3A_4 = arith.constant 0 : i32
    %multiple_of3A_5 = tpu.assume_multiple %multiple_of3A_4, 8 : i32
    %dma_start3A = tpu.memref_slice %arg7[%multiple_of3A_5] : memref<10000xi32, #tpu.memory_space<vmem>> -> memref<80xi32, #tpu.memory_space<vmem>>
    %dma_start3A_6 = arith.constant 0 : i32
    %dma_start3A_7 = arith.constant 0 : i32
    %dma_start3A_8 = tpu.memref_slice %arg2[%dma_start3A_6, %dma_start3A_7] : memref<10000x128xf32, #tpu.memory_space<hbm>> -> memref<10000x128xf32, #tpu.memory_space<hbm>>
    tpu.enqueue_indirect_dma source(%dma_start3A_8 : memref<10000x128xf32, #tpu.memory_space<hbm>>) target(%arg9 : memref<80x128xf32, #tpu.memory_space<vmem>>) offsets(%dma_start3A : memref<80xi32, #tpu.memory_space<vmem>>) semaphore(%arg15 : memref<!tpu.dma_semaphore, #tpu.memory_space<semaphore_mem>>)
    %dma_start3A_9 = tpu.memref_slice %arg8[%multiple_of3A_5] : memref<10000xi32, #tpu.memory_space<vmem>> -> memref<80xi32, #tpu.memory_space<vmem>>
    %dma_start3A_10 = arith.constant 0 : i32
    %dma_start3A_11 = arith.constant 0 : i32
    %dma_start3A_12 = tpu.memref_slice %arg3[%dma_start3A_10, %dma_start3A_11] : memref<10000x128xf32, #tpu.memory_space<hbm>> -> memref<10000x128xf32, #tpu.memory_space<hbm>>
    tpu.enqueue_indirect_dma source(%dma_start3A_12 : memref<10000x128xf32, #tpu.memory_space<hbm>>) target(%arg10 : memref<80x128xf32, #tpu.memory_space<vmem>>) offsets(%dma_start3A_9 : memref<80xi32, #tpu.memory_space<vmem>>) semaphore(%arg16 : memref<!tpu.dma_semaphore, #tpu.memory_space<semaphore_mem>>)
    %scan3A = arith.constant 0 : i32
    %scan3A_13 = arith.constant 0 : i32
    %scan3A_14 = arith.constant 62 : i32
    %scan3A_15 = arith.addi %scan3A_13, %scan3A_14 : i32
    %scan3A_16 = arith.constant 1 : i32
    scf.for %scan3A_58 = %scan3A_13 to %scan3A_15 step %scan3A_16  : i32 {
      %mul3A_59 = arith.constant 2 : i32
      %mul3A_60 = arith.muli %scan3A_58, %mul3A_59 : i32
      %add3A_61 = arith.constant 1 : i32
      %add3A_62 = arith.addi %mul3A_60, %add3A_61 : i32
      %mul3A_63 = arith.constant 80 : i32
      %mul3A_64 = arith.muli %add3A_62, %mul3A_63 : i32
      %multiple_of3A_65 = tpu.assume_multiple %mul3A_64, 8 : i32
      %dma_start3A_66 = tpu.memref_slice %arg7[%multiple_of3A_65] : memref<10000xi32, #tpu.memory_space<vmem>> -> memref<80xi32, #tpu.memory_space<vmem>>
      %dma_start3A_67 = arith.constant 0 : i32
      %dma_start3A_68 = arith.constant 0 : i32
      %dma_start3A_69 = tpu.memref_slice %arg2[%dma_start3A_67, %dma_start3A_68] : memref<10000x128xf32, #tpu.memory_space<hbm>> -> memref<10000x128xf32, #tpu.memory_space<hbm>>
      tpu.enqueue_indirect_dma source(%dma_start3A_69 : memref<10000x128xf32, #tpu.memory_space<hbm>>) target(%arg11 : memref<80x128xf32, #tpu.memory_space<vmem>>) offsets(%dma_start3A_66 : memref<80xi32, #tpu.memory_space<vmem>>) semaphore(%arg17 : memref<!tpu.dma_semaphore, #tpu.memory_space<semaphore_mem>>)
      %dma_start3A_70 = tpu.memref_slice %arg8[%multiple_of3A_65] : memref<10000xi32, #tpu.memory_space<vmem>> -> memref<80xi32, #tpu.memory_space<vmem>>
      %dma_start3A_71 = arith.constant 0 : i32
      %dma_start3A_72 = arith.constant 0 : i32
      %dma_start3A_73 = tpu.memref_slice %arg3[%dma_start3A_71, %dma_start3A_72] : memref<10000x128xf32, #tpu.memory_space<hbm>> -> memref<10000x128xf32, #tpu.memory_space<hbm>>
      tpu.enqueue_indirect_dma source(%dma_start3A_73 : memref<10000x128xf32, #tpu.memory_space<hbm>>) target(%arg12 : memref<80x128xf32, #tpu.memory_space<vmem>>) offsets(%dma_start3A_70 : memref<80xi32, #tpu.memory_space<vmem>>) semaphore(%arg18 : memref<!tpu.dma_semaphore, #tpu.memory_space<semaphore_mem>>)
      %dma_wait3A_74 = arith.constant 0 : i32
      %dma_wait3A_75 = tpu.memref_slice %arg7[%dma_wait3A_74] : memref<10000xi32, #tpu.memory_space<vmem>> -> memref<80xi32, #tpu.memory_space<vmem>>
      %dma_wait3A_76 = arith.constant 0 : i32
      %dma_wait3A_77 = arith.constant 0 : i32
      %dma_wait3A_78 = tpu.memref_slice %arg2[%dma_wait3A_76, %dma_wait3A_77] : memref<10000x128xf32, #tpu.memory_space<hbm>> -> memref<10000x128xf32, #tpu.memory_space<hbm>>
      tpu.wait_indirect_dma semaphore(%arg15 : memref<!tpu.dma_semaphore, #tpu.memory_space<semaphore_mem>>) src(%dma_wait3A_78 : memref<10000x128xf32, #tpu.memory_space<hbm>>) dst(%arg9 : memref<80x128xf32, #tpu.memory_space<vmem>>)
      %dma_wait3A_79 = arith.constant 0 : i32
      %dma_wait3A_80 = tpu.memref_slice %arg7[%dma_wait3A_79] : memref<10000xi32, #tpu.memory_space<vmem>> -> memref<80xi32, #tpu.memory_space<vmem>>
      %dma_wait3A_81 = arith.constant 0 : i32
      %dma_wait3A_82 = arith.constant 0 : i32
      %dma_wait3A_83 = tpu.memref_slice %arg2[%dma_wait3A_81, %dma_wait3A_82] : memref<10000x128xf32, #tpu.memory_space<hbm>> -> memref<10000x128xf32, #tpu.memory_space<hbm>>
      tpu.wait_indirect_dma semaphore(%arg16 : memref<!tpu.dma_semaphore, #tpu.memory_space<semaphore_mem>>) src(%dma_wait3A_83 : memref<10000x128xf32, #tpu.memory_space<hbm>>) dst(%arg10 : memref<80x128xf32, #tpu.memory_space<vmem>>)
      %gt3A = arith.constant 0 : i32
      %gt3A_84 = arith.cmpi sgt, %scan3A_58, %gt3A : i32
      %convert_element_type3A = arith.extui %gt3A_84 : i1 to i32
      %cond3A = arith.constant 0 : i32
      %cond3A_85 = arith.cmpi ne, %convert_element_type3A, %cond3A : i32
      scf.if %cond3A_85 {
        %dma_wait3A_144 = arith.constant 0 : i32
        %dma_wait3A_145 = arith.constant 0 : i32
        %dma_wait3A_146 = tpu.memref_slice %arg6[%dma_wait3A_144, %dma_wait3A_145] : memref<320000x128xf32, #tpu.memory_space<hbm>> -> memref<80x128xf32, #tpu.memory_space<hbm>>
        %dma_wait3A_147 = arith.constant 0 : i32
        %dma_wait3A_148 = arith.constant 0 : i32
        %dma_wait3A_149 = tpu.memref_slice %arg6[%dma_wait3A_147, %dma_wait3A_148] : memref<320000x128xf32, #tpu.memory_space<hbm>> -> memref<80x128xf32, #tpu.memory_space<hbm>>
        tpu.wait_dma2 semaphore(%arg19 : memref<!tpu.dma_semaphore, #tpu.memory_space<semaphore_mem>>) src(%arg13 : memref<80x128xf32, #tpu.memory_space<vmem>>) dst(%dma_wait3A_149 : memref<80x128xf32, #tpu.memory_space<hbm>>)
      } else {
      }
      %scan3A_86 = arith.constant 0 : i32
      %scan3A_87 = arith.constant 0 : i32
      %scan3A_88 = arith.constant 80 : i32
      %scan3A_89 = arith.addi %scan3A_87, %scan3A_88 : i32
      %scan3A_90 = arith.constant 1 : i32
      scf.for %scan3A_144 = %scan3A_87 to %scan3A_89 step %scan3A_90  : i32 {
        %get3A = arith.index_cast %scan3A_144 : i32 to index
        %get3A_145 = arith.constant 0 : index
        %get3A_146 = tpu.vector_load %arg9[%get3A, %get3A_145] {strides = array<i32>} : memref<80x128xf32, #tpu.memory_space<vmem>>, vector<1x16xf32>,
        %get3A_147 = vector.shape_cast %get3A_146 : vector<1x16xf32> to vector<16xf32>
        %get3A_148 = arith.index_cast %scan3A_144 : i32 to index
        %get3A_149 = arith.constant 0 : index
        %get3A_150 = tpu.vector_load %arg10[%get3A_148, %get3A_149] {strides = array<i32>} : memref<80x128xf32, #tpu.memory_space<vmem>>, vector<1x16xf32>,
        %get3A_151 = vector.shape_cast %get3A_150 : vector<1x16xf32> to vector<16xf32>
        %add3A_152 = arith.addf %get3A_147, %get3A_151 : vector<16xf32>
        %swap3A = arith.index_cast %scan3A_144 : i32 to index
        %swap3A_153 = arith.constant 0 : index
        %swap3A_154 = tpu.vector_load %arg13[%swap3A, %swap3A_153] {strides = array<i32>} : memref<80x128xf32, #tpu.memory_space<vmem>>, vector<1x16xf32>,
        %swap3A_155 = vector.shape_cast %swap3A_154 : vector<1x16xf32> to vector<16xf32>
        %swap3A_156 = vector.shape_cast %add3A_152 : vector<16xf32> to vector<1x16xf32>
        tpu.vector_store %arg13[%swap3A, %swap3A_153], %swap3A_156 {strides = array<i32>} : memref<80x128xf32, #tpu.memory_space<vmem>>, vector<1x16xf32>,
        %get3A_157 = arith.index_cast %scan3A_144 : i32 to index
        %get3A_158 = arith.constant 16 : index
        %get3A_159 = tpu.vector_load %arg9[%get3A_157, %get3A_158] {strides = array<i32>} : memref<80x128xf32, #tpu.memory_space<vmem>>, vector<1x16xf32>,
        %get3A_160 = vector.shape_cast %get3A_159 : vector<1x16xf32> to vector<16xf32>
        %get3A_161 = arith.index_cast %scan3A_144 : i32 to index
        %get3A_162 = arith.constant 16 : index
        %get3A_163 = tpu.vector_load %arg10[%get3A_161, %get3A_162] {strides = array<i32>} : memref<80x128xf32, #tpu.memory_space<vmem>>, vector<1x16xf32>,
        %get3A_164 = vector.shape_cast %get3A_163 : vector<1x16xf32> to vector<16xf32>
        %add3A_165 = arith.addf %get3A_160, %get3A_164 : vector<16xf32>
        %swap3A_166 = arith.index_cast %scan3A_144 : i32 to index
        %swap3A_167 = arith.constant 16 : index
        %swap3A_168 = tpu.vector_load %arg13[%swap3A_166, %swap3A_167] {strides = array<i32>} : memref<80x128xf32, #tpu.memory_space<vmem>>, vector<1x16xf32>,
        %swap3A_169 = vector.shape_cast %swap3A_168 : vector<1x16xf32> to vector<16xf32>
        %swap3A_170 = vector.shape_cast %add3A_165 : vector<16xf32> to vector<1x16xf32>
        tpu.vector_store %arg13[%swap3A_166, %swap3A_167], %swap3A_170 {strides = array<i32>} : memref<80x128xf32, #tpu.memory_space<vmem>>, vector<1x16xf32>,
        %get3A_171 = arith.index_cast %scan3A_144 : i32 to index
        %get3A_172 = arith.constant 32 : index
        %get3A_173 = tpu.vector_load %arg9[%get3A_171, %get3A_172] {strides = array<i32>} : memref<80x128xf32, #tpu.memory_space<vmem>>, vector<1x16xf32>,
        %get3A_174 = vector.shape_cast %get3A_173 : vector<1x16xf32> to vector<16xf32>
        %get3A_175 = arith.index_cast %scan3A_144 : i32 to index
        %get3A_176 = arith.constant 32 : index
        %get3A_177 = tpu.vector_load %arg10[%get3A_175, %get3A_176] {strides = array<i32>} : memref<80x128xf32, #tpu.memory_space<vmem>>, vector<1x16xf32>,
        %get3A_178 = vector.shape_cast %get3A_177 : vector<1x16xf32> to vector<16xf32>
        %add3A_179 = arith.addf %get3A_174, %get3A_178 : vector<16xf32>
        %swap3A_180 = arith.index_cast %scan3A_144 : i32 to index
        %swap3A_181 = arith.constant 32 : index
        %swap3A_182 = tpu.vector_load %arg13[%swap3A_180, %swap3A_181] {strides = array<i32>} : memref<80x128xf32, #tpu.memory_space<vmem>>, vector<1x16xf32>,
        %swap3A_183 = vector.shape_cast %swap3A_182 : vector<1x16xf32> to vector<16xf32>
        %swap3A_184 = vector.shape_cast %add3A_179 : vector<16xf32> to vector<1x16xf32>
        tpu.vector_store %arg13[%swap3A_180, %swap3A_181], %swap3A_184 {strides = array<i32>} : memref<80x128xf32, #tpu.memory_space<vmem>>, vector<1x16xf32>,
        %get3A_185 = arith.index_cast %scan3A_144 : i32 to index
        %get3A_186 = arith.constant 48 : index
        %get3A_187 = tpu.vector_load %arg9[%get3A_185, %get3A_186] {strides = array<i32>} : memref<80x128xf32, #tpu.memory_space<vmem>>, vector<1x16xf32>,
        %get3A_188 = vector.shape_cast %get3A_187 : vector<1x16xf32> to vector<16xf32>
        %get3A_189 = arith.index_cast %scan3A_144 : i32 to index
        %get3A_190 = arith.constant 48 : index
        %get3A_191 = tpu.vector_load %arg10[%get3A_189, %get3A_190] {strides = array<i32>} : memref<80x128xf32, #tpu.memory_space<vmem>>, vector<1x16xf32>,
        %get3A_192 = vector.shape_cast %get3A_191 : vector<1x16xf32> to vector<16xf32>
        %add3A_193 = arith.addf %get3A_188, %get3A_192 : vector<16xf32>
        %swap3A_194 = arith.index_cast %scan3A_144 : i32 to index
        %swap3A_195 = arith.constant 48 : index
        %swap3A_196 = tpu.vector_load %arg13[%swap3A_194, %swap3A_195] {strides = array<i32>} : memref<80x128xf32, #tpu.memory_space<vmem>>, vector<1x16xf32>,
        %swap3A_197 = vector.shape_cast %swap3A_196 : vector<1x16xf32> to vector<16xf32>
        %swap3A_198 = vector.shape_cast %add3A_193 : vector<16xf32> to vector<1x16xf32>
        tpu.vector_store %arg13[%swap3A_194, %swap3A_195], %swap3A_198 {strides = array<i32>} : memref<80x128xf32, #tpu.memory_space<vmem>>, vector<1x16xf32>,
        %get3A_199 = arith.index_cast %scan3A_144 : i32 to index
        %get3A_200 = arith.constant 64 : index
        %get3A_201 = tpu.vector_load %arg9[%get3A_199, %get3A_200] {strides = array<i32>} : memref<80x128xf32, #tpu.memory_space<vmem>>, vector<1x16xf32>,
        %get3A_202 = vector.shape_cast %get3A_201 : vector<1x16xf32> to vector<16xf32>
        %get3A_203 = arith.index_cast %scan3A_144 : i32 to index
        %get3A_204 = arith.constant 64 : index
        %get3A_205 = tpu.vector_load %arg10[%get3A_203, %get3A_204] {strides = array<i32>} : memref<80x128xf32, #tpu.memory_space<vmem>>, vector<1x16xf32>,
        %get3A_206 = vector.shape_cast %get3A_205 : vector<1x16xf32> to vector<16xf32>
        %add3A_207 = arith.addf %get3A_202, %get3A_206 : vector<16xf32>
        %swap3A_208 = arith.index_cast %scan3A_144 : i32 to index
        %swap3A_209 = arith.constant 64 : index
        %swap3A_210 = tpu.vector_load %arg13[%swap3A_208, %swap3A_209] {strides = array<i32>} : memref<80x128xf32, #tpu.memory_space<vmem>>, vector<1x16xf32>,
        %swap3A_211 = vector.shape_cast %swap3A_210 : vector<1x16xf32> to vector<16xf32>
        %swap3A_212 = vector.shape_cast %add3A_207 : vector<16xf32> to vector<1x16xf32>
        tpu.vector_store %arg13[%swap3A_208, %swap3A_209], %swap3A_212 {strides = array<i32>} : memref<80x128xf32, #tpu.memory_space<vmem>>, vector<1x16xf32>,
        %get3A_213 = arith.index_cast %scan3A_144 : i32 to index
        %get3A_214 = arith.constant 80 : index
        %get3A_215 = tpu.vector_load %arg9[%get3A_213, %get3A_214] {strides = array<i32>} : memref<80x128xf32, #tpu.memory_space<vmem>>, vector<1x16xf32>,
        %get3A_216 = vector.shape_cast %get3A_215 : vector<1x16xf32> to vector<16xf32>
        %get3A_217 = arith.index_cast %scan3A_144 : i32 to index
        %get3A_218 = arith.constant 80 : index
        %get3A_219 = tpu.vector_load %arg10[%get3A_217, %get3A_218] {strides = array<i32>} : memref<80x128xf32, #tpu.memory_space<vmem>>, vector<1x16xf32>,
        %get3A_220 = vector.shape_cast %get3A_219 : vector<1x16xf32> to vector<16xf32>
        %add3A_221 = arith.addf %get3A_216, %get3A_220 : vector<16xf32>
        %swap3A_222 = arith.index_cast %scan3A_144 : i32 to index
        %swap3A_223 = arith.constant 80 : index
        %swap3A_224 = tpu.vector_load %arg13[%swap3A_222, %swap3A_223] {strides = array<i32>} : memref<80x128xf32, #tpu.memory_space<vmem>>, vector<1x16xf32>,
        %swap3A_225 = vector.shape_cast %swap3A_224 : vector<1x16xf32> to vector<16xf32>
        %swap3A_226 = vector.shape_cast %add3A_221 : vector<16xf32> to vector<1x16xf32>
        tpu.vector_store %arg13[%swap3A_222, %swap3A_223], %swap3A_226 {strides = array<i32>} : memref<80x128xf32, #tpu.memory_space<vmem>>, vector<1x16xf32>,
        %get3A_227 = arith.index_cast %scan3A_144 : i32 to index
        %get3A_228 = arith.constant 96 : index
        %get3A_229 = tpu.vector_load %arg9[%get3A_227, %get3A_228] {strides = array<i32>} : memref<80x128xf32, #tpu.memory_space<vmem>>, vector<1x16xf32>,
        %get3A_230 = vector.shape_cast %get3A_229 : vector<1x16xf32> to vector<16xf32>
        %get3A_231 = arith.index_cast %scan3A_144 : i32 to index
        %get3A_232 = arith.constant 96 : index
        %get3A_233 = tpu.vector_load %arg10[%get3A_231, %get3A_232] {strides = array<i32>} : memref<80x128xf32, #tpu.memory_space<vmem>>, vector<1x16xf32>,
        %get3A_234 = vector.shape_cast %get3A_233 : vector<1x16xf32> to vector<16xf32>
        %add3A_235 = arith.addf %get3A_230, %get3A_234 : vector<16xf32>
        %swap3A_236 = arith.index_cast %scan3A_144 : i32 to index
        %swap3A_237 = arith.constant 96 : index
        %swap3A_238 = tpu.vector_load %arg13[%swap3A_236, %swap3A_237] {strides = array<i32>} : memref<80x128xf32, #tpu.memory_space<vmem>>, vector<1x16xf32>,
        %swap3A_239 = vector.shape_cast %swap3A_238 : vector<1x16xf32> to vector<16xf32>
        %swap3A_240 = vector.shape_cast %add3A_235 : vector<16xf32> to vector<1x16xf32>
        tpu.vector_store %arg13[%swap3A_236, %swap3A_237], %swap3A_240 {strides = array<i32>} : memref<80x128xf32, #tpu.memory_space<vmem>>, vector<1x16xf32>,
        %get3A_241 = arith.index_cast %scan3A_144 : i32 to index
        %get3A_242 = arith.constant 112 : index
        %get3A_243 = tpu.vector_load %arg9[%get3A_241, %get3A_242] {strides = array<i32>} : memref<80x128xf32, #tpu.memory_space<vmem>>, vector<1x16xf32>,
        %get3A_244 = vector.shape_cast %get3A_243 : vector<1x16xf32> to vector<16xf32>
        %get3A_245 = arith.index_cast %scan3A_144 : i32 to index
        %get3A_246 = arith.constant 112 : index
        %get3A_247 = tpu.vector_load %arg10[%get3A_245, %get3A_246] {strides = array<i32>} : memref<80x128xf32, #tpu.memory_space<vmem>>, vector<1x16xf32>,
        %get3A_248 = vector.shape_cast %get3A_247 : vector<1x16xf32> to vector<16xf32>
        %add3A_249 = arith.addf %get3A_244, %get3A_248 : vector<16xf32>
        %swap3A_250 = arith.index_cast %scan3A_144 : i32 to index
        %swap3A_251 = arith.constant 112 : index
        %swap3A_252 = tpu.vector_load %arg13[%swap3A_250, %swap3A_251] {strides = array<i32>} : memref<80x128xf32, #tpu.memory_space<vmem>>, vector<1x16xf32>,
        %swap3A_253 = vector.shape_cast %swap3A_252 : vector<1x16xf32> to vector<16xf32>
        %swap3A_254 = vector.shape_cast %add3A_249 : vector<16xf32> to vector<1x16xf32>
        tpu.vector_store %arg13[%swap3A_250, %swap3A_251], %swap3A_254 {strides = array<i32>} : memref<80x128xf32, #tpu.memory_space<vmem>>, vector<1x16xf32>,
      }
      %scan3A_91 = arith.constant 80 : i32
      %mul3A_92 = arith.constant 80 : i32
      %mul3A_93 = arith.muli %mul3A_60, %mul3A_92 : i32
      %add3A_94 = arith.addi %mul3A_2, %mul3A_93 : i32
      %multiple_of3A_95 = tpu.assume_multiple %add3A_94, 8 : i32
      %dma_start3A_96 = arith.constant 0 : i32
      %dma_start3A_97 = tpu.memref_slice %arg6[%multiple_of3A_95, %dma_start3A_96] : memref<320000x128xf32, #tpu.memory_space<hbm>> -> memref<80x128xf32, #tpu.memory_space<hbm>>
      %dma_start3A_98 = arith.constant 0 : i32
      %dma_start3A_99 = tpu.memref_slice %arg6[%multiple_of3A_95, %dma_start3A_98] : memref<320000x128xf32, #tpu.memory_space<hbm>> -> memref<80x128xf32, #tpu.memory_space<hbm>>
      tpu.enqueue_dma source(%arg13 : memref<80x128xf32, #tpu.memory_space<vmem>>) target(%dma_start3A_99 : memref<80x128xf32, #tpu.memory_space<hbm>>) target_semaphore(%arg19 : memref<!tpu.dma_semaphore, #tpu.memory_space<semaphore_mem>>)
      %add3A_100 = arith.constant 2 : i32
      %add3A_101 = arith.addi %mul3A_60, %add3A_100 : i32
      %mul3A_102 = arith.constant 80 : i32
      %mul3A_103 = arith.muli %add3A_101, %mul3A_102 : i32
      %multiple_of3A_104 = tpu.assume_multiple %mul3A_103, 8 : i32
      %dma_start3A_105 = tpu.memref_slice %arg7[%multiple_of3A_104] : memref<10000xi32, #tpu.memory_space<vmem>> -> memref<80xi32, #tpu.memory_space<vmem>>
      %dma_start3A_106 = arith.constant 0 : i32
      %dma_start3A_107 = arith.constant 0 : i32
      %dma_start3A_108 = tpu.memref_slice %arg2[%dma_start3A_106, %dma_start3A_107] : memref<10000x128xf32, #tpu.memory_space<hbm>> -> memref<10000x128xf32, #tpu.memory_space<hbm>>
      tpu.enqueue_indirect_dma source(%dma_start3A_108 : memref<10000x128xf32, #tpu.memory_space<hbm>>) target(%arg9 : memref<80x128xf32, #tpu.memory_space<vmem>>) offsets(%dma_start3A_105 : memref<80xi32, #tpu.memory_space<vmem>>) semaphore(%arg15 : memref<!tpu.dma_semaphore, #tpu.memory_space<semaphore_mem>>)
      %dma_start3A_109 = tpu.memref_slice %arg8[%multiple_of3A_104] : memref<10000xi32, #tpu.memory_space<vmem>> -> memref<80xi32, #tpu.memory_space<vmem>>
      %dma_start3A_110 = arith.constant 0 : i32
      %dma_start3A_111 = arith.constant 0 : i32
      %dma_start3A_112 = tpu.memref_slice %arg3[%dma_start3A_110, %dma_start3A_111] : memref<10000x128xf32, #tpu.memory_space<hbm>> -> memref<10000x128xf32, #tpu.memory_space<hbm>>
      tpu.enqueue_indirect_dma source(%dma_start3A_112 : memref<10000x128xf32, #tpu.memory_space<hbm>>) target(%arg10 : memref<80x128xf32, #tpu.memory_space<vmem>>) offsets(%dma_start3A_109 : memref<80xi32, #tpu.memory_space<vmem>>) semaphore(%arg16 : memref<!tpu.dma_semaphore, #tpu.memory_space<semaphore_mem>>)
      %dma_wait3A_113 = arith.constant 0 : i32
      %dma_wait3A_114 = tpu.memref_slice %arg7[%dma_wait3A_113] : memref<10000xi32, #tpu.memory_space<vmem>> -> memref<80xi32, #tpu.memory_space<vmem>>
      %dma_wait3A_115 = arith.constant 0 : i32
      %dma_wait3A_116 = arith.constant 0 : i32
      %dma_wait3A_117 = tpu.memref_slice %arg2[%dma_wait3A_115, %dma_wait3A_116] : memref<10000x128xf32, #tpu.memory_space<hbm>> -> memref<10000x128xf32, #tpu.memory_space<hbm>>
      tpu.wait_indirect_dma semaphore(%arg17 : memref<!tpu.dma_semaphore, #tpu.memory_space<semaphore_mem>>) src(%dma_wait3A_117 : memref<10000x128xf32, #tpu.memory_space<hbm>>) dst(%arg11 : memref<80x128xf32, #tpu.memory_space<vmem>>)
      %dma_wait3A_118 = arith.constant 0 : i32
      %dma_wait3A_119 = tpu.memref_slice %arg7[%dma_wait3A_118] : memref<10000xi32, #tpu.memory_space<vmem>> -> memref<80xi32, #tpu.memory_space<vmem>>
      %dma_wait3A_120 = arith.constant 0 : i32
      %dma_wait3A_121 = arith.constant 0 : i32
      %dma_wait3A_122 = tpu.memref_slice %arg2[%dma_wait3A_120, %dma_wait3A_121] : memref<10000x128xf32, #tpu.memory_space<hbm>> -> memref<10000x128xf32, #tpu.memory_space<hbm>>
      tpu.wait_indirect_dma semaphore(%arg18 : memref<!tpu.dma_semaphore, #tpu.memory_space<semaphore_mem>>) src(%dma_wait3A_122 : memref<10000x128xf32, #tpu.memory_space<hbm>>) dst(%arg12 : memref<80x128xf32, #tpu.memory_space<vmem>>)
      %gt3A_123 = arith.constant 0 : i32
      %gt3A_124 = arith.cmpi sgt, %scan3A_58, %gt3A_123 : i32
      %convert_element_type3A_125 = arith.extui %gt3A_124 : i1 to i32
      %cond3A_126 = arith.constant 0 : i32
      %cond3A_127 = arith.cmpi ne, %convert_element_type3A_125, %cond3A_126 : i32
      scf.if %cond3A_127 {
        %dma_wait3A_144 = arith.constant 0 : i32
        %dma_wait3A_145 = arith.constant 0 : i32
        %dma_wait3A_146 = tpu.memref_slice %arg6[%dma_wait3A_144, %dma_wait3A_145] : memref<320000x128xf32, #tpu.memory_space<hbm>> -> memref<80x128xf32, #tpu.memory_space<hbm>>
        %dma_wait3A_147 = arith.constant 0 : i32
        %dma_wait3A_148 = arith.constant 0 : i32
        %dma_wait3A_149 = tpu.memref_slice %arg6[%dma_wait3A_147, %dma_wait3A_148] : memref<320000x128xf32, #tpu.memory_space<hbm>> -> memref<80x128xf32, #tpu.memory_space<hbm>>
        tpu.wait_dma2 semaphore(%arg20 : memref<!tpu.dma_semaphore, #tpu.memory_space<semaphore_mem>>) src(%arg14 : memref<80x128xf32, #tpu.memory_space<vmem>>) dst(%dma_wait3A_149 : memref<80x128xf32, #tpu.memory_space<hbm>>)
      } else {
      }
      %add3A_128 = arith.constant 1 : i32
      %add3A_129 = arith.addi %mul3A_60, %add3A_128 : i32
      %scan3A_130 = arith.constant 0 : i32
      %scan3A_131 = arith.constant 0 : i32
      %scan3A_132 = arith.constant 80 : i32
      %scan3A_133 = arith.addi %scan3A_131, %scan3A_132 : i32
      %scan3A_134 = arith.constant 1 : i32
      scf.for %scan3A_144 = %scan3A_131 to %scan3A_133 step %scan3A_134  : i32 {
        %get3A = arith.index_cast %scan3A_144 : i32 to index
        %get3A_145 = arith.constant 0 : index
        %get3A_146 = tpu.vector_load %arg11[%get3A, %get3A_145] {strides = array<i32>} : memref<80x128xf32, #tpu.memory_space<vmem>>, vector<1x16xf32>,
        %get3A_147 = vector.shape_cast %get3A_146 : vector<1x16xf32> to vector<16xf32>
        %get3A_148 = arith.index_cast %scan3A_144 : i32 to index
        %get3A_149 = arith.constant 0 : index
        %get3A_150 = tpu.vector_load %arg12[%get3A_148, %get3A_149] {strides = array<i32>} : memref<80x128xf32, #tpu.memory_space<vmem>>, vector<1x16xf32>,
        %get3A_151 = vector.shape_cast %get3A_150 : vector<1x16xf32> to vector<16xf32>
        %add3A_152 = arith.addf %get3A_147, %get3A_151 : vector<16xf32>
        %swap3A = arith.index_cast %scan3A_144 : i32 to index
        %swap3A_153 = arith.constant 0 : index
        %swap3A_154 = tpu.vector_load %arg14[%swap3A, %swap3A_153] {strides = array<i32>} : memref<80x128xf32, #tpu.memory_space<vmem>>, vector<1x16xf32>,
        %swap3A_155 = vector.shape_cast %swap3A_154 : vector<1x16xf32> to vector<16xf32>
        %swap3A_156 = vector.shape_cast %add3A_152 : vector<16xf32> to vector<1x16xf32>
        tpu.vector_store %arg14[%swap3A, %swap3A_153], %swap3A_156 {strides = array<i32>} : memref<80x128xf32, #tpu.memory_space<vmem>>, vector<1x16xf32>,
        %get3A_157 = arith.index_cast %scan3A_144 : i32 to index
        %get3A_158 = arith.constant 16 : index
        %get3A_159 = tpu.vector_load %arg11[%get3A_157, %get3A_158] {strides = array<i32>} : memref<80x128xf32, #tpu.memory_space<vmem>>, vector<1x16xf32>,
        %get3A_160 = vector.shape_cast %get3A_159 : vector<1x16xf32> to vector<16xf32>
        %get3A_161 = arith.index_cast %scan3A_144 : i32 to index
        %get3A_162 = arith.constant 16 : index
        %get3A_163 = tpu.vector_load %arg12[%get3A_161, %get3A_162] {strides = array<i32>} : memref<80x128xf32, #tpu.memory_space<vmem>>, vector<1x16xf32>,
        %get3A_164 = vector.shape_cast %get3A_163 : vector<1x16xf32> to vector<16xf32>
        %add3A_165 = arith.addf %get3A_160, %get3A_164 : vector<16xf32>
        %swap3A_166 = arith.index_cast %scan3A_144 : i32 to index
        %swap3A_167 = arith.constant 16 : index
        %swap3A_168 = tpu.vector_load %arg14[%swap3A_166, %swap3A_167] {strides = array<i32>} : memref<80x128xf32, #tpu.memory_space<vmem>>, vector<1x16xf32>,
        %swap3A_169 = vector.shape_cast %swap3A_168 : vector<1x16xf32> to vector<16xf32>
        %swap3A_170 = vector.shape_cast %add3A_165 : vector<16xf32> to vector<1x16xf32>
        tpu.vector_store %arg14[%swap3A_166, %swap3A_167], %swap3A_170 {strides = array<i32>} : memref<80x128xf32, #tpu.memory_space<vmem>>, vector<1x16xf32>,
        %get3A_171 = arith.index_cast %scan3A_144 : i32 to index
        %get3A_172 = arith.constant 32 : index
        %get3A_173 = tpu.vector_load %arg11[%get3A_171, %get3A_172] {strides = array<i32>} : memref<80x128xf32, #tpu.memory_space<vmem>>, vector<1x16xf32>,
        %get3A_174 = vector.shape_cast %get3A_173 : vector<1x16xf32> to vector<16xf32>
        %get3A_175 = arith.index_cast %scan3A_144 : i32 to index
        %get3A_176 = arith.constant 32 : index
        %get3A_177 = tpu.vector_load %arg12[%get3A_175, %get3A_176] {strides = array<i32>} : memref<80x128xf32, #tpu.memory_space<vmem>>, vector<1x16xf32>,
        %get3A_178 = vector.shape_cast %get3A_177 : vector<1x16xf32> to vector<16xf32>
        %add3A_179 = arith.addf %get3A_174, %get3A_178 : vector<16xf32>
        %swap3A_180 = arith.index_cast %scan3A_144 : i32 to index
        %swap3A_181 = arith.constant 32 : index
        %swap3A_182 = tpu.vector_load %arg14[%swap3A_180, %swap3A_181] {strides = array<i32>} : memref<80x128xf32, #tpu.memory_space<vmem>>, vector<1x16xf32>,
        %swap3A_183 = vector.shape_cast %swap3A_182 : vector<1x16xf32> to vector<16xf32>
        %swap3A_184 = vector.shape_cast %add3A_179 : vector<16xf32> to vector<1x16xf32>
        tpu.vector_store %arg14[%swap3A_180, %swap3A_181], %swap3A_184 {strides = array<i32>} : memref<80x128xf32, #tpu.memory_space<vmem>>, vector<1x16xf32>,
        %get3A_185 = arith.index_cast %scan3A_144 : i32 to index
        %get3A_186 = arith.constant 48 : index
        %get3A_187 = tpu.vector_load %arg11[%get3A_185, %get3A_186] {strides = array<i32>} : memref<80x128xf32, #tpu.memory_space<vmem>>, vector<1x16xf32>,
        %get3A_188 = vector.shape_cast %get3A_187 : vector<1x16xf32> to vector<16xf32>
        %get3A_189 = arith.index_cast %scan3A_144 : i32 to index
        %get3A_190 = arith.constant 48 : index
        %get3A_191 = tpu.vector_load %arg12[%get3A_189, %get3A_190] {strides = array<i32>} : memref<80x128xf32, #tpu.memory_space<vmem>>, vector<1x16xf32>,
        %get3A_192 = vector.shape_cast %get3A_191 : vector<1x16xf32> to vector<16xf32>
        %add3A_193 = arith.addf %get3A_188, %get3A_192 : vector<16xf32>
        %swap3A_194 = arith.index_cast %scan3A_144 : i32 to index
        %swap3A_195 = arith.constant 48 : index
        %swap3A_196 = tpu.vector_load %arg14[%swap3A_194, %swap3A_195] {strides = array<i32>} : memref<80x128xf32, #tpu.memory_space<vmem>>, vector<1x16xf32>,
        %swap3A_197 = vector.shape_cast %swap3A_196 : vector<1x16xf32> to vector<16xf32>
        %swap3A_198 = vector.shape_cast %add3A_193 : vector<16xf32> to vector<1x16xf32>
        tpu.vector_store %arg14[%swap3A_194, %swap3A_195], %swap3A_198 {strides = array<i32>} : memref<80x128xf32, #tpu.memory_space<vmem>>, vector<1x16xf32>,
        %get3A_199 = arith.index_cast %scan3A_144 : i32 to index
        %get3A_200 = arith.constant 64 : index
        %get3A_201 = tpu.vector_load %arg11[%get3A_199, %get3A_200] {strides = array<i32>} : memref<80x128xf32, #tpu.memory_space<vmem>>, vector<1x16xf32>,
        %get3A_202 = vector.shape_cast %get3A_201 : vector<1x16xf32> to vector<16xf32>
        %get3A_203 = arith.index_cast %scan3A_144 : i32 to index
        %get3A_204 = arith.constant 64 : index
        %get3A_205 = tpu.vector_load %arg12[%get3A_203, %get3A_204] {strides = array<i32>} : memref<80x128xf32, #tpu.memory_space<vmem>>, vector<1x16xf32>,
        %get3A_206 = vector.shape_cast %get3A_205 : vector<1x16xf32> to vector<16xf32>
        %add3A_207 = arith.addf %get3A_202, %get3A_206 : vector<16xf32>
        %swap3A_208 = arith.index_cast %scan3A_144 : i32 to index
        %swap3A_209 = arith.constant 64 : index
        %swap3A_210 = tpu.vector_load %arg14[%swap3A_208, %swap3A_209] {strides = array<i32>} : memref<80x128xf32, #tpu.memory_space<vmem>>, vector<1x16xf32>,
        %swap3A_211 = vector.shape_cast %swap3A_210 : vector<1x16xf32> to vector<16xf32>
        %swap3A_212 = vector.shape_cast %add3A_207 : vector<16xf32> to vector<1x16xf32>
        tpu.vector_store %arg14[%swap3A_208, %swap3A_209], %swap3A_212 {strides = array<i32>} : memref<80x128xf32, #tpu.memory_space<vmem>>, vector<1x16xf32>,
        %get3A_213 = arith.index_cast %scan3A_144 : i32 to index
        %get3A_214 = arith.constant 80 : index
        %get3A_215 = tpu.vector_load %arg11[%get3A_213, %get3A_214] {strides = array<i32>} : memref<80x128xf32, #tpu.memory_space<vmem>>, vector<1x16xf32>,
        %get3A_216 = vector.shape_cast %get3A_215 : vector<1x16xf32> to vector<16xf32>
        %get3A_217 = arith.index_cast %scan3A_144 : i32 to index
        %get3A_218 = arith.constant 80 : index
        %get3A_219 = tpu.vector_load %arg12[%get3A_217, %get3A_218] {strides = array<i32>} : memref<80x128xf32, #tpu.memory_space<vmem>>, vector<1x16xf32>,
        %get3A_220 = vector.shape_cast %get3A_219 : vector<1x16xf32> to vector<16xf32>
        %add3A_221 = arith.addf %get3A_216, %get3A_220 : vector<16xf32>
        %swap3A_222 = arith.index_cast %scan3A_144 : i32 to index
        %swap3A_223 = arith.constant 80 : index
        %swap3A_224 = tpu.vector_load %arg14[%swap3A_222, %swap3A_223] {strides = array<i32>} : memref<80x128xf32, #tpu.memory_space<vmem>>, vector<1x16xf32>,
        %swap3A_225 = vector.shape_cast %swap3A_224 : vector<1x16xf32> to vector<16xf32>
        %swap3A_226 = vector.shape_cast %add3A_221 : vector<16xf32> to vector<1x16xf32>
        tpu.vector_store %arg14[%swap3A_222, %swap3A_223], %swap3A_226 {strides = array<i32>} : memref<80x128xf32, #tpu.memory_space<vmem>>, vector<1x16xf32>,
        %get3A_227 = arith.index_cast %scan3A_144 : i32 to index
        %get3A_228 = arith.constant 96 : index
        %get3A_229 = tpu.vector_load %arg11[%get3A_227, %get3A_228] {strides = array<i32>} : memref<80x128xf32, #tpu.memory_space<vmem>>, vector<1x16xf32>,
        %get3A_230 = vector.shape_cast %get3A_229 : vector<1x16xf32> to vector<16xf32>
        %get3A_231 = arith.index_cast %scan3A_144 : i32 to index
        %get3A_232 = arith.constant 96 : index
        %get3A_233 = tpu.vector_load %arg12[%get3A_231, %get3A_232] {strides = array<i32>} : memref<80x128xf32, #tpu.memory_space<vmem>>, vector<1x16xf32>,
        %get3A_234 = vector.shape_cast %get3A_233 : vector<1x16xf32> to vector<16xf32>
        %add3A_235 = arith.addf %get3A_230, %get3A_234 : vector<16xf32>
        %swap3A_236 = arith.index_cast %scan3A_144 : i32 to index
        %swap3A_237 = arith.constant 96 : index
        %swap3A_238 = tpu.vector_load %arg14[%swap3A_236, %swap3A_237] {strides = array<i32>} : memref<80x128xf32, #tpu.memory_space<vmem>>, vector<1x16xf32>,
        %swap3A_239 = vector.shape_cast %swap3A_238 : vector<1x16xf32> to vector<16xf32>
        %swap3A_240 = vector.shape_cast %add3A_235 : vector<16xf32> to vector<1x16xf32>
        tpu.vector_store %arg14[%swap3A_236, %swap3A_237], %swap3A_240 {strides = array<i32>} : memref<80x128xf32, #tpu.memory_space<vmem>>, vector<1x16xf32>,
        %get3A_241 = arith.index_cast %scan3A_144 : i32 to index
        %get3A_242 = arith.constant 112 : index
        %get3A_243 = tpu.vector_load %arg11[%get3A_241, %get3A_242] {strides = array<i32>} : memref<80x128xf32, #tpu.memory_space<vmem>>, vector<1x16xf32>,
        %get3A_244 = vector.shape_cast %get3A_243 : vector<1x16xf32> to vector<16xf32>
        %get3A_245 = arith.index_cast %scan3A_144 : i32 to index
        %get3A_246 = arith.constant 112 : index
        %get3A_247 = tpu.vector_load %arg12[%get3A_245, %get3A_246] {strides = array<i32>} : memref<80x128xf32, #tpu.memory_space<vmem>>, vector<1x16xf32>,
        %get3A_248 = vector.shape_cast %get3A_247 : vector<1x16xf32> to vector<16xf32>
        %add3A_249 = arith.addf %get3A_244, %get3A_248 : vector<16xf32>
        %swap3A_250 = arith.index_cast %scan3A_144 : i32 to index
        %swap3A_251 = arith.constant 112 : index
        %swap3A_252 = tpu.vector_load %arg14[%swap3A_250, %swap3A_251] {strides = array<i32>} : memref<80x128xf32, #tpu.memory_space<vmem>>, vector<1x16xf32>,
        %swap3A_253 = vector.shape_cast %swap3A_252 : vector<1x16xf32> to vector<16xf32>
        %swap3A_254 = vector.shape_cast %add3A_249 : vector<16xf32> to vector<1x16xf32>
        tpu.vector_store %arg14[%swap3A_250, %swap3A_251], %swap3A_254 {strides = array<i32>} : memref<80x128xf32, #tpu.memory_space<vmem>>, vector<1x16xf32>,
      }
      %scan3A_135 = arith.constant 80 : i32
      %mul3A_136 = arith.constant 80 : i32
      %mul3A_137 = arith.muli %add3A_129, %mul3A_136 : i32
      %add3A_138 = arith.addi %mul3A_2, %mul3A_137 : i32
      %multiple_of3A_139 = tpu.assume_multiple %add3A_138, 8 : i32
      %dma_start3A_140 = arith.constant 0 : i32
      %dma_start3A_141 = tpu.memref_slice %arg6[%multiple_of3A_139, %dma_start3A_140] : memref<320000x128xf32, #tpu.memory_space<hbm>> -> memref<80x128xf32, #tpu.memory_space<hbm>>
      %dma_start3A_142 = arith.constant 0 : i32
      %dma_start3A_143 = tpu.memref_slice %arg6[%multiple_of3A_139, %dma_start3A_142] : memref<320000x128xf32, #tpu.memory_space<hbm>> -> memref<80x128xf32, #tpu.memory_space<hbm>>
      tpu.enqueue_dma source(%arg14 : memref<80x128xf32, #tpu.memory_space<vmem>>) target(%dma_start3A_143 : memref<80x128xf32, #tpu.memory_space<hbm>>) target_semaphore(%arg20 : memref<!tpu.dma_semaphore, #tpu.memory_space<semaphore_mem>>)
    }
    %scan3A_17 = arith.constant 62 : i32
    %dma_wait3A = arith.constant 0 : i32
    %dma_wait3A_18 = tpu.memref_slice %arg7[%dma_wait3A] : memref<10000xi32, #tpu.memory_space<vmem>> -> memref<80xi32, #tpu.memory_space<vmem>>
    %dma_wait3A_19 = arith.constant 0 : i32
    %dma_wait3A_20 = arith.constant 0 : i32
    %dma_wait3A_21 = tpu.memref_slice %arg2[%dma_wait3A_19, %dma_wait3A_20] : memref<10000x128xf32, #tpu.memory_space<hbm>> -> memref<10000x128xf32, #tpu.memory_space<hbm>>
    tpu.wait_indirect_dma semaphore(%arg15 : memref<!tpu.dma_semaphore, #tpu.memory_space<semaphore_mem>>) src(%dma_wait3A_21 : memref<10000x128xf32, #tpu.memory_space<hbm>>) dst(%arg9 : memref<80x128xf32, #tpu.memory_space<vmem>>)
    %dma_wait3A_22 = arith.constant 0 : i32
    %dma_wait3A_23 = tpu.memref_slice %arg7[%dma_wait3A_22] : memref<10000xi32, #tpu.memory_space<vmem>> -> memref<80xi32, #tpu.memory_space<vmem>>
    %dma_wait3A_24 = arith.constant 0 : i32
    %dma_wait3A_25 = arith.constant 0 : i32
    %dma_wait3A_26 = tpu.memref_slice %arg2[%dma_wait3A_24, %dma_wait3A_25] : memref<10000x128xf32, #tpu.memory_space<hbm>> -> memref<10000x128xf32, #tpu.memory_space<hbm>>
    tpu.wait_indirect_dma semaphore(%arg16 : memref<!tpu.dma_semaphore, #tpu.memory_space<semaphore_mem>>) src(%dma_wait3A_26 : memref<10000x128xf32, #tpu.memory_space<hbm>>) dst(%arg10 : memref<80x128xf32, #tpu.memory_space<vmem>>)
    %dma_wait3A_27 = arith.constant 0 : i32
    %dma_wait3A_28 = arith.constant 0 : i32
    %dma_wait3A_29 = tpu.memref_slice %arg6[%dma_wait3A_27, %dma_wait3A_28] : memref<320000x128xf32, #tpu.memory_space<hbm>> -> memref<80x128xf32, #tpu.memory_space<hbm>>
    %dma_wait3A_30 = arith.constant 0 : i32
    %dma_wait3A_31 = arith.constant 0 : i32
    %dma_wait3A_32 = tpu.memref_slice %arg6[%dma_wait3A_30, %dma_wait3A_31] : memref<320000x128xf32, #tpu.memory_space<hbm>> -> memref<80x128xf32, #tpu.memory_space<hbm>>
    tpu.wait_dma2 semaphore(%arg19 : memref<!tpu.dma_semaphore, #tpu.memory_space<semaphore_mem>>) src(%arg13 : memref<80x128xf32, #tpu.memory_space<vmem>>) dst(%dma_wait3A_32 : memref<80x128xf32, #tpu.memory_space<hbm>>)
    %scan3A_33 = arith.constant 0 : i32
    %scan3A_34 = arith.constant 0 : i32
    %scan3A_35 = arith.constant 80 : i32
    %scan3A_36 = arith.addi %scan3A_34, %scan3A_35 : i32
    %scan3A_37 = arith.constant 1 : i32
    scf.for %scan3A_58 = %scan3A_34 to %scan3A_36 step %scan3A_37  : i32 {
      %get3A = arith.index_cast %scan3A_58 : i32 to index
      %get3A_59 = arith.constant 0 : index
      %get3A_60 = tpu.vector_load %arg9[%get3A, %get3A_59] {strides = array<i32>} : memref<80x128xf32, #tpu.memory_space<vmem>>, vector<1x16xf32>,
      %get3A_61 = vector.shape_cast %get3A_60 : vector<1x16xf32> to vector<16xf32>
      %get3A_62 = arith.index_cast %scan3A_58 : i32 to index
      %get3A_63 = arith.constant 0 : index
      %get3A_64 = tpu.vector_load %arg10[%get3A_62, %get3A_63] {strides = array<i32>} : memref<80x128xf32, #tpu.memory_space<vmem>>, vector<1x16xf32>,
      %get3A_65 = vector.shape_cast %get3A_64 : vector<1x16xf32> to vector<16xf32>
      %add3A_66 = arith.addf %get3A_61, %get3A_65 : vector<16xf32>
      %swap3A = arith.index_cast %scan3A_58 : i32 to index
      %swap3A_67 = arith.constant 0 : index
      %swap3A_68 = tpu.vector_load %arg13[%swap3A, %swap3A_67] {strides = array<i32>} : memref<80x128xf32, #tpu.memory_space<vmem>>, vector<1x16xf32>,
      %swap3A_69 = vector.shape_cast %swap3A_68 : vector<1x16xf32> to vector<16xf32>
      %swap3A_70 = vector.shape_cast %add3A_66 : vector<16xf32> to vector<1x16xf32>
      tpu.vector_store %arg13[%swap3A, %swap3A_67], %swap3A_70 {strides = array<i32>} : memref<80x128xf32, #tpu.memory_space<vmem>>, vector<1x16xf32>,
      %get3A_71 = arith.index_cast %scan3A_58 : i32 to index
      %get3A_72 = arith.constant 16 : index
      %get3A_73 = tpu.vector_load %arg9[%get3A_71, %get3A_72] {strides = array<i32>} : memref<80x128xf32, #tpu.memory_space<vmem>>, vector<1x16xf32>,
      %get3A_74 = vector.shape_cast %get3A_73 : vector<1x16xf32> to vector<16xf32>
      %get3A_75 = arith.index_cast %scan3A_58 : i32 to index
      %get3A_76 = arith.constant 16 : index
      %get3A_77 = tpu.vector_load %arg10[%get3A_75, %get3A_76] {strides = array<i32>} : memref<80x128xf32, #tpu.memory_space<vmem>>, vector<1x16xf32>,
      %get3A_78 = vector.shape_cast %get3A_77 : vector<1x16xf32> to vector<16xf32>
      %add3A_79 = arith.addf %get3A_74, %get3A_78 : vector<16xf32>
      %swap3A_80 = arith.index_cast %scan3A_58 : i32 to index
      %swap3A_81 = arith.constant 16 : index
      %swap3A_82 = tpu.vector_load %arg13[%swap3A_80, %swap3A_81] {strides = array<i32>} : memref<80x128xf32, #tpu.memory_space<vmem>>, vector<1x16xf32>,
      %swap3A_83 = vector.shape_cast %swap3A_82 : vector<1x16xf32> to vector<16xf32>
      %swap3A_84 = vector.shape_cast %add3A_79 : vector<16xf32> to vector<1x16xf32>
      tpu.vector_store %arg13[%swap3A_80, %swap3A_81], %swap3A_84 {strides = array<i32>} : memref<80x128xf32, #tpu.memory_space<vmem>>, vector<1x16xf32>,
      %get3A_85 = arith.index_cast %scan3A_58 : i32 to index
      %get3A_86 = arith.constant 32 : index
      %get3A_87 = tpu.vector_load %arg9[%get3A_85, %get3A_86] {strides = array<i32>} : memref<80x128xf32, #tpu.memory_space<vmem>>, vector<1x16xf32>,
      %get3A_88 = vector.shape_cast %get3A_87 : vector<1x16xf32> to vector<16xf32>
      %get3A_89 = arith.index_cast %scan3A_58 : i32 to index
      %get3A_90 = arith.constant 32 : index
      %get3A_91 = tpu.vector_load %arg10[%get3A_89, %get3A_90] {strides = array<i32>} : memref<80x128xf32, #tpu.memory_space<vmem>>, vector<1x16xf32>,
      %get3A_92 = vector.shape_cast %get3A_91 : vector<1x16xf32> to vector<16xf32>
      %add3A_93 = arith.addf %get3A_88, %get3A_92 : vector<16xf32>
      %swap3A_94 = arith.index_cast %scan3A_58 : i32 to index
      %swap3A_95 = arith.constant 32 : index
      %swap3A_96 = tpu.vector_load %arg13[%swap3A_94, %swap3A_95] {strides = array<i32>} : memref<80x128xf32, #tpu.memory_space<vmem>>, vector<1x16xf32>,
      %swap3A_97 = vector.shape_cast %swap3A_96 : vector<1x16xf32> to vector<16xf32>
      %swap3A_98 = vector.shape_cast %add3A_93 : vector<16xf32> to vector<1x16xf32>
      tpu.vector_store %arg13[%swap3A_94, %swap3A_95], %swap3A_98 {strides = array<i32>} : memref<80x128xf32, #tpu.memory_space<vmem>>, vector<1x16xf32>,
      %get3A_99 = arith.index_cast %scan3A_58 : i32 to index
      %get3A_100 = arith.constant 48 : index
      %get3A_101 = tpu.vector_load %arg9[%get3A_99, %get3A_100] {strides = array<i32>} : memref<80x128xf32, #tpu.memory_space<vmem>>, vector<1x16xf32>,
      %get3A_102 = vector.shape_cast %get3A_101 : vector<1x16xf32> to vector<16xf32>
      %get3A_103 = arith.index_cast %scan3A_58 : i32 to index
      %get3A_104 = arith.constant 48 : index
      %get3A_105 = tpu.vector_load %arg10[%get3A_103, %get3A_104] {strides = array<i32>} : memref<80x128xf32, #tpu.memory_space<vmem>>, vector<1x16xf32>,
      %get3A_106 = vector.shape_cast %get3A_105 : vector<1x16xf32> to vector<16xf32>
      %add3A_107 = arith.addf %get3A_102, %get3A_106 : vector<16xf32>
      %swap3A_108 = arith.index_cast %scan3A_58 : i32 to index
      %swap3A_109 = arith.constant 48 : index
      %swap3A_110 = tpu.vector_load %arg13[%swap3A_108, %swap3A_109] {strides = array<i32>} : memref<80x128xf32, #tpu.memory_space<vmem>>, vector<1x16xf32>,
      %swap3A_111 = vector.shape_cast %swap3A_110 : vector<1x16xf32> to vector<16xf32>
      %swap3A_112 = vector.shape_cast %add3A_107 : vector<16xf32> to vector<1x16xf32>
      tpu.vector_store %arg13[%swap3A_108, %swap3A_109], %swap3A_112 {strides = array<i32>} : memref<80x128xf32, #tpu.memory_space<vmem>>, vector<1x16xf32>,
      %get3A_113 = arith.index_cast %scan3A_58 : i32 to index
      %get3A_114 = arith.constant 64 : index
      %get3A_115 = tpu.vector_load %arg9[%get3A_113, %get3A_114] {strides = array<i32>} : memref<80x128xf32, #tpu.memory_space<vmem>>, vector<1x16xf32>,
      %get3A_116 = vector.shape_cast %get3A_115 : vector<1x16xf32> to vector<16xf32>
      %get3A_117 = arith.index_cast %scan3A_58 : i32 to index
      %get3A_118 = arith.constant 64 : index
      %get3A_119 = tpu.vector_load %arg10[%get3A_117, %get3A_118] {strides = array<i32>} : memref<80x128xf32, #tpu.memory_space<vmem>>, vector<1x16xf32>,
      %get3A_120 = vector.shape_cast %get3A_119 : vector<1x16xf32> to vector<16xf32>
      %add3A_121 = arith.addf %get3A_116, %get3A_120 : vector<16xf32>
      %swap3A_122 = arith.index_cast %scan3A_58 : i32 to index
      %swap3A_123 = arith.constant 64 : index
      %swap3A_124 = tpu.vector_load %arg13[%swap3A_122, %swap3A_123] {strides = array<i32>} : memref<80x128xf32, #tpu.memory_space<vmem>>, vector<1x16xf32>,
      %swap3A_125 = vector.shape_cast %swap3A_124 : vector<1x16xf32> to vector<16xf32>
      %swap3A_126 = vector.shape_cast %add3A_121 : vector<16xf32> to vector<1x16xf32>
      tpu.vector_store %arg13[%swap3A_122, %swap3A_123], %swap3A_126 {strides = array<i32>} : memref<80x128xf32, #tpu.memory_space<vmem>>, vector<1x16xf32>,
      %get3A_127 = arith.index_cast %scan3A_58 : i32 to index
      %get3A_128 = arith.constant 80 : index
      %get3A_129 = tpu.vector_load %arg9[%get3A_127, %get3A_128] {strides = array<i32>} : memref<80x128xf32, #tpu.memory_space<vmem>>, vector<1x16xf32>,
      %get3A_130 = vector.shape_cast %get3A_129 : vector<1x16xf32> to vector<16xf32>
      %get3A_131 = arith.index_cast %scan3A_58 : i32 to index
      %get3A_132 = arith.constant 80 : index
      %get3A_133 = tpu.vector_load %arg10[%get3A_131, %get3A_132] {strides = array<i32>} : memref<80x128xf32, #tpu.memory_space<vmem>>, vector<1x16xf32>,
      %get3A_134 = vector.shape_cast %get3A_133 : vector<1x16xf32> to vector<16xf32>
      %add3A_135 = arith.addf %get3A_130, %get3A_134 : vector<16xf32>
      %swap3A_136 = arith.index_cast %scan3A_58 : i32 to index
      %swap3A_137 = arith.constant 80 : index
      %swap3A_138 = tpu.vector_load %arg13[%swap3A_136, %swap3A_137] {strides = array<i32>} : memref<80x128xf32, #tpu.memory_space<vmem>>, vector<1x16xf32>,
      %swap3A_139 = vector.shape_cast %swap3A_138 : vector<1x16xf32> to vector<16xf32>
      %swap3A_140 = vector.shape_cast %add3A_135 : vector<16xf32> to vector<1x16xf32>
      tpu.vector_store %arg13[%swap3A_136, %swap3A_137], %swap3A_140 {strides = array<i32>} : memref<80x128xf32, #tpu.memory_space<vmem>>, vector<1x16xf32>,
      %get3A_141 = arith.index_cast %scan3A_58 : i32 to index
      %get3A_142 = arith.constant 96 : index
      %get3A_143 = tpu.vector_load %arg9[%get3A_141, %get3A_142] {strides = array<i32>} : memref<80x128xf32, #tpu.memory_space<vmem>>, vector<1x16xf32>,
      %get3A_144 = vector.shape_cast %get3A_143 : vector<1x16xf32> to vector<16xf32>
      %get3A_145 = arith.index_cast %scan3A_58 : i32 to index
      %get3A_146 = arith.constant 96 : index
      %get3A_147 = tpu.vector_load %arg10[%get3A_145, %get3A_146] {strides = array<i32>} : memref<80x128xf32, #tpu.memory_space<vmem>>, vector<1x16xf32>,
      %get3A_148 = vector.shape_cast %get3A_147 : vector<1x16xf32> to vector<16xf32>
      %add3A_149 = arith.addf %get3A_144, %get3A_148 : vector<16xf32>
      %swap3A_150 = arith.index_cast %scan3A_58 : i32 to index
      %swap3A_151 = arith.constant 96 : index
      %swap3A_152 = tpu.vector_load %arg13[%swap3A_150, %swap3A_151] {strides = array<i32>} : memref<80x128xf32, #tpu.memory_space<vmem>>, vector<1x16xf32>,
      %swap3A_153 = vector.shape_cast %swap3A_152 : vector<1x16xf32> to vector<16xf32>
      %swap3A_154 = vector.shape_cast %add3A_149 : vector<16xf32> to vector<1x16xf32>
      tpu.vector_store %arg13[%swap3A_150, %swap3A_151], %swap3A_154 {strides = array<i32>} : memref<80x128xf32, #tpu.memory_space<vmem>>, vector<1x16xf32>,
      %get3A_155 = arith.index_cast %scan3A_58 : i32 to index
      %get3A_156 = arith.constant 112 : index
      %get3A_157 = tpu.vector_load %arg9[%get3A_155, %get3A_156] {strides = array<i32>} : memref<80x128xf32, #tpu.memory_space<vmem>>, vector<1x16xf32>,
      %get3A_158 = vector.shape_cast %get3A_157 : vector<1x16xf32> to vector<16xf32>
      %get3A_159 = arith.index_cast %scan3A_58 : i32 to index
      %get3A_160 = arith.constant 112 : index
      %get3A_161 = tpu.vector_load %arg10[%get3A_159, %get3A_160] {strides = array<i32>} : memref<80x128xf32, #tpu.memory_space<vmem>>, vector<1x16xf32>,
      %get3A_162 = vector.shape_cast %get3A_161 : vector<1x16xf32> to vector<16xf32>
      %add3A_163 = arith.addf %get3A_158, %get3A_162 : vector<16xf32>
      %swap3A_164 = arith.index_cast %scan3A_58 : i32 to index
      %swap3A_165 = arith.constant 112 : index
      %swap3A_166 = tpu.vector_load %arg13[%swap3A_164, %swap3A_165] {strides = array<i32>} : memref<80x128xf32, #tpu.memory_space<vmem>>, vector<1x16xf32>,
      %swap3A_167 = vector.shape_cast %swap3A_166 : vector<1x16xf32> to vector<16xf32>
      %swap3A_168 = vector.shape_cast %add3A_163 : vector<16xf32> to vector<1x16xf32>
      tpu.vector_store %arg13[%swap3A_164, %swap3A_165], %swap3A_168 {strides = array<i32>} : memref<80x128xf32, #tpu.memory_space<vmem>>, vector<1x16xf32>,
    }
    %scan3A_38 = arith.constant 80 : i32
    %add3A_39 = arith.constant 9920 : i32
    %add3A_40 = arith.addi %mul3A_2, %add3A_39 : i32
    %multiple_of3A_41 = tpu.assume_multiple %add3A_40, 8 : i32
    %dma_start3A_42 = arith.constant 0 : i32
    %dma_start3A_43 = tpu.memref_slice %arg6[%multiple_of3A_41, %dma_start3A_42] : memref<320000x128xf32, #tpu.memory_space<hbm>> -> memref<80x128xf32, #tpu.memory_space<hbm>>
    %dma_start3A_44 = arith.constant 0 : i32
    %dma_start3A_45 = tpu.memref_slice %arg6[%multiple_of3A_41, %dma_start3A_44] : memref<320000x128xf32, #tpu.memory_space<hbm>> -> memref<80x128xf32, #tpu.memory_space<hbm>>
    tpu.enqueue_dma source(%arg13 : memref<80x128xf32, #tpu.memory_space<vmem>>) target(%dma_start3A_45 : memref<80x128xf32, #tpu.memory_space<hbm>>) target_semaphore(%arg19 : memref<!tpu.dma_semaphore, #tpu.memory_space<semaphore_mem>>)
    %dma_wait3A_46 = arith.constant 0 : i32
    %dma_wait3A_47 = arith.constant 0 : i32
    %dma_wait3A_48 = tpu.memref_slice %arg6[%dma_wait3A_46, %dma_wait3A_47] : memref<320000x128xf32, #tpu.memory_space<hbm>> -> memref<80x128xf32, #tpu.memory_space<hbm>>
    %dma_wait3A_49 = arith.constant 0 : i32
    %dma_wait3A_50 = arith.constant 0 : i32
    %dma_wait3A_51 = tpu.memref_slice %arg6[%dma_wait3A_49, %dma_wait3A_50] : memref<320000x128xf32, #tpu.memory_space<hbm>> -> memref<80x128xf32, #tpu.memory_space<hbm>>
    tpu.wait_dma2 semaphore(%arg19 : memref<!tpu.dma_semaphore, #tpu.memory_space<semaphore_mem>>) src(%arg13 : memref<80x128xf32, #tpu.memory_space<vmem>>) dst(%dma_wait3A_51 : memref<80x128xf32, #tpu.memory_space<hbm>>)
    %dma_wait3A_52 = arith.constant 0 : i32
    %dma_wait3A_53 = arith.constant 0 : i32
    %dma_wait3A_54 = tpu.memref_slice %arg6[%dma_wait3A_52, %dma_wait3A_53] : memref<320000x128xf32, #tpu.memory_space<hbm>> -> memref<80x128xf32, #tpu.memory_space<hbm>>
    %dma_wait3A_55 = arith.constant 0 : i32
    %dma_wait3A_56 = arith.constant 0 : i32
    %dma_wait3A_57 = tpu.memref_slice %arg6[%dma_wait3A_55, %dma_wait3A_56] : memref<320000x128xf32, #tpu.memory_space<hbm>> -> memref<80x128xf32, #tpu.memory_space<hbm>>
    tpu.wait_dma2 semaphore(%arg20 : memref<!tpu.dma_semaphore, #tpu.memory_space<semaphore_mem>>) src(%arg14 : memref<80x128xf32, #tpu.memory_space<vmem>>) dst(%dma_wait3A_57 : memref<80x128xf32, #tpu.memory_space<hbm>>)
    return
  }
}

#map = affine_map<(d0, d1) -> (0, 0, 0)>
#map1 = affine_map<(d0, d1) -> (0, 0)>
module attributes {stable_mosaic.version = 14 : i64} {
  func.func @_p2c_body(%arg0: i32, %arg1: i32, %arg2: memref<32x125x80xi32, #tpu.memory_space<hbm>>, %arg3: memref<20480x128xf32, #tpu.memory_space<hbm>>, %arg4: memref<125x80xi32, #tpu.memory_space<vmem>>, %arg5: memref<80x128xf32, #tpu.memory_space<vmem>>, %arg6: memref<128x128xf32, #tpu.memory_space<vmem>>, %arg7: memref<10240x128xf32, #tpu.memory_space<vmem_shared>>) attributes {dimension_semantics = [#tpu.dimension_semantics<core_parallel>, #tpu.dimension_semantics<subcore_parallel>], iteration_bounds = array<i64: 2, 16>, scalar_prefetch = 0 : i64, scratch_operands = 4 : i64, tpu.core_type = #tpu.core_type<sc_vector_subcore>, window_params = [{transform_indices = #map}, {transform_indices = #map1}]} {
    %mul3A = arith.constant 16 : i32
    %mul3A_0 = arith.muli %arg0, %mul3A : i32
    %add3A = arith.addi %mul3A_0, %arg1 : i32
    %scan3A = arith.constant 0 : i32
    %scan3A_1 = arith.constant 0 : i32
    %scan3A_2 = arith.constant 80 : i32
    %scan3A_3 = arith.addi %scan3A_1, %scan3A_2 : i32
    %scan3A_4 = arith.constant 1 : i32
    scf.for %scan3A_88 = %scan3A_1 to %scan3A_3 step %scan3A_4  : i32 {
      %broadcast_in_dim3A = arith.constant 1.000000e+00 : f32
      %broadcast_in_dim3A_89 = vector.broadcast %broadcast_in_dim3A : f32 to vector<16xf32>
      %swap3A = arith.index_cast %scan3A_88 : i32 to index
      %swap3A_90 = arith.constant 0 : index
      %swap3A_91 = tpu.vector_load %arg5[%swap3A, %swap3A_90] {strides = array<i32>} : memref<80x128xf32, #tpu.memory_space<vmem>>, vector<1x16xf32>,
      %swap3A_92 = vector.shape_cast %swap3A_91 : vector<1x16xf32> to vector<16xf32>
      %swap3A_93 = vector.shape_cast %broadcast_in_dim3A_89 : vector<16xf32> to vector<1x16xf32>
      tpu.vector_store %arg5[%swap3A, %swap3A_90], %swap3A_93 {strides = array<i32>} : memref<80x128xf32, #tpu.memory_space<vmem>>, vector<1x16xf32>,
      %broadcast_in_dim3A_94 = arith.constant 1.000000e+00 : f32
      %broadcast_in_dim3A_95 = vector.broadcast %broadcast_in_dim3A_94 : f32 to vector<16xf32>
      %swap3A_96 = arith.index_cast %scan3A_88 : i32 to index
      %swap3A_97 = arith.constant 16 : index
      %swap3A_98 = tpu.vector_load %arg5[%swap3A_96, %swap3A_97] {strides = array<i32>} : memref<80x128xf32, #tpu.memory_space<vmem>>, vector<1x16xf32>,
      %swap3A_99 = vector.shape_cast %swap3A_98 : vector<1x16xf32> to vector<16xf32>
      %swap3A_100 = vector.shape_cast %broadcast_in_dim3A_95 : vector<16xf32> to vector<1x16xf32>
      tpu.vector_store %arg5[%swap3A_96, %swap3A_97], %swap3A_100 {strides = array<i32>} : memref<80x128xf32, #tpu.memory_space<vmem>>, vector<1x16xf32>,
      %broadcast_in_dim3A_101 = arith.constant 1.000000e+00 : f32
      %broadcast_in_dim3A_102 = vector.broadcast %broadcast_in_dim3A_101 : f32 to vector<16xf32>
      %swap3A_103 = arith.index_cast %scan3A_88 : i32 to index
      %swap3A_104 = arith.constant 32 : index
      %swap3A_105 = tpu.vector_load %arg5[%swap3A_103, %swap3A_104] {strides = array<i32>} : memref<80x128xf32, #tpu.memory_space<vmem>>, vector<1x16xf32>,
      %swap3A_106 = vector.shape_cast %swap3A_105 : vector<1x16xf32> to vector<16xf32>
      %swap3A_107 = vector.shape_cast %broadcast_in_dim3A_102 : vector<16xf32> to vector<1x16xf32>
      tpu.vector_store %arg5[%swap3A_103, %swap3A_104], %swap3A_107 {strides = array<i32>} : memref<80x128xf32, #tpu.memory_space<vmem>>, vector<1x16xf32>,
      %broadcast_in_dim3A_108 = arith.constant 1.000000e+00 : f32
      %broadcast_in_dim3A_109 = vector.broadcast %broadcast_in_dim3A_108 : f32 to vector<16xf32>
      %swap3A_110 = arith.index_cast %scan3A_88 : i32 to index
      %swap3A_111 = arith.constant 48 : index
      %swap3A_112 = tpu.vector_load %arg5[%swap3A_110, %swap3A_111] {strides = array<i32>} : memref<80x128xf32, #tpu.memory_space<vmem>>, vector<1x16xf32>,
      %swap3A_113 = vector.shape_cast %swap3A_112 : vector<1x16xf32> to vector<16xf32>
      %swap3A_114 = vector.shape_cast %broadcast_in_dim3A_109 : vector<16xf32> to vector<1x16xf32>
      tpu.vector_store %arg5[%swap3A_110, %swap3A_111], %swap3A_114 {strides = array<i32>} : memref<80x128xf32, #tpu.memory_space<vmem>>, vector<1x16xf32>,
      %broadcast_in_dim3A_115 = arith.constant 1.000000e+00 : f32
      %broadcast_in_dim3A_116 = vector.broadcast %broadcast_in_dim3A_115 : f32 to vector<16xf32>
      %swap3A_117 = arith.index_cast %scan3A_88 : i32 to index
      %swap3A_118 = arith.constant 64 : index
      %swap3A_119 = tpu.vector_load %arg5[%swap3A_117, %swap3A_118] {strides = array<i32>} : memref<80x128xf32, #tpu.memory_space<vmem>>, vector<1x16xf32>,
      %swap3A_120 = vector.shape_cast %swap3A_119 : vector<1x16xf32> to vector<16xf32>
      %swap3A_121 = vector.shape_cast %broadcast_in_dim3A_116 : vector<16xf32> to vector<1x16xf32>
      tpu.vector_store %arg5[%swap3A_117, %swap3A_118], %swap3A_121 {strides = array<i32>} : memref<80x128xf32, #tpu.memory_space<vmem>>, vector<1x16xf32>,
      %broadcast_in_dim3A_122 = arith.constant 1.000000e+00 : f32
      %broadcast_in_dim3A_123 = vector.broadcast %broadcast_in_dim3A_122 : f32 to vector<16xf32>
      %swap3A_124 = arith.index_cast %scan3A_88 : i32 to index
      %swap3A_125 = arith.constant 80 : index
      %swap3A_126 = tpu.vector_load %arg5[%swap3A_124, %swap3A_125] {strides = array<i32>} : memref<80x128xf32, #tpu.memory_space<vmem>>, vector<1x16xf32>,
      %swap3A_127 = vector.shape_cast %swap3A_126 : vector<1x16xf32> to vector<16xf32>
      %swap3A_128 = vector.shape_cast %broadcast_in_dim3A_123 : vector<16xf32> to vector<1x16xf32>
      tpu.vector_store %arg5[%swap3A_124, %swap3A_125], %swap3A_128 {strides = array<i32>} : memref<80x128xf32, #tpu.memory_space<vmem>>, vector<1x16xf32>,
      %broadcast_in_dim3A_129 = arith.constant 1.000000e+00 : f32
      %broadcast_in_dim3A_130 = vector.broadcast %broadcast_in_dim3A_129 : f32 to vector<16xf32>
      %swap3A_131 = arith.index_cast %scan3A_88 : i32 to index
      %swap3A_132 = arith.constant 96 : index
      %swap3A_133 = tpu.vector_load %arg5[%swap3A_131, %swap3A_132] {strides = array<i32>} : memref<80x128xf32, #tpu.memory_space<vmem>>, vector<1x16xf32>,
      %swap3A_134 = vector.shape_cast %swap3A_133 : vector<1x16xf32> to vector<16xf32>
      %swap3A_135 = vector.shape_cast %broadcast_in_dim3A_130 : vector<16xf32> to vector<1x16xf32>
      tpu.vector_store %arg5[%swap3A_131, %swap3A_132], %swap3A_135 {strides = array<i32>} : memref<80x128xf32, #tpu.memory_space<vmem>>, vector<1x16xf32>,
      %broadcast_in_dim3A_136 = arith.constant 1.000000e+00 : f32
      %broadcast_in_dim3A_137 = vector.broadcast %broadcast_in_dim3A_136 : f32 to vector<16xf32>
      %swap3A_138 = arith.index_cast %scan3A_88 : i32 to index
      %swap3A_139 = arith.constant 112 : index
      %swap3A_140 = tpu.vector_load %arg5[%swap3A_138, %swap3A_139] {strides = array<i32>} : memref<80x128xf32, #tpu.memory_space<vmem>>, vector<1x16xf32>,
      %swap3A_141 = vector.shape_cast %swap3A_140 : vector<1x16xf32> to vector<16xf32>
      %swap3A_142 = vector.shape_cast %broadcast_in_dim3A_137 : vector<16xf32> to vector<1x16xf32>
      tpu.vector_store %arg5[%swap3A_138, %swap3A_139], %swap3A_142 {strides = array<i32>} : memref<80x128xf32, #tpu.memory_space<vmem>>, vector<1x16xf32>,
    }
    %scan3A_5 = arith.constant 80 : i32
    %scan3A_6 = arith.constant 0 : i32
    %scan3A_7 = arith.constant 0 : i32
    %scan3A_8 = arith.constant 128 : i32
    %scan3A_9 = arith.addi %scan3A_7, %scan3A_8 : i32
    %scan3A_10 = arith.constant 1 : i32
    scf.for %scan3A_88 = %scan3A_7 to %scan3A_9 step %scan3A_10  : i32 {
      %broadcast_in_dim3A = arith.constant 0.000000e+00 : f32
      %broadcast_in_dim3A_89 = vector.broadcast %broadcast_in_dim3A : f32 to vector<16xf32>
      %swap3A = arith.index_cast %scan3A_88 : i32 to index
      %swap3A_90 = arith.constant 0 : index
      %swap3A_91 = tpu.vector_load %arg6[%swap3A, %swap3A_90] {strides = array<i32>} : memref<128x128xf32, #tpu.memory_space<vmem>>, vector<1x16xf32>,
      %swap3A_92 = vector.shape_cast %swap3A_91 : vector<1x16xf32> to vector<16xf32>
      %swap3A_93 = vector.shape_cast %broadcast_in_dim3A_89 : vector<16xf32> to vector<1x16xf32>
      tpu.vector_store %arg6[%swap3A, %swap3A_90], %swap3A_93 {strides = array<i32>} : memref<128x128xf32, #tpu.memory_space<vmem>>, vector<1x16xf32>,
      %broadcast_in_dim3A_94 = arith.constant 0.000000e+00 : f32
      %broadcast_in_dim3A_95 = vector.broadcast %broadcast_in_dim3A_94 : f32 to vector<16xf32>
      %swap3A_96 = arith.index_cast %scan3A_88 : i32 to index
      %swap3A_97 = arith.constant 16 : index
      %swap3A_98 = tpu.vector_load %arg6[%swap3A_96, %swap3A_97] {strides = array<i32>} : memref<128x128xf32, #tpu.memory_space<vmem>>, vector<1x16xf32>,
      %swap3A_99 = vector.shape_cast %swap3A_98 : vector<1x16xf32> to vector<16xf32>
      %swap3A_100 = vector.shape_cast %broadcast_in_dim3A_95 : vector<16xf32> to vector<1x16xf32>
      tpu.vector_store %arg6[%swap3A_96, %swap3A_97], %swap3A_100 {strides = array<i32>} : memref<128x128xf32, #tpu.memory_space<vmem>>, vector<1x16xf32>,
      %broadcast_in_dim3A_101 = arith.constant 0.000000e+00 : f32
      %broadcast_in_dim3A_102 = vector.broadcast %broadcast_in_dim3A_101 : f32 to vector<16xf32>
      %swap3A_103 = arith.index_cast %scan3A_88 : i32 to index
      %swap3A_104 = arith.constant 32 : index
      %swap3A_105 = tpu.vector_load %arg6[%swap3A_103, %swap3A_104] {strides = array<i32>} : memref<128x128xf32, #tpu.memory_space<vmem>>, vector<1x16xf32>,
      %swap3A_106 = vector.shape_cast %swap3A_105 : vector<1x16xf32> to vector<16xf32>
      %swap3A_107 = vector.shape_cast %broadcast_in_dim3A_102 : vector<16xf32> to vector<1x16xf32>
      tpu.vector_store %arg6[%swap3A_103, %swap3A_104], %swap3A_107 {strides = array<i32>} : memref<128x128xf32, #tpu.memory_space<vmem>>, vector<1x16xf32>,
      %broadcast_in_dim3A_108 = arith.constant 0.000000e+00 : f32
      %broadcast_in_dim3A_109 = vector.broadcast %broadcast_in_dim3A_108 : f32 to vector<16xf32>
      %swap3A_110 = arith.index_cast %scan3A_88 : i32 to index
      %swap3A_111 = arith.constant 48 : index
      %swap3A_112 = tpu.vector_load %arg6[%swap3A_110, %swap3A_111] {strides = array<i32>} : memref<128x128xf32, #tpu.memory_space<vmem>>, vector<1x16xf32>,
      %swap3A_113 = vector.shape_cast %swap3A_112 : vector<1x16xf32> to vector<16xf32>
      %swap3A_114 = vector.shape_cast %broadcast_in_dim3A_109 : vector<16xf32> to vector<1x16xf32>
      tpu.vector_store %arg6[%swap3A_110, %swap3A_111], %swap3A_114 {strides = array<i32>} : memref<128x128xf32, #tpu.memory_space<vmem>>, vector<1x16xf32>,
      %broadcast_in_dim3A_115 = arith.constant 0.000000e+00 : f32
      %broadcast_in_dim3A_116 = vector.broadcast %broadcast_in_dim3A_115 : f32 to vector<16xf32>
      %swap3A_117 = arith.index_cast %scan3A_88 : i32 to index
      %swap3A_118 = arith.constant 64 : index
      %swap3A_119 = tpu.vector_load %arg6[%swap3A_117, %swap3A_118] {strides = array<i32>} : memref<128x128xf32, #tpu.memory_space<vmem>>, vector<1x16xf32>,
      %swap3A_120 = vector.shape_cast %swap3A_119 : vector<1x16xf32> to vector<16xf32>
      %swap3A_121 = vector.shape_cast %broadcast_in_dim3A_116 : vector<16xf32> to vector<1x16xf32>
      tpu.vector_store %arg6[%swap3A_117, %swap3A_118], %swap3A_121 {strides = array<i32>} : memref<128x128xf32, #tpu.memory_space<vmem>>, vector<1x16xf32>,
      %broadcast_in_dim3A_122 = arith.constant 0.000000e+00 : f32
      %broadcast_in_dim3A_123 = vector.broadcast %broadcast_in_dim3A_122 : f32 to vector<16xf32>
      %swap3A_124 = arith.index_cast %scan3A_88 : i32 to index
      %swap3A_125 = arith.constant 80 : index
      %swap3A_126 = tpu.vector_load %arg6[%swap3A_124, %swap3A_125] {strides = array<i32>} : memref<128x128xf32, #tpu.memory_space<vmem>>, vector<1x16xf32>,
      %swap3A_127 = vector.shape_cast %swap3A_126 : vector<1x16xf32> to vector<16xf32>
      %swap3A_128 = vector.shape_cast %broadcast_in_dim3A_123 : vector<16xf32> to vector<1x16xf32>
      tpu.vector_store %arg6[%swap3A_124, %swap3A_125], %swap3A_128 {strides = array<i32>} : memref<128x128xf32, #tpu.memory_space<vmem>>, vector<1x16xf32>,
      %broadcast_in_dim3A_129 = arith.constant 0.000000e+00 : f32
      %broadcast_in_dim3A_130 = vector.broadcast %broadcast_in_dim3A_129 : f32 to vector<16xf32>
      %swap3A_131 = arith.index_cast %scan3A_88 : i32 to index
      %swap3A_132 = arith.constant 96 : index
      %swap3A_133 = tpu.vector_load %arg6[%swap3A_131, %swap3A_132] {strides = array<i32>} : memref<128x128xf32, #tpu.memory_space<vmem>>, vector<1x16xf32>,
      %swap3A_134 = vector.shape_cast %swap3A_133 : vector<1x16xf32> to vector<16xf32>
      %swap3A_135 = vector.shape_cast %broadcast_in_dim3A_130 : vector<16xf32> to vector<1x16xf32>
      tpu.vector_store %arg6[%swap3A_131, %swap3A_132], %swap3A_135 {strides = array<i32>} : memref<128x128xf32, #tpu.memory_space<vmem>>, vector<1x16xf32>,
      %broadcast_in_dim3A_136 = arith.constant 0.000000e+00 : f32
      %broadcast_in_dim3A_137 = vector.broadcast %broadcast_in_dim3A_136 : f32 to vector<16xf32>
      %swap3A_138 = arith.index_cast %scan3A_88 : i32 to index
      %swap3A_139 = arith.constant 112 : index
      %swap3A_140 = tpu.vector_load %arg6[%swap3A_138, %swap3A_139] {strides = array<i32>} : memref<128x128xf32, #tpu.memory_space<vmem>>, vector<1x16xf32>,
      %swap3A_141 = vector.shape_cast %swap3A_140 : vector<1x16xf32> to vector<16xf32>
      %swap3A_142 = vector.shape_cast %broadcast_in_dim3A_137 : vector<16xf32> to vector<1x16xf32>
      tpu.vector_store %arg6[%swap3A_138, %swap3A_139], %swap3A_142 {strides = array<i32>} : memref<128x128xf32, #tpu.memory_space<vmem>>, vector<1x16xf32>,
    }
    %scan3A_11 = arith.constant 128 : i32
    "tpu.region"() ({
      %run_scoped3A = tpu.sem_alloc : memref<!tpu.dma_semaphore, #tpu.memory_space<semaphore_mem>>
      %dma_start3A = arith.constant 0 : i32
      %dma_start3A_88 = arith.constant 0 : i32
      %dma_start3A_89 = tpu.memref_slice %arg2[%add3A, %dma_start3A, %dma_start3A_88] : memref<32x125x80xi32, #tpu.memory_space<hbm>> -> memref<1x125x80xi32, #tpu.memory_space<hbm>>
      %dma_start3A_90 = tpu.memref_squeeze %dma_start3A_89 : memref<1x125x80xi32, #tpu.memory_space<hbm>> -> memref<125x80xi32, #tpu.memory_space<hbm>>
      %dma_start3A_91 = arith.constant 0 : i32
      %dma_start3A_92 = arith.constant 0 : i32
      %dma_start3A_93 = tpu.memref_slice %arg2[%add3A, %dma_start3A_91, %dma_start3A_92] : memref<32x125x80xi32, #tpu.memory_space<hbm>> -> memref<1x125x80xi32, #tpu.memory_space<hbm>>
      %dma_start3A_94 = tpu.memref_squeeze %dma_start3A_93 : memref<1x125x80xi32, #tpu.memory_space<hbm>> -> memref<125x80xi32, #tpu.memory_space<hbm>>
      tpu.enqueue_dma source(%dma_start3A_94 : memref<125x80xi32, #tpu.memory_space<hbm>>) target(%arg4 : memref<125x80xi32, #tpu.memory_space<vmem>>) target_semaphore(%run_scoped3A : memref<!tpu.dma_semaphore, #tpu.memory_space<semaphore_mem>>)
      %dma_wait3A = arith.constant 0 : i32
      %dma_wait3A_95 = arith.constant 0 : i32
      %dma_wait3A_96 = tpu.memref_slice %arg2[%add3A, %dma_wait3A, %dma_wait3A_95] : memref<32x125x80xi32, #tpu.memory_space<hbm>> -> memref<1x125x80xi32, #tpu.memory_space<hbm>>
      %dma_wait3A_97 = tpu.memref_squeeze %dma_wait3A_96 : memref<1x125x80xi32, #tpu.memory_space<hbm>> -> memref<125x80xi32, #tpu.memory_space<hbm>>
      %dma_wait3A_98 = arith.constant 0 : i32
      %dma_wait3A_99 = arith.constant 0 : i32
      %dma_wait3A_100 = tpu.memref_slice %arg2[%add3A, %dma_wait3A_98, %dma_wait3A_99] : memref<32x125x80xi32, #tpu.memory_space<hbm>> -> memref<1x125x80xi32, #tpu.memory_space<hbm>>
      %dma_wait3A_101 = tpu.memref_squeeze %dma_wait3A_100 : memref<1x125x80xi32, #tpu.memory_space<hbm>> -> memref<125x80xi32, #tpu.memory_space<hbm>>
      tpu.wait_dma2 semaphore(%run_scoped3A : memref<!tpu.dma_semaphore, #tpu.memory_space<semaphore_mem>>) src(%dma_wait3A_101 : memref<125x80xi32, #tpu.memory_space<hbm>>) dst(%arg4 : memref<125x80xi32, #tpu.memory_space<vmem>>)
      tpu.yield
    }) : () -> ()
    %mul3A_12 = arith.constant 640 : i32
    %mul3A_13 = arith.muli %arg1, %mul3A_12 : i32
    %add3A_14 = arith.constant 0 : i32
    %add3A_15 = arith.addi %mul3A_13, %add3A_14 : i32
    %multiple_of3A = tpu.assume_multiple %add3A_15, 8 : i32
    "tpu.region"() ({
      %run_scoped3A = tpu.sem_alloc : memref<!tpu.dma_semaphore, #tpu.memory_space<semaphore_mem>>
      %dma_start3A = arith.constant 0 : i32
      %dma_start3A_88 = tpu.memref_slice %arg7[%multiple_of3A, %dma_start3A] : memref<10240x128xf32, #tpu.memory_space<vmem_shared>> -> memref<128x128xf32, #tpu.memory_space<vmem_shared>>
      %dma_start3A_89 = arith.constant 0 : i32
      %dma_start3A_90 = tpu.memref_slice %arg7[%multiple_of3A, %dma_start3A_89] : memref<10240x128xf32, #tpu.memory_space<vmem_shared>> -> memref<128x128xf32, #tpu.memory_space<vmem_shared>>
      tpu.enqueue_dma source(%arg6 : memref<128x128xf32, #tpu.memory_space<vmem>>) target(%dma_start3A_90 : memref<128x128xf32, #tpu.memory_space<vmem_shared>>) target_semaphore(%run_scoped3A : memref<!tpu.dma_semaphore, #tpu.memory_space<semaphore_mem>>)
      %dma_wait3A = arith.constant 0 : i32
      %dma_wait3A_91 = tpu.memref_slice %arg7[%multiple_of3A, %dma_wait3A] : memref<10240x128xf32, #tpu.memory_space<vmem_shared>> -> memref<128x128xf32, #tpu.memory_space<vmem_shared>>
      %dma_wait3A_92 = arith.constant 0 : i32
      %dma_wait3A_93 = tpu.memref_slice %arg7[%multiple_of3A, %dma_wait3A_92] : memref<10240x128xf32, #tpu.memory_space<vmem_shared>> -> memref<128x128xf32, #tpu.memory_space<vmem_shared>>
      tpu.wait_dma2 semaphore(%run_scoped3A : memref<!tpu.dma_semaphore, #tpu.memory_space<semaphore_mem>>) src(%arg6 : memref<128x128xf32, #tpu.memory_space<vmem>>) dst(%dma_wait3A_93 : memref<128x128xf32, #tpu.memory_space<vmem_shared>>)
      tpu.yield
    }) : () -> ()
    %mul3A_16 = arith.constant 640 : i32
    %mul3A_17 = arith.muli %arg1, %mul3A_16 : i32
    %add3A_18 = arith.constant 128 : i32
    %add3A_19 = arith.addi %mul3A_17, %add3A_18 : i32
    %multiple_of3A_20 = tpu.assume_multiple %add3A_19, 8 : i32
    "tpu.region"() ({
      %run_scoped3A = tpu.sem_alloc : memref<!tpu.dma_semaphore, #tpu.memory_space<semaphore_mem>>
      %dma_start3A = arith.constant 0 : i32
      %dma_start3A_88 = tpu.memref_slice %arg7[%multiple_of3A_20, %dma_start3A] : memref<10240x128xf32, #tpu.memory_space<vmem_shared>> -> memref<128x128xf32, #tpu.memory_space<vmem_shared>>
      %dma_start3A_89 = arith.constant 0 : i32
      %dma_start3A_90 = tpu.memref_slice %arg7[%multiple_of3A_20, %dma_start3A_89] : memref<10240x128xf32, #tpu.memory_space<vmem_shared>> -> memref<128x128xf32, #tpu.memory_space<vmem_shared>>
      tpu.enqueue_dma source(%arg6 : memref<128x128xf32, #tpu.memory_space<vmem>>) target(%dma_start3A_90 : memref<128x128xf32, #tpu.memory_space<vmem_shared>>) target_semaphore(%run_scoped3A : memref<!tpu.dma_semaphore, #tpu.memory_space<semaphore_mem>>)
      %dma_wait3A = arith.constant 0 : i32
      %dma_wait3A_91 = tpu.memref_slice %arg7[%multiple_of3A_20, %dma_wait3A] : memref<10240x128xf32, #tpu.memory_space<vmem_shared>> -> memref<128x128xf32, #tpu.memory_space<vmem_shared>>
      %dma_wait3A_92 = arith.constant 0 : i32
      %dma_wait3A_93 = tpu.memref_slice %arg7[%multiple_of3A_20, %dma_wait3A_92] : memref<10240x128xf32, #tpu.memory_space<vmem_shared>> -> memref<128x128xf32, #tpu.memory_space<vmem_shared>>
      tpu.wait_dma2 semaphore(%run_scoped3A : memref<!tpu.dma_semaphore, #tpu.memory_space<semaphore_mem>>) src(%arg6 : memref<128x128xf32, #tpu.memory_space<vmem>>) dst(%dma_wait3A_93 : memref<128x128xf32, #tpu.memory_space<vmem_shared>>)
      tpu.yield
    }) : () -> ()
    %mul3A_21 = arith.constant 640 : i32
    %mul3A_22 = arith.muli %arg1, %mul3A_21 : i32
    %add3A_23 = arith.constant 256 : i32
    %add3A_24 = arith.addi %mul3A_22, %add3A_23 : i32
    %multiple_of3A_25 = tpu.assume_multiple %add3A_24, 8 : i32
    "tpu.region"() ({
      %run_scoped3A = tpu.sem_alloc : memref<!tpu.dma_semaphore, #tpu.memory_space<semaphore_mem>>
      %dma_start3A = arith.constant 0 : i32
      %dma_start3A_88 = tpu.memref_slice %arg7[%multiple_of3A_25, %dma_start3A] : memref<10240x128xf32, #tpu.memory_space<vmem_shared>> -> memref<128x128xf32, #tpu.memory_space<vmem_shared>>
      %dma_start3A_89 = arith.constant 0 : i32
      %dma_start3A_90 = tpu.memref_slice %arg7[%multiple_of3A_25, %dma_start3A_89] : memref<10240x128xf32, #tpu.memory_space<vmem_shared>> -> memref<128x128xf32, #tpu.memory_space<vmem_shared>>
      tpu.enqueue_dma source(%arg6 : memref<128x128xf32, #tpu.memory_space<vmem>>) target(%dma_start3A_90 : memref<128x128xf32, #tpu.memory_space<vmem_shared>>) target_semaphore(%run_scoped3A : memref<!tpu.dma_semaphore, #tpu.memory_space<semaphore_mem>>)
      %dma_wait3A = arith.constant 0 : i32
      %dma_wait3A_91 = tpu.memref_slice %arg7[%multiple_of3A_25, %dma_wait3A] : memref<10240x128xf32, #tpu.memory_space<vmem_shared>> -> memref<128x128xf32, #tpu.memory_space<vmem_shared>>
      %dma_wait3A_92 = arith.constant 0 : i32
      %dma_wait3A_93 = tpu.memref_slice %arg7[%multiple_of3A_25, %dma_wait3A_92] : memref<10240x128xf32, #tpu.memory_space<vmem_shared>> -> memref<128x128xf32, #tpu.memory_space<vmem_shared>>
      tpu.wait_dma2 semaphore(%run_scoped3A : memref<!tpu.dma_semaphore, #tpu.memory_space<semaphore_mem>>) src(%arg6 : memref<128x128xf32, #tpu.memory_space<vmem>>) dst(%dma_wait3A_93 : memref<128x128xf32, #tpu.memory_space<vmem_shared>>)
      tpu.yield
    }) : () -> ()
    %mul3A_26 = arith.constant 640 : i32
    %mul3A_27 = arith.muli %arg1, %mul3A_26 : i32
    %add3A_28 = arith.constant 384 : i32
    %add3A_29 = arith.addi %mul3A_27, %add3A_28 : i32
    %multiple_of3A_30 = tpu.assume_multiple %add3A_29, 8 : i32
    "tpu.region"() ({
      %run_scoped3A = tpu.sem_alloc : memref<!tpu.dma_semaphore, #tpu.memory_space<semaphore_mem>>
      %dma_start3A = arith.constant 0 : i32
      %dma_start3A_88 = tpu.memref_slice %arg7[%multiple_of3A_30, %dma_start3A] : memref<10240x128xf32, #tpu.memory_space<vmem_shared>> -> memref<128x128xf32, #tpu.memory_space<vmem_shared>>
      %dma_start3A_89 = arith.constant 0 : i32
      %dma_start3A_90 = tpu.memref_slice %arg7[%multiple_of3A_30, %dma_start3A_89] : memref<10240x128xf32, #tpu.memory_space<vmem_shared>> -> memref<128x128xf32, #tpu.memory_space<vmem_shared>>
      tpu.enqueue_dma source(%arg6 : memref<128x128xf32, #tpu.memory_space<vmem>>) target(%dma_start3A_90 : memref<128x128xf32, #tpu.memory_space<vmem_shared>>) target_semaphore(%run_scoped3A : memref<!tpu.dma_semaphore, #tpu.memory_space<semaphore_mem>>)
      %dma_wait3A = arith.constant 0 : i32
      %dma_wait3A_91 = tpu.memref_slice %arg7[%multiple_of3A_30, %dma_wait3A] : memref<10240x128xf32, #tpu.memory_space<vmem_shared>> -> memref<128x128xf32, #tpu.memory_space<vmem_shared>>
      %dma_wait3A_92 = arith.constant 0 : i32
      %dma_wait3A_93 = tpu.memref_slice %arg7[%multiple_of3A_30, %dma_wait3A_92] : memref<10240x128xf32, #tpu.memory_space<vmem_shared>> -> memref<128x128xf32, #tpu.memory_space<vmem_shared>>
      tpu.wait_dma2 semaphore(%run_scoped3A : memref<!tpu.dma_semaphore, #tpu.memory_space<semaphore_mem>>) src(%arg6 : memref<128x128xf32, #tpu.memory_space<vmem>>) dst(%dma_wait3A_93 : memref<128x128xf32, #tpu.memory_space<vmem_shared>>)
      tpu.yield
    }) : () -> ()
    %mul3A_31 = arith.constant 640 : i32
    %mul3A_32 = arith.muli %arg1, %mul3A_31 : i32
    %add3A_33 = arith.constant 512 : i32
    %add3A_34 = arith.addi %mul3A_32, %add3A_33 : i32
    %multiple_of3A_35 = tpu.assume_multiple %add3A_34, 8 : i32
    "tpu.region"() ({
      %run_scoped3A = tpu.sem_alloc : memref<!tpu.dma_semaphore, #tpu.memory_space<semaphore_mem>>
      %dma_start3A = arith.constant 0 : i32
      %dma_start3A_88 = tpu.memref_slice %arg7[%multiple_of3A_35, %dma_start3A] : memref<10240x128xf32, #tpu.memory_space<vmem_shared>> -> memref<128x128xf32, #tpu.memory_space<vmem_shared>>
      %dma_start3A_89 = arith.constant 0 : i32
      %dma_start3A_90 = tpu.memref_slice %arg7[%multiple_of3A_35, %dma_start3A_89] : memref<10240x128xf32, #tpu.memory_space<vmem_shared>> -> memref<128x128xf32, #tpu.memory_space<vmem_shared>>
      tpu.enqueue_dma source(%arg6 : memref<128x128xf32, #tpu.memory_space<vmem>>) target(%dma_start3A_90 : memref<128x128xf32, #tpu.memory_space<vmem_shared>>) target_semaphore(%run_scoped3A : memref<!tpu.dma_semaphore, #tpu.memory_space<semaphore_mem>>)
      %dma_wait3A = arith.constant 0 : i32
      %dma_wait3A_91 = tpu.memref_slice %arg7[%multiple_of3A_35, %dma_wait3A] : memref<10240x128xf32, #tpu.memory_space<vmem_shared>> -> memref<128x128xf32, #tpu.memory_space<vmem_shared>>
      %dma_wait3A_92 = arith.constant 0 : i32
      %dma_wait3A_93 = tpu.memref_slice %arg7[%multiple_of3A_35, %dma_wait3A_92] : memref<10240x128xf32, #tpu.memory_space<vmem_shared>> -> memref<128x128xf32, #tpu.memory_space<vmem_shared>>
      tpu.wait_dma2 semaphore(%run_scoped3A : memref<!tpu.dma_semaphore, #tpu.memory_space<semaphore_mem>>) src(%arg6 : memref<128x128xf32, #tpu.memory_space<vmem>>) dst(%dma_wait3A_93 : memref<128x128xf32, #tpu.memory_space<vmem_shared>>)
      tpu.yield
    }) : () -> ()
    %barrier3A = arith.constant 0 : index
    tpu.barrier barrier_id(%barrier3A)
    %scan3A_36 = arith.constant 0 : i32
    %scan3A_37 = arith.constant 0 : i32
    %scan3A_38 = arith.constant 125 : i32
    %scan3A_39 = arith.addi %scan3A_37, %scan3A_38 : i32
    %scan3A_40 = arith.constant 1 : i32
    scf.for %scan3A_88 = %scan3A_37 to %scan3A_39 step %scan3A_40  : i32 {
      "tpu.region"() ({
        %run_scoped3A = tpu.sem_alloc : memref<!tpu.dma_semaphore, #tpu.memory_space<semaphore_mem>>
        %dma_start3A = arith.constant 0 : i32
        %dma_start3A_89 = tpu.memref_slice %arg4[%scan3A_88, %dma_start3A] : memref<125x80xi32, #tpu.memory_space<vmem>> -> memref<1x80xi32, #tpu.memory_space<vmem>>
        %dma_start3A_90 = tpu.memref_squeeze %dma_start3A_89 : memref<1x80xi32, #tpu.memory_space<vmem>> -> memref<80xi32, #tpu.memory_space<vmem>>
        %dma_start3A_91 = arith.constant 0 : i32
        %dma_start3A_92 = arith.constant 0 : i32
        %dma_start3A_93 = tpu.memref_slice %arg7[%dma_start3A_91, %dma_start3A_92] : memref<10240x128xf32, #tpu.memory_space<vmem_shared>> -> memref<10240x128xf32, #tpu.memory_space<vmem_shared>>
        tpu.enqueue_indirect_dma source(%arg5 : memref<80x128xf32, #tpu.memory_space<vmem>>) target(%dma_start3A_93 : memref<10240x128xf32, #tpu.memory_space<vmem_shared>>) offsets(%dma_start3A_90 : memref<80xi32, #tpu.memory_space<vmem>>) semaphore(%run_scoped3A : memref<!tpu.dma_semaphore, #tpu.memory_space<semaphore_mem>>) {add = true}
        %dma_wait3A = arith.constant 0 : i32
        %dma_wait3A_94 = tpu.memref_slice %arg4[%scan3A_88, %dma_wait3A] : memref<125x80xi32, #tpu.memory_space<vmem>> -> memref<1x80xi32, #tpu.memory_space<vmem>>
        %dma_wait3A_95 = tpu.memref_squeeze %dma_wait3A_94 : memref<1x80xi32, #tpu.memory_space<vmem>> -> memref<80xi32, #tpu.memory_space<vmem>>
        %dma_wait3A_96 = arith.constant 0 : i32
        %dma_wait3A_97 = arith.constant 0 : i32
        %dma_wait3A_98 = tpu.memref_slice %arg7[%dma_wait3A_96, %dma_wait3A_97] : memref<10240x128xf32, #tpu.memory_space<vmem_shared>> -> memref<10240x128xf32, #tpu.memory_space<vmem_shared>>
        tpu.wait_indirect_dma semaphore(%run_scoped3A : memref<!tpu.dma_semaphore, #tpu.memory_space<semaphore_mem>>) src(%arg5 : memref<80x128xf32, #tpu.memory_space<vmem>>) dst(%dma_wait3A_98 : memref<10240x128xf32, #tpu.memory_space<vmem_shared>>)
        tpu.yield
      }) : () -> ()
    }
    %scan3A_41 = arith.constant 125 : i32
    %barrier3A_42 = arith.constant 0 : index
    tpu.barrier barrier_id(%barrier3A_42)
    %mul3A_43 = arith.constant 640 : i32
    %mul3A_44 = arith.muli %arg1, %mul3A_43 : i32
    %add3A_45 = arith.constant 0 : i32
    %add3A_46 = arith.addi %mul3A_44, %add3A_45 : i32
    %multiple_of3A_47 = tpu.assume_multiple %add3A_46, 8 : i32
    %mul3A_48 = arith.constant 10240 : i32
    %mul3A_49 = arith.muli %arg0, %mul3A_48 : i32
    %add3A_50 = arith.addi %mul3A_49, %multiple_of3A_47 : i32
    %multiple_of3A_51 = tpu.assume_multiple %add3A_50, 8 : i32
    "tpu.region"() ({
      %run_scoped3A = tpu.sem_alloc : memref<!tpu.dma_semaphore, #tpu.memory_space<semaphore_mem>>
      %dma_start3A = arith.constant 0 : i32
      %dma_start3A_88 = tpu.memref_slice %arg7[%multiple_of3A_47, %dma_start3A] : memref<10240x128xf32, #tpu.memory_space<vmem_shared>> -> memref<128x128xf32, #tpu.memory_space<vmem_shared>>
      %dma_start3A_89 = arith.constant 0 : i32
      %dma_start3A_90 = tpu.memref_slice %arg7[%multiple_of3A_47, %dma_start3A_89] : memref<10240x128xf32, #tpu.memory_space<vmem_shared>> -> memref<128x128xf32, #tpu.memory_space<vmem_shared>>
      tpu.enqueue_dma source(%dma_start3A_90 : memref<128x128xf32, #tpu.memory_space<vmem_shared>>) target(%arg6 : memref<128x128xf32, #tpu.memory_space<vmem>>) target_semaphore(%run_scoped3A : memref<!tpu.dma_semaphore, #tpu.memory_space<semaphore_mem>>)
      %dma_wait3A = arith.constant 0 : i32
      %dma_wait3A_91 = tpu.memref_slice %arg7[%multiple_of3A_47, %dma_wait3A] : memref<10240x128xf32, #tpu.memory_space<vmem_shared>> -> memref<128x128xf32, #tpu.memory_space<vmem_shared>>
      %dma_wait3A_92 = arith.constant 0 : i32
      %dma_wait3A_93 = tpu.memref_slice %arg7[%multiple_of3A_47, %dma_wait3A_92] : memref<10240x128xf32, #tpu.memory_space<vmem_shared>> -> memref<128x128xf32, #tpu.memory_space<vmem_shared>>
      tpu.wait_dma2 semaphore(%run_scoped3A : memref<!tpu.dma_semaphore, #tpu.memory_space<semaphore_mem>>) src(%dma_wait3A_93 : memref<128x128xf32, #tpu.memory_space<vmem_shared>>) dst(%arg6 : memref<128x128xf32, #tpu.memory_space<vmem>>)
      tpu.yield
    }) : () -> ()
    "tpu.region"() ({
      %run_scoped3A = tpu.sem_alloc : memref<!tpu.dma_semaphore, #tpu.memory_space<semaphore_mem>>
      %dma_start3A = arith.constant 0 : i32
      %dma_start3A_88 = tpu.memref_slice %arg3[%multiple_of3A_51, %dma_start3A] : memref<20480x128xf32, #tpu.memory_space<hbm>> -> memref<128x128xf32, #tpu.memory_space<hbm>>
      %dma_start3A_89 = arith.constant 0 : i32
      %dma_start3A_90 = tpu.memref_slice %arg3[%multiple_of3A_51, %dma_start3A_89] : memref<20480x128xf32, #tpu.memory_space<hbm>> -> memref<128x128xf32, #tpu.memory_space<hbm>>
      tpu.enqueue_dma source(%arg6 : memref<128x128xf32, #tpu.memory_space<vmem>>) target(%dma_start3A_90 : memref<128x128xf32, #tpu.memory_space<hbm>>) target_semaphore(%run_scoped3A : memref<!tpu.dma_semaphore, #tpu.memory_space<semaphore_mem>>)
      %dma_wait3A = arith.constant 0 : i32
      %dma_wait3A_91 = tpu.memref_slice %arg3[%multiple_of3A_51, %dma_wait3A] : memref<20480x128xf32, #tpu.memory_space<hbm>> -> memref<128x128xf32, #tpu.memory_space<hbm>>
      %dma_wait3A_92 = arith.constant 0 : i32
      %dma_wait3A_93 = tpu.memref_slice %arg3[%multiple_of3A_51, %dma_wait3A_92] : memref<20480x128xf32, #tpu.memory_space<hbm>> -> memref<128x128xf32, #tpu.memory_space<hbm>>
      tpu.wait_dma2 semaphore(%run_scoped3A : memref<!tpu.dma_semaphore, #tpu.memory_space<semaphore_mem>>) src(%arg6 : memref<128x128xf32, #tpu.memory_space<vmem>>) dst(%dma_wait3A_93 : memref<128x128xf32, #tpu.memory_space<hbm>>)
      tpu.yield
    }) : () -> ()
    %mul3A_52 = arith.constant 640 : i32
    %mul3A_53 = arith.muli %arg1, %mul3A_52 : i32
    %add3A_54 = arith.constant 128 : i32
    %add3A_55 = arith.addi %mul3A_53, %add3A_54 : i32
    %multiple_of3A_56 = tpu.assume_multiple %add3A_55, 8 : i32
    %mul3A_57 = arith.constant 10240 : i32
    %mul3A_58 = arith.muli %arg0, %mul3A_57 : i32
    %add3A_59 = arith.addi %mul3A_58, %multiple_of3A_56 : i32
    %multiple_of3A_60 = tpu.assume_multiple %add3A_59, 8 : i32
    "tpu.region"() ({
      %run_scoped3A = tpu.sem_alloc : memref<!tpu.dma_semaphore, #tpu.memory_space<semaphore_mem>>
      %dma_start3A = arith.constant 0 : i32
      %dma_start3A_88 = tpu.memref_slice %arg7[%multiple_of3A_56, %dma_start3A] : memref<10240x128xf32, #tpu.memory_space<vmem_shared>> -> memref<128x128xf32, #tpu.memory_space<vmem_shared>>
      %dma_start3A_89 = arith.constant 0 : i32
      %dma_start3A_90 = tpu.memref_slice %arg7[%multiple_of3A_56, %dma_start3A_89] : memref<10240x128xf32, #tpu.memory_space<vmem_shared>> -> memref<128x128xf32, #tpu.memory_space<vmem_shared>>
      tpu.enqueue_dma source(%dma_start3A_90 : memref<128x128xf32, #tpu.memory_space<vmem_shared>>) target(%arg6 : memref<128x128xf32, #tpu.memory_space<vmem>>) target_semaphore(%run_scoped3A : memref<!tpu.dma_semaphore, #tpu.memory_space<semaphore_mem>>)
      %dma_wait3A = arith.constant 0 : i32
      %dma_wait3A_91 = tpu.memref_slice %arg7[%multiple_of3A_56, %dma_wait3A] : memref<10240x128xf32, #tpu.memory_space<vmem_shared>> -> memref<128x128xf32, #tpu.memory_space<vmem_shared>>
      %dma_wait3A_92 = arith.constant 0 : i32
      %dma_wait3A_93 = tpu.memref_slice %arg7[%multiple_of3A_56, %dma_wait3A_92] : memref<10240x128xf32, #tpu.memory_space<vmem_shared>> -> memref<128x128xf32, #tpu.memory_space<vmem_shared>>
      tpu.wait_dma2 semaphore(%run_scoped3A : memref<!tpu.dma_semaphore, #tpu.memory_space<semaphore_mem>>) src(%dma_wait3A_93 : memref<128x128xf32, #tpu.memory_space<vmem_shared>>) dst(%arg6 : memref<128x128xf32, #tpu.memory_space<vmem>>)
      tpu.yield
    }) : () -> ()
    "tpu.region"() ({
      %run_scoped3A = tpu.sem_alloc : memref<!tpu.dma_semaphore, #tpu.memory_space<semaphore_mem>>
      %dma_start3A = arith.constant 0 : i32
      %dma_start3A_88 = tpu.memref_slice %arg3[%multiple_of3A_60, %dma_start3A] : memref<20480x128xf32, #tpu.memory_space<hbm>> -> memref<128x128xf32, #tpu.memory_space<hbm>>
      %dma_start3A_89 = arith.constant 0 : i32
      %dma_start3A_90 = tpu.memref_slice %arg3[%multiple_of3A_60, %dma_start3A_89] : memref<20480x128xf32, #tpu.memory_space<hbm>> -> memref<128x128xf32, #tpu.memory_space<hbm>>
      tpu.enqueue_dma source(%arg6 : memref<128x128xf32, #tpu.memory_space<vmem>>) target(%dma_start3A_90 : memref<128x128xf32, #tpu.memory_space<hbm>>) target_semaphore(%run_scoped3A : memref<!tpu.dma_semaphore, #tpu.memory_space<semaphore_mem>>)
      %dma_wait3A = arith.constant 0 : i32
      %dma_wait3A_91 = tpu.memref_slice %arg3[%multiple_of3A_60, %dma_wait3A] : memref<20480x128xf32, #tpu.memory_space<hbm>> -> memref<128x128xf32, #tpu.memory_space<hbm>>
      %dma_wait3A_92 = arith.constant 0 : i32
      %dma_wait3A_93 = tpu.memref_slice %arg3[%multiple_of3A_60, %dma_wait3A_92] : memref<20480x128xf32, #tpu.memory_space<hbm>> -> memref<128x128xf32, #tpu.memory_space<hbm>>
      tpu.wait_dma2 semaphore(%run_scoped3A : memref<!tpu.dma_semaphore, #tpu.memory_space<semaphore_mem>>) src(%arg6 : memref<128x128xf32, #tpu.memory_space<vmem>>) dst(%dma_wait3A_93 : memref<128x128xf32, #tpu.memory_space<hbm>>)
      tpu.yield
    }) : () -> ()
    %mul3A_61 = arith.constant 640 : i32
    %mul3A_62 = arith.muli %arg1, %mul3A_61 : i32
    %add3A_63 = arith.constant 256 : i32
    %add3A_64 = arith.addi %mul3A_62, %add3A_63 : i32
    %multiple_of3A_65 = tpu.assume_multiple %add3A_64, 8 : i32
    %mul3A_66 = arith.constant 10240 : i32
    %mul3A_67 = arith.muli %arg0, %mul3A_66 : i32
    %add3A_68 = arith.addi %mul3A_67, %multiple_of3A_65 : i32
    %multiple_of3A_69 = tpu.assume_multiple %add3A_68, 8 : i32
    "tpu.region"() ({
      %run_scoped3A = tpu.sem_alloc : memref<!tpu.dma_semaphore, #tpu.memory_space<semaphore_mem>>
      %dma_start3A = arith.constant 0 : i32
      %dma_start3A_88 = tpu.memref_slice %arg7[%multiple_of3A_65, %dma_start3A] : memref<10240x128xf32, #tpu.memory_space<vmem_shared>> -> memref<128x128xf32, #tpu.memory_space<vmem_shared>>
      %dma_start3A_89 = arith.constant 0 : i32
      %dma_start3A_90 = tpu.memref_slice %arg7[%multiple_of3A_65, %dma_start3A_89] : memref<10240x128xf32, #tpu.memory_space<vmem_shared>> -> memref<128x128xf32, #tpu.memory_space<vmem_shared>>
      tpu.enqueue_dma source(%dma_start3A_90 : memref<128x128xf32, #tpu.memory_space<vmem_shared>>) target(%arg6 : memref<128x128xf32, #tpu.memory_space<vmem>>) target_semaphore(%run_scoped3A : memref<!tpu.dma_semaphore, #tpu.memory_space<semaphore_mem>>)
      %dma_wait3A = arith.constant 0 : i32
      %dma_wait3A_91 = tpu.memref_slice %arg7[%multiple_of3A_65, %dma_wait3A] : memref<10240x128xf32, #tpu.memory_space<vmem_shared>> -> memref<128x128xf32, #tpu.memory_space<vmem_shared>>
      %dma_wait3A_92 = arith.constant 0 : i32
      %dma_wait3A_93 = tpu.memref_slice %arg7[%multiple_of3A_65, %dma_wait3A_92] : memref<10240x128xf32, #tpu.memory_space<vmem_shared>> -> memref<128x128xf32, #tpu.memory_space<vmem_shared>>
      tpu.wait_dma2 semaphore(%run_scoped3A : memref<!tpu.dma_semaphore, #tpu.memory_space<semaphore_mem>>) src(%dma_wait3A_93 : memref<128x128xf32, #tpu.memory_space<vmem_shared>>) dst(%arg6 : memref<128x128xf32, #tpu.memory_space<vmem>>)
      tpu.yield
    }) : () -> ()
    "tpu.region"() ({
      %run_scoped3A = tpu.sem_alloc : memref<!tpu.dma_semaphore, #tpu.memory_space<semaphore_mem>>
      %dma_start3A = arith.constant 0 : i32
      %dma_start3A_88 = tpu.memref_slice %arg3[%multiple_of3A_69, %dma_start3A] : memref<20480x128xf32, #tpu.memory_space<hbm>> -> memref<128x128xf32, #tpu.memory_space<hbm>>
      %dma_start3A_89 = arith.constant 0 : i32
      %dma_start3A_90 = tpu.memref_slice %arg3[%multiple_of3A_69, %dma_start3A_89] : memref<20480x128xf32, #tpu.memory_space<hbm>> -> memref<128x128xf32, #tpu.memory_space<hbm>>
      tpu.enqueue_dma source(%arg6 : memref<128x128xf32, #tpu.memory_space<vmem>>) target(%dma_start3A_90 : memref<128x128xf32, #tpu.memory_space<hbm>>) target_semaphore(%run_scoped3A : memref<!tpu.dma_semaphore, #tpu.memory_space<semaphore_mem>>)
      %dma_wait3A = arith.constant 0 : i32
      %dma_wait3A_91 = tpu.memref_slice %arg3[%multiple_of3A_69, %dma_wait3A] : memref<20480x128xf32, #tpu.memory_space<hbm>> -> memref<128x128xf32, #tpu.memory_space<hbm>>
      %dma_wait3A_92 = arith.constant 0 : i32
      %dma_wait3A_93 = tpu.memref_slice %arg3[%multiple_of3A_69, %dma_wait3A_92] : memref<20480x128xf32, #tpu.memory_space<hbm>> -> memref<128x128xf32, #tpu.memory_space<hbm>>
      tpu.wait_dma2 semaphore(%run_scoped3A : memref<!tpu.dma_semaphore, #tpu.memory_space<semaphore_mem>>) src(%arg6 : memref<128x128xf32, #tpu.memory_space<vmem>>) dst(%dma_wait3A_93 : memref<128x128xf32, #tpu.memory_space<hbm>>)
      tpu.yield
    }) : () -> ()
    %mul3A_70 = arith.constant 640 : i32
    %mul3A_71 = arith.muli %arg1, %mul3A_70 : i32
    %add3A_72 = arith.constant 384 : i32
    %add3A_73 = arith.addi %mul3A_71, %add3A_72 : i32
    %multiple_of3A_74 = tpu.assume_multiple %add3A_73, 8 : i32
    %mul3A_75 = arith.constant 10240 : i32
    %mul3A_76 = arith.muli %arg0, %mul3A_75 : i32
    %add3A_77 = arith.addi %mul3A_76, %multiple_of3A_74 : i32
    %multiple_of3A_78 = tpu.assume_multiple %add3A_77, 8 : i32
    "tpu.region"() ({
      %run_scoped3A = tpu.sem_alloc : memref<!tpu.dma_semaphore, #tpu.memory_space<semaphore_mem>>
      %dma_start3A = arith.constant 0 : i32
      %dma_start3A_88 = tpu.memref_slice %arg7[%multiple_of3A_74, %dma_start3A] : memref<10240x128xf32, #tpu.memory_space<vmem_shared>> -> memref<128x128xf32, #tpu.memory_space<vmem_shared>>
      %dma_start3A_89 = arith.constant 0 : i32
      %dma_start3A_90 = tpu.memref_slice %arg7[%multiple_of3A_74, %dma_start3A_89] : memref<10240x128xf32, #tpu.memory_space<vmem_shared>> -> memref<128x128xf32, #tpu.memory_space<vmem_shared>>
      tpu.enqueue_dma source(%dma_start3A_90 : memref<128x128xf32, #tpu.memory_space<vmem_shared>>) target(%arg6 : memref<128x128xf32, #tpu.memory_space<vmem>>) target_semaphore(%run_scoped3A : memref<!tpu.dma_semaphore, #tpu.memory_space<semaphore_mem>>)
      %dma_wait3A = arith.constant 0 : i32
      %dma_wait3A_91 = tpu.memref_slice %arg7[%multiple_of3A_74, %dma_wait3A] : memref<10240x128xf32, #tpu.memory_space<vmem_shared>> -> memref<128x128xf32, #tpu.memory_space<vmem_shared>>
      %dma_wait3A_92 = arith.constant 0 : i32
      %dma_wait3A_93 = tpu.memref_slice %arg7[%multiple_of3A_74, %dma_wait3A_92] : memref<10240x128xf32, #tpu.memory_space<vmem_shared>> -> memref<128x128xf32, #tpu.memory_space<vmem_shared>>
      tpu.wait_dma2 semaphore(%run_scoped3A : memref<!tpu.dma_semaphore, #tpu.memory_space<semaphore_mem>>) src(%dma_wait3A_93 : memref<128x128xf32, #tpu.memory_space<vmem_shared>>) dst(%arg6 : memref<128x128xf32, #tpu.memory_space<vmem>>)
      tpu.yield
    }) : () -> ()
    "tpu.region"() ({
      %run_scoped3A = tpu.sem_alloc : memref<!tpu.dma_semaphore, #tpu.memory_space<semaphore_mem>>
      %dma_start3A = arith.constant 0 : i32
      %dma_start3A_88 = tpu.memref_slice %arg3[%multiple_of3A_78, %dma_start3A] : memref<20480x128xf32, #tpu.memory_space<hbm>> -> memref<128x128xf32, #tpu.memory_space<hbm>>
      %dma_start3A_89 = arith.constant 0 : i32
      %dma_start3A_90 = tpu.memref_slice %arg3[%multiple_of3A_78, %dma_start3A_89] : memref<20480x128xf32, #tpu.memory_space<hbm>> -> memref<128x128xf32, #tpu.memory_space<hbm>>
      tpu.enqueue_dma source(%arg6 : memref<128x128xf32, #tpu.memory_space<vmem>>) target(%dma_start3A_90 : memref<128x128xf32, #tpu.memory_space<hbm>>) target_semaphore(%run_scoped3A : memref<!tpu.dma_semaphore, #tpu.memory_space<semaphore_mem>>)
      %dma_wait3A = arith.constant 0 : i32
      %dma_wait3A_91 = tpu.memref_slice %arg3[%multiple_of3A_78, %dma_wait3A] : memref<20480x128xf32, #tpu.memory_space<hbm>> -> memref<128x128xf32, #tpu.memory_space<hbm>>
      %dma_wait3A_92 = arith.constant 0 : i32
      %dma_wait3A_93 = tpu.memref_slice %arg3[%multiple_of3A_78, %dma_wait3A_92] : memref<20480x128xf32, #tpu.memory_space<hbm>> -> memref<128x128xf32, #tpu.memory_space<hbm>>
      tpu.wait_dma2 semaphore(%run_scoped3A : memref<!tpu.dma_semaphore, #tpu.memory_space<semaphore_mem>>) src(%arg6 : memref<128x128xf32, #tpu.memory_space<vmem>>) dst(%dma_wait3A_93 : memref<128x128xf32, #tpu.memory_space<hbm>>)
      tpu.yield
    }) : () -> ()
    %mul3A_79 = arith.constant 640 : i32
    %mul3A_80 = arith.muli %arg1, %mul3A_79 : i32
    %add3A_81 = arith.constant 512 : i32
    %add3A_82 = arith.addi %mul3A_80, %add3A_81 : i32
    %multiple_of3A_83 = tpu.assume_multiple %add3A_82, 8 : i32
    %mul3A_84 = arith.constant 10240 : i32
    %mul3A_85 = arith.muli %arg0, %mul3A_84 : i32
    %add3A_86 = arith.addi %mul3A_85, %multiple_of3A_83 : i32
    %multiple_of3A_87 = tpu.assume_multiple %add3A_86, 8 : i32
    "tpu.region"() ({
      %run_scoped3A = tpu.sem_alloc : memref<!tpu.dma_semaphore, #tpu.memory_space<semaphore_mem>>
      %dma_start3A = arith.constant 0 : i32
      %dma_start3A_88 = tpu.memref_slice %arg7[%multiple_of3A_83, %dma_start3A] : memref<10240x128xf32, #tpu.memory_space<vmem_shared>> -> memref<128x128xf32, #tpu.memory_space<vmem_shared>>
      %dma_start3A_89 = arith.constant 0 : i32
      %dma_start3A_90 = tpu.memref_slice %arg7[%multiple_of3A_83, %dma_start3A_89] : memref<10240x128xf32, #tpu.memory_space<vmem_shared>> -> memref<128x128xf32, #tpu.memory_space<vmem_shared>>
      tpu.enqueue_dma source(%dma_start3A_90 : memref<128x128xf32, #tpu.memory_space<vmem_shared>>) target(%arg6 : memref<128x128xf32, #tpu.memory_space<vmem>>) target_semaphore(%run_scoped3A : memref<!tpu.dma_semaphore, #tpu.memory_space<semaphore_mem>>)
      %dma_wait3A = arith.constant 0 : i32
      %dma_wait3A_91 = tpu.memref_slice %arg7[%multiple_of3A_83, %dma_wait3A] : memref<10240x128xf32, #tpu.memory_space<vmem_shared>> -> memref<128x128xf32, #tpu.memory_space<vmem_shared>>
      %dma_wait3A_92 = arith.constant 0 : i32
      %dma_wait3A_93 = tpu.memref_slice %arg7[%multiple_of3A_83, %dma_wait3A_92] : memref<10240x128xf32, #tpu.memory_space<vmem_shared>> -> memref<128x128xf32, #tpu.memory_space<vmem_shared>>
      tpu.wait_dma2 semaphore(%run_scoped3A : memref<!tpu.dma_semaphore, #tpu.memory_space<semaphore_mem>>) src(%dma_wait3A_93 : memref<128x128xf32, #tpu.memory_space<vmem_shared>>) dst(%arg6 : memref<128x128xf32, #tpu.memory_space<vmem>>)
      tpu.yield
    }) : () -> ()
    "tpu.region"() ({
      %run_scoped3A = tpu.sem_alloc : memref<!tpu.dma_semaphore, #tpu.memory_space<semaphore_mem>>
      %dma_start3A = arith.constant 0 : i32
      %dma_start3A_88 = tpu.memref_slice %arg3[%multiple_of3A_87, %dma_start3A] : memref<20480x128xf32, #tpu.memory_space<hbm>> -> memref<128x128xf32, #tpu.memory_space<hbm>>
      %dma_start3A_89 = arith.constant 0 : i32
      %dma_start3A_90 = tpu.memref_slice %arg3[%multiple_of3A_87, %dma_start3A_89] : memref<20480x128xf32, #tpu.memory_space<hbm>> -> memref<128x128xf32, #tpu.memory_space<hbm>>
      tpu.enqueue_dma source(%arg6 : memref<128x128xf32, #tpu.memory_space<vmem>>) target(%dma_start3A_90 : memref<128x128xf32, #tpu.memory_space<hbm>>) target_semaphore(%run_scoped3A : memref<!tpu.dma_semaphore, #tpu.memory_space<semaphore_mem>>)
      %dma_wait3A = arith.constant 0 : i32
      %dma_wait3A_91 = tpu.memref_slice %arg3[%multiple_of3A_87, %dma_wait3A] : memref<20480x128xf32, #tpu.memory_space<hbm>> -> memref<128x128xf32, #tpu.memory_space<hbm>>
      %dma_wait3A_92 = arith.constant 0 : i32
      %dma_wait3A_93 = tpu.memref_slice %arg3[%multiple_of3A_87, %dma_wait3A_92] : memref<20480x128xf32, #tpu.memory_space<hbm>> -> memref<128x128xf32, #tpu.memory_space<hbm>>
      tpu.wait_dma2 semaphore(%run_scoped3A : memref<!tpu.dma_semaphore, #tpu.memory_space<semaphore_mem>>) src(%arg6 : memref<128x128xf32, #tpu.memory_space<vmem>>) dst(%dma_wait3A_93 : memref<128x128xf32, #tpu.memory_space<hbm>>)
      tpu.yield
    }) : () -> ()
    return
  }
}

#map = affine_map<(d0, d1) -> (0, 0)>
#map1 = affine_map<(d0, d1) -> (0, 0, 0)>
module attributes {stable_mosaic.version = 14 : i64} {
  func.func @_p4_body(%arg0: i32, %arg1: i32, %arg2: memref<320000x128xf32, #tpu.memory_space<hbm>>, %arg3: memref<32x125x80xi32, #tpu.memory_space<hbm>>, %arg4: memref<20480x128xf32, #tpu.memory_space<hbm>>, %arg5: memref<125x80xi32, #tpu.memory_space<vmem>>, %arg6: memref<80x128xf32, #tpu.memory_space<vmem>>, %arg7: memref<80x128xf32, #tpu.memory_space<vmem>>, %arg8: memref<10240x128xf32, #tpu.memory_space<vmem_shared>>, %arg9: memref<!tpu.dma_semaphore, #tpu.memory_space<semaphore_mem>>, %arg10: memref<!tpu.dma_semaphore, #tpu.memory_space<semaphore_mem>>) attributes {dimension_semantics = [#tpu.dimension_semantics<core_parallel>, #tpu.dimension_semantics<subcore_parallel>], iteration_bounds = array<i64: 2, 16>, scalar_prefetch = 0 : i64, scratch_operands = 6 : i64, tpu.core_type = #tpu.core_type<sc_vector_subcore>, window_params = [{transform_indices = #map}, {transform_indices = #map1}, {transform_indices = #map}]} {
    %mul3A = arith.constant 16 : i32
    %mul3A_0 = arith.muli %arg0, %mul3A : i32
    %add3A = arith.addi %mul3A_0, %arg1 : i32
    %mul3A_1 = arith.constant 10000 : i32
    %mul3A_2 = arith.muli %add3A, %mul3A_1 : i32
    "tpu.region"() ({
      %run_scoped3A_137 = tpu.sem_alloc : memref<!tpu.dma_semaphore, #tpu.memory_space<semaphore_mem>>
      %dma_start3A_138 = arith.constant 0 : i32
      %dma_start3A_139 = arith.constant 0 : i32
      %dma_start3A_140 = tpu.memref_slice %arg3[%add3A, %dma_start3A_138, %dma_start3A_139] : memref<32x125x80xi32, #tpu.memory_space<hbm>> -> memref<1x125x80xi32, #tpu.memory_space<hbm>>
      %dma_start3A_141 = tpu.memref_squeeze %dma_start3A_140 : memref<1x125x80xi32, #tpu.memory_space<hbm>> -> memref<125x80xi32, #tpu.memory_space<hbm>>
      %dma_start3A_142 = arith.constant 0 : i32
      %dma_start3A_143 = arith.constant 0 : i32
      %dma_start3A_144 = tpu.memref_slice %arg3[%add3A, %dma_start3A_142, %dma_start3A_143] : memref<32x125x80xi32, #tpu.memory_space<hbm>> -> memref<1x125x80xi32, #tpu.memory_space<hbm>>
      %dma_start3A_145 = tpu.memref_squeeze %dma_start3A_144 : memref<1x125x80xi32, #tpu.memory_space<hbm>> -> memref<125x80xi32, #tpu.memory_space<hbm>>
      tpu.enqueue_dma source(%dma_start3A_145 : memref<125x80xi32, #tpu.memory_space<hbm>>) target(%arg5 : memref<125x80xi32, #tpu.memory_space<vmem>>) target_semaphore(%run_scoped3A_137 : memref<!tpu.dma_semaphore, #tpu.memory_space<semaphore_mem>>)
      %dma_wait3A_146 = arith.constant 0 : i32
      %dma_wait3A_147 = arith.constant 0 : i32
      %dma_wait3A_148 = tpu.memref_slice %arg3[%add3A, %dma_wait3A_146, %dma_wait3A_147] : memref<32x125x80xi32, #tpu.memory_space<hbm>> -> memref<1x125x80xi32, #tpu.memory_space<hbm>>
      %dma_wait3A_149 = tpu.memref_squeeze %dma_wait3A_148 : memref<1x125x80xi32, #tpu.memory_space<hbm>> -> memref<125x80xi32, #tpu.memory_space<hbm>>
      %dma_wait3A_150 = arith.constant 0 : i32
      %dma_wait3A_151 = arith.constant 0 : i32
      %dma_wait3A_152 = tpu.memref_slice %arg3[%add3A, %dma_wait3A_150, %dma_wait3A_151] : memref<32x125x80xi32, #tpu.memory_space<hbm>> -> memref<1x125x80xi32, #tpu.memory_space<hbm>>
      %dma_wait3A_153 = tpu.memref_squeeze %dma_wait3A_152 : memref<1x125x80xi32, #tpu.memory_space<hbm>> -> memref<125x80xi32, #tpu.memory_space<hbm>>
      tpu.wait_dma2 semaphore(%run_scoped3A_137 : memref<!tpu.dma_semaphore, #tpu.memory_space<semaphore_mem>>) src(%dma_wait3A_153 : memref<125x80xi32, #tpu.memory_space<hbm>>) dst(%arg5 : memref<125x80xi32, #tpu.memory_space<vmem>>)
      tpu.yield
    }) : () -> ()
    %scan3A = arith.constant 0 : i32
    %scan3A_3 = arith.constant 0 : i32
    %scan3A_4 = arith.constant 80 : i32
    %scan3A_5 = arith.addi %scan3A_3, %scan3A_4 : i32
    %scan3A_6 = arith.constant 1 : i32
    scf.for %scan3A_137 = %scan3A_3 to %scan3A_5 step %scan3A_6  : i32 {
      %broadcast_in_dim3A = arith.constant 0.000000e+00 : f32
      %broadcast_in_dim3A_138 = vector.broadcast %broadcast_in_dim3A : f32 to vector<16xf32>
      %swap3A = arith.index_cast %scan3A_137 : i32 to index
      %swap3A_139 = arith.constant 0 : index
      %swap3A_140 = tpu.vector_load %arg6[%swap3A, %swap3A_139] {strides = array<i32>} : memref<80x128xf32, #tpu.memory_space<vmem>>, vector<1x16xf32>,
      %swap3A_141 = vector.shape_cast %swap3A_140 : vector<1x16xf32> to vector<16xf32>
      %swap3A_142 = vector.shape_cast %broadcast_in_dim3A_138 : vector<16xf32> to vector<1x16xf32>
      tpu.vector_store %arg6[%swap3A, %swap3A_139], %swap3A_142 {strides = array<i32>} : memref<80x128xf32, #tpu.memory_space<vmem>>, vector<1x16xf32>,
      %broadcast_in_dim3A_143 = arith.constant 0.000000e+00 : f32
      %broadcast_in_dim3A_144 = vector.broadcast %broadcast_in_dim3A_143 : f32 to vector<16xf32>
      %swap3A_145 = arith.index_cast %scan3A_137 : i32 to index
      %swap3A_146 = arith.constant 16 : index
      %swap3A_147 = tpu.vector_load %arg6[%swap3A_145, %swap3A_146] {strides = array<i32>} : memref<80x128xf32, #tpu.memory_space<vmem>>, vector<1x16xf32>,
      %swap3A_148 = vector.shape_cast %swap3A_147 : vector<1x16xf32> to vector<16xf32>
      %swap3A_149 = vector.shape_cast %broadcast_in_dim3A_144 : vector<16xf32> to vector<1x16xf32>
      tpu.vector_store %arg6[%swap3A_145, %swap3A_146], %swap3A_149 {strides = array<i32>} : memref<80x128xf32, #tpu.memory_space<vmem>>, vector<1x16xf32>,
      %broadcast_in_dim3A_150 = arith.constant 0.000000e+00 : f32
      %broadcast_in_dim3A_151 = vector.broadcast %broadcast_in_dim3A_150 : f32 to vector<16xf32>
      %swap3A_152 = arith.index_cast %scan3A_137 : i32 to index
      %swap3A_153 = arith.constant 32 : index
      %swap3A_154 = tpu.vector_load %arg6[%swap3A_152, %swap3A_153] {strides = array<i32>} : memref<80x128xf32, #tpu.memory_space<vmem>>, vector<1x16xf32>,
      %swap3A_155 = vector.shape_cast %swap3A_154 : vector<1x16xf32> to vector<16xf32>
      %swap3A_156 = vector.shape_cast %broadcast_in_dim3A_151 : vector<16xf32> to vector<1x16xf32>
      tpu.vector_store %arg6[%swap3A_152, %swap3A_153], %swap3A_156 {strides = array<i32>} : memref<80x128xf32, #tpu.memory_space<vmem>>, vector<1x16xf32>,
      %broadcast_in_dim3A_157 = arith.constant 0.000000e+00 : f32
      %broadcast_in_dim3A_158 = vector.broadcast %broadcast_in_dim3A_157 : f32 to vector<16xf32>
      %swap3A_159 = arith.index_cast %scan3A_137 : i32 to index
      %swap3A_160 = arith.constant 48 : index
      %swap3A_161 = tpu.vector_load %arg6[%swap3A_159, %swap3A_160] {strides = array<i32>} : memref<80x128xf32, #tpu.memory_space<vmem>>, vector<1x16xf32>,
      %swap3A_162 = vector.shape_cast %swap3A_161 : vector<1x16xf32> to vector<16xf32>
      %swap3A_163 = vector.shape_cast %broadcast_in_dim3A_158 : vector<16xf32> to vector<1x16xf32>
      tpu.vector_store %arg6[%swap3A_159, %swap3A_160], %swap3A_163 {strides = array<i32>} : memref<80x128xf32, #tpu.memory_space<vmem>>, vector<1x16xf32>,
      %broadcast_in_dim3A_164 = arith.constant 0.000000e+00 : f32
      %broadcast_in_dim3A_165 = vector.broadcast %broadcast_in_dim3A_164 : f32 to vector<16xf32>
      %swap3A_166 = arith.index_cast %scan3A_137 : i32 to index
      %swap3A_167 = arith.constant 64 : index
      %swap3A_168 = tpu.vector_load %arg6[%swap3A_166, %swap3A_167] {strides = array<i32>} : memref<80x128xf32, #tpu.memory_space<vmem>>, vector<1x16xf32>,
      %swap3A_169 = vector.shape_cast %swap3A_168 : vector<1x16xf32> to vector<16xf32>
      %swap3A_170 = vector.shape_cast %broadcast_in_dim3A_165 : vector<16xf32> to vector<1x16xf32>
      tpu.vector_store %arg6[%swap3A_166, %swap3A_167], %swap3A_170 {strides = array<i32>} : memref<80x128xf32, #tpu.memory_space<vmem>>, vector<1x16xf32>,
      %broadcast_in_dim3A_171 = arith.constant 0.000000e+00 : f32
      %broadcast_in_dim3A_172 = vector.broadcast %broadcast_in_dim3A_171 : f32 to vector<16xf32>
      %swap3A_173 = arith.index_cast %scan3A_137 : i32 to index
      %swap3A_174 = arith.constant 80 : index
      %swap3A_175 = tpu.vector_load %arg6[%swap3A_173, %swap3A_174] {strides = array<i32>} : memref<80x128xf32, #tpu.memory_space<vmem>>, vector<1x16xf32>,
      %swap3A_176 = vector.shape_cast %swap3A_175 : vector<1x16xf32> to vector<16xf32>
      %swap3A_177 = vector.shape_cast %broadcast_in_dim3A_172 : vector<16xf32> to vector<1x16xf32>
      tpu.vector_store %arg6[%swap3A_173, %swap3A_174], %swap3A_177 {strides = array<i32>} : memref<80x128xf32, #tpu.memory_space<vmem>>, vector<1x16xf32>,
      %broadcast_in_dim3A_178 = arith.constant 0.000000e+00 : f32
      %broadcast_in_dim3A_179 = vector.broadcast %broadcast_in_dim3A_178 : f32 to vector<16xf32>
      %swap3A_180 = arith.index_cast %scan3A_137 : i32 to index
      %swap3A_181 = arith.constant 96 : index
      %swap3A_182 = tpu.vector_load %arg6[%swap3A_180, %swap3A_181] {strides = array<i32>} : memref<80x128xf32, #tpu.memory_space<vmem>>, vector<1x16xf32>,
      %swap3A_183 = vector.shape_cast %swap3A_182 : vector<1x16xf32> to vector<16xf32>
      %swap3A_184 = vector.shape_cast %broadcast_in_dim3A_179 : vector<16xf32> to vector<1x16xf32>
      tpu.vector_store %arg6[%swap3A_180, %swap3A_181], %swap3A_184 {strides = array<i32>} : memref<80x128xf32, #tpu.memory_space<vmem>>, vector<1x16xf32>,
      %broadcast_in_dim3A_185 = arith.constant 0.000000e+00 : f32
      %broadcast_in_dim3A_186 = vector.broadcast %broadcast_in_dim3A_185 : f32 to vector<16xf32>
      %swap3A_187 = arith.index_cast %scan3A_137 : i32 to index
      %swap3A_188 = arith.constant 112 : index
      %swap3A_189 = tpu.vector_load %arg6[%swap3A_187, %swap3A_188] {strides = array<i32>} : memref<80x128xf32, #tpu.memory_space<vmem>>, vector<1x16xf32>,
      %swap3A_190 = vector.shape_cast %swap3A_189 : vector<1x16xf32> to vector<16xf32>
      %swap3A_191 = vector.shape_cast %broadcast_in_dim3A_186 : vector<16xf32> to vector<1x16xf32>
      tpu.vector_store %arg6[%swap3A_187, %swap3A_188], %swap3A_191 {strides = array<i32>} : memref<80x128xf32, #tpu.memory_space<vmem>>, vector<1x16xf32>,
    }
    %scan3A_7 = arith.constant 80 : i32
    %mul3A_8 = arith.constant 640 : i32
    %mul3A_9 = arith.muli %arg1, %mul3A_8 : i32
    %add3A_10 = arith.constant 0 : i32
    %add3A_11 = arith.addi %mul3A_9, %add3A_10 : i32
    %multiple_of3A = tpu.assume_multiple %add3A_11, 8 : i32
    "tpu.region"() ({
      %run_scoped3A_137 = tpu.sem_alloc : memref<!tpu.dma_semaphore, #tpu.memory_space<semaphore_mem>>
      %dma_start3A_138 = arith.constant 0 : i32
      %dma_start3A_139 = tpu.memref_slice %arg8[%multiple_of3A, %dma_start3A_138] : memref<10240x128xf32, #tpu.memory_space<vmem_shared>> -> memref<80x128xf32, #tpu.memory_space<vmem_shared>>
      %dma_start3A_140 = arith.constant 0 : i32
      %dma_start3A_141 = tpu.memref_slice %arg8[%multiple_of3A, %dma_start3A_140] : memref<10240x128xf32, #tpu.memory_space<vmem_shared>> -> memref<80x128xf32, #tpu.memory_space<vmem_shared>>
      tpu.enqueue_dma source(%arg6 : memref<80x128xf32, #tpu.memory_space<vmem>>) target(%dma_start3A_141 : memref<80x128xf32, #tpu.memory_space<vmem_shared>>) target_semaphore(%run_scoped3A_137 : memref<!tpu.dma_semaphore, #tpu.memory_space<semaphore_mem>>)
      %dma_wait3A_142 = arith.constant 0 : i32
      %dma_wait3A_143 = tpu.memref_slice %arg8[%multiple_of3A, %dma_wait3A_142] : memref<10240x128xf32, #tpu.memory_space<vmem_shared>> -> memref<80x128xf32, #tpu.memory_space<vmem_shared>>
      %dma_wait3A_144 = arith.constant 0 : i32
      %dma_wait3A_145 = tpu.memref_slice %arg8[%multiple_of3A, %dma_wait3A_144] : memref<10240x128xf32, #tpu.memory_space<vmem_shared>> -> memref<80x128xf32, #tpu.memory_space<vmem_shared>>
      tpu.wait_dma2 semaphore(%run_scoped3A_137 : memref<!tpu.dma_semaphore, #tpu.memory_space<semaphore_mem>>) src(%arg6 : memref<80x128xf32, #tpu.memory_space<vmem>>) dst(%dma_wait3A_145 : memref<80x128xf32, #tpu.memory_space<vmem_shared>>)
      tpu.yield
    }) : () -> ()
    %mul3A_12 = arith.constant 640 : i32
    %mul3A_13 = arith.muli %arg1, %mul3A_12 : i32
    %add3A_14 = arith.constant 80 : i32
    %add3A_15 = arith.addi %mul3A_13, %add3A_14 : i32
    %multiple_of3A_16 = tpu.assume_multiple %add3A_15, 8 : i32
    "tpu.region"() ({
      %run_scoped3A_137 = tpu.sem_alloc : memref<!tpu.dma_semaphore, #tpu.memory_space<semaphore_mem>>
      %dma_start3A_138 = arith.constant 0 : i32
      %dma_start3A_139 = tpu.memref_slice %arg8[%multiple_of3A_16, %dma_start3A_138] : memref<10240x128xf32, #tpu.memory_space<vmem_shared>> -> memref<80x128xf32, #tpu.memory_space<vmem_shared>>
      %dma_start3A_140 = arith.constant 0 : i32
      %dma_start3A_141 = tpu.memref_slice %arg8[%multiple_of3A_16, %dma_start3A_140] : memref<10240x128xf32, #tpu.memory_space<vmem_shared>> -> memref<80x128xf32, #tpu.memory_space<vmem_shared>>
      tpu.enqueue_dma source(%arg6 : memref<80x128xf32, #tpu.memory_space<vmem>>) target(%dma_start3A_141 : memref<80x128xf32, #tpu.memory_space<vmem_shared>>) target_semaphore(%run_scoped3A_137 : memref<!tpu.dma_semaphore, #tpu.memory_space<semaphore_mem>>)
      %dma_wait3A_142 = arith.constant 0 : i32
      %dma_wait3A_143 = tpu.memref_slice %arg8[%multiple_of3A_16, %dma_wait3A_142] : memref<10240x128xf32, #tpu.memory_space<vmem_shared>> -> memref<80x128xf32, #tpu.memory_space<vmem_shared>>
      %dma_wait3A_144 = arith.constant 0 : i32
      %dma_wait3A_145 = tpu.memref_slice %arg8[%multiple_of3A_16, %dma_wait3A_144] : memref<10240x128xf32, #tpu.memory_space<vmem_shared>> -> memref<80x128xf32, #tpu.memory_space<vmem_shared>>
      tpu.wait_dma2 semaphore(%run_scoped3A_137 : memref<!tpu.dma_semaphore, #tpu.memory_space<semaphore_mem>>) src(%arg6 : memref<80x128xf32, #tpu.memory_space<vmem>>) dst(%dma_wait3A_145 : memref<80x128xf32, #tpu.memory_space<vmem_shared>>)
      tpu.yield
    }) : () -> ()
    %mul3A_17 = arith.constant 640 : i32
    %mul3A_18 = arith.muli %arg1, %mul3A_17 : i32
    %add3A_19 = arith.constant 160 : i32
    %add3A_20 = arith.addi %mul3A_18, %add3A_19 : i32
    %multiple_of3A_21 = tpu.assume_multiple %add3A_20, 8 : i32
    "tpu.region"() ({
      %run_scoped3A_137 = tpu.sem_alloc : memref<!tpu.dma_semaphore, #tpu.memory_space<semaphore_mem>>
      %dma_start3A_138 = arith.constant 0 : i32
      %dma_start3A_139 = tpu.memref_slice %arg8[%multiple_of3A_21, %dma_start3A_138] : memref<10240x128xf32, #tpu.memory_space<vmem_shared>> -> memref<80x128xf32, #tpu.memory_space<vmem_shared>>
      %dma_start3A_140 = arith.constant 0 : i32
      %dma_start3A_141 = tpu.memref_slice %arg8[%multiple_of3A_21, %dma_start3A_140] : memref<10240x128xf32, #tpu.memory_space<vmem_shared>> -> memref<80x128xf32, #tpu.memory_space<vmem_shared>>
      tpu.enqueue_dma source(%arg6 : memref<80x128xf32, #tpu.memory_space<vmem>>) target(%dma_start3A_141 : memref<80x128xf32, #tpu.memory_space<vmem_shared>>) target_semaphore(%run_scoped3A_137 : memref<!tpu.dma_semaphore, #tpu.memory_space<semaphore_mem>>)
      %dma_wait3A_142 = arith.constant 0 : i32
      %dma_wait3A_143 = tpu.memref_slice %arg8[%multiple_of3A_21, %dma_wait3A_142] : memref<10240x128xf32, #tpu.memory_space<vmem_shared>> -> memref<80x128xf32, #tpu.memory_space<vmem_shared>>
      %dma_wait3A_144 = arith.constant 0 : i32
      %dma_wait3A_145 = tpu.memref_slice %arg8[%multiple_of3A_21, %dma_wait3A_144] : memref<10240x128xf32, #tpu.memory_space<vmem_shared>> -> memref<80x128xf32, #tpu.memory_space<vmem_shared>>
      tpu.wait_dma2 semaphore(%run_scoped3A_137 : memref<!tpu.dma_semaphore, #tpu.memory_space<semaphore_mem>>) src(%arg6 : memref<80x128xf32, #tpu.memory_space<vmem>>) dst(%dma_wait3A_145 : memref<80x128xf32, #tpu.memory_space<vmem_shared>>)
      tpu.yield
    }) : () -> ()
    %mul3A_22 = arith.constant 640 : i32
    %mul3A_23 = arith.muli %arg1, %mul3A_22 : i32
    %add3A_24 = arith.constant 240 : i32
    %add3A_25 = arith.addi %mul3A_23, %add3A_24 : i32
    %multiple_of3A_26 = tpu.assume_multiple %add3A_25, 8 : i32
    "tpu.region"() ({
      %run_scoped3A_137 = tpu.sem_alloc : memref<!tpu.dma_semaphore, #tpu.memory_space<semaphore_mem>>
      %dma_start3A_138 = arith.constant 0 : i32
      %dma_start3A_139 = tpu.memref_slice %arg8[%multiple_of3A_26, %dma_start3A_138] : memref<10240x128xf32, #tpu.memory_space<vmem_shared>> -> memref<80x128xf32, #tpu.memory_space<vmem_shared>>
      %dma_start3A_140 = arith.constant 0 : i32
      %dma_start3A_141 = tpu.memref_slice %arg8[%multiple_of3A_26, %dma_start3A_140] : memref<10240x128xf32, #tpu.memory_space<vmem_shared>> -> memref<80x128xf32, #tpu.memory_space<vmem_shared>>
      tpu.enqueue_dma source(%arg6 : memref<80x128xf32, #tpu.memory_space<vmem>>) target(%dma_start3A_141 : memref<80x128xf32, #tpu.memory_space<vmem_shared>>) target_semaphore(%run_scoped3A_137 : memref<!tpu.dma_semaphore, #tpu.memory_space<semaphore_mem>>)
      %dma_wait3A_142 = arith.constant 0 : i32
      %dma_wait3A_143 = tpu.memref_slice %arg8[%multiple_of3A_26, %dma_wait3A_142] : memref<10240x128xf32, #tpu.memory_space<vmem_shared>> -> memref<80x128xf32, #tpu.memory_space<vmem_shared>>
      %dma_wait3A_144 = arith.constant 0 : i32
      %dma_wait3A_145 = tpu.memref_slice %arg8[%multiple_of3A_26, %dma_wait3A_144] : memref<10240x128xf32, #tpu.memory_space<vmem_shared>> -> memref<80x128xf32, #tpu.memory_space<vmem_shared>>
      tpu.wait_dma2 semaphore(%run_scoped3A_137 : memref<!tpu.dma_semaphore, #tpu.memory_space<semaphore_mem>>) src(%arg6 : memref<80x128xf32, #tpu.memory_space<vmem>>) dst(%dma_wait3A_145 : memref<80x128xf32, #tpu.memory_space<vmem_shared>>)
      tpu.yield
    }) : () -> ()
    %mul3A_27 = arith.constant 640 : i32
    %mul3A_28 = arith.muli %arg1, %mul3A_27 : i32
    %add3A_29 = arith.constant 320 : i32
    %add3A_30 = arith.addi %mul3A_28, %add3A_29 : i32
    %multiple_of3A_31 = tpu.assume_multiple %add3A_30, 8 : i32
    "tpu.region"() ({
      %run_scoped3A_137 = tpu.sem_alloc : memref<!tpu.dma_semaphore, #tpu.memory_space<semaphore_mem>>
      %dma_start3A_138 = arith.constant 0 : i32
      %dma_start3A_139 = tpu.memref_slice %arg8[%multiple_of3A_31, %dma_start3A_138] : memref<10240x128xf32, #tpu.memory_space<vmem_shared>> -> memref<80x128xf32, #tpu.memory_space<vmem_shared>>
      %dma_start3A_140 = arith.constant 0 : i32
      %dma_start3A_141 = tpu.memref_slice %arg8[%multiple_of3A_31, %dma_start3A_140] : memref<10240x128xf32, #tpu.memory_space<vmem_shared>> -> memref<80x128xf32, #tpu.memory_space<vmem_shared>>
      tpu.enqueue_dma source(%arg6 : memref<80x128xf32, #tpu.memory_space<vmem>>) target(%dma_start3A_141 : memref<80x128xf32, #tpu.memory_space<vmem_shared>>) target_semaphore(%run_scoped3A_137 : memref<!tpu.dma_semaphore, #tpu.memory_space<semaphore_mem>>)
      %dma_wait3A_142 = arith.constant 0 : i32
      %dma_wait3A_143 = tpu.memref_slice %arg8[%multiple_of3A_31, %dma_wait3A_142] : memref<10240x128xf32, #tpu.memory_space<vmem_shared>> -> memref<80x128xf32, #tpu.memory_space<vmem_shared>>
      %dma_wait3A_144 = arith.constant 0 : i32
      %dma_wait3A_145 = tpu.memref_slice %arg8[%multiple_of3A_31, %dma_wait3A_144] : memref<10240x128xf32, #tpu.memory_space<vmem_shared>> -> memref<80x128xf32, #tpu.memory_space<vmem_shared>>
      tpu.wait_dma2 semaphore(%run_scoped3A_137 : memref<!tpu.dma_semaphore, #tpu.memory_space<semaphore_mem>>) src(%arg6 : memref<80x128xf32, #tpu.memory_space<vmem>>) dst(%dma_wait3A_145 : memref<80x128xf32, #tpu.memory_space<vmem_shared>>)
      tpu.yield
    }) : () -> ()
    %mul3A_32 = arith.constant 640 : i32
    %mul3A_33 = arith.muli %arg1, %mul3A_32 : i32
    %add3A_34 = arith.constant 400 : i32
    %add3A_35 = arith.addi %mul3A_33, %add3A_34 : i32
    %multiple_of3A_36 = tpu.assume_multiple %add3A_35, 8 : i32
    "tpu.region"() ({
      %run_scoped3A_137 = tpu.sem_alloc : memref<!tpu.dma_semaphore, #tpu.memory_space<semaphore_mem>>
      %dma_start3A_138 = arith.constant 0 : i32
      %dma_start3A_139 = tpu.memref_slice %arg8[%multiple_of3A_36, %dma_start3A_138] : memref<10240x128xf32, #tpu.memory_space<vmem_shared>> -> memref<80x128xf32, #tpu.memory_space<vmem_shared>>
      %dma_start3A_140 = arith.constant 0 : i32
      %dma_start3A_141 = tpu.memref_slice %arg8[%multiple_of3A_36, %dma_start3A_140] : memref<10240x128xf32, #tpu.memory_space<vmem_shared>> -> memref<80x128xf32, #tpu.memory_space<vmem_shared>>
      tpu.enqueue_dma source(%arg6 : memref<80x128xf32, #tpu.memory_space<vmem>>) target(%dma_start3A_141 : memref<80x128xf32, #tpu.memory_space<vmem_shared>>) target_semaphore(%run_scoped3A_137 : memref<!tpu.dma_semaphore, #tpu.memory_space<semaphore_mem>>)
      %dma_wait3A_142 = arith.constant 0 : i32
      %dma_wait3A_143 = tpu.memref_slice %arg8[%multiple_of3A_36, %dma_wait3A_142] : memref<10240x128xf32, #tpu.memory_space<vmem_shared>> -> memref<80x128xf32, #tpu.memory_space<vmem_shared>>
      %dma_wait3A_144 = arith.constant 0 : i32
      %dma_wait3A_145 = tpu.memref_slice %arg8[%multiple_of3A_36, %dma_wait3A_144] : memref<10240x128xf32, #tpu.memory_space<vmem_shared>> -> memref<80x128xf32, #tpu.memory_space<vmem_shared>>
      tpu.wait_dma2 semaphore(%run_scoped3A_137 : memref<!tpu.dma_semaphore, #tpu.memory_space<semaphore_mem>>) src(%arg6 : memref<80x128xf32, #tpu.memory_space<vmem>>) dst(%dma_wait3A_145 : memref<80x128xf32, #tpu.memory_space<vmem_shared>>)
      tpu.yield
    }) : () -> ()
    %mul3A_37 = arith.constant 640 : i32
    %mul3A_38 = arith.muli %arg1, %mul3A_37 : i32
    %add3A_39 = arith.constant 480 : i32
    %add3A_40 = arith.addi %mul3A_38, %add3A_39 : i32
    %multiple_of3A_41 = tpu.assume_multiple %add3A_40, 8 : i32
    "tpu.region"() ({
      %run_scoped3A_137 = tpu.sem_alloc : memref<!tpu.dma_semaphore, #tpu.memory_space<semaphore_mem>>
      %dma_start3A_138 = arith.constant 0 : i32
      %dma_start3A_139 = tpu.memref_slice %arg8[%multiple_of3A_41, %dma_start3A_138] : memref<10240x128xf32, #tpu.memory_space<vmem_shared>> -> memref<80x128xf32, #tpu.memory_space<vmem_shared>>
      %dma_start3A_140 = arith.constant 0 : i32
      %dma_start3A_141 = tpu.memref_slice %arg8[%multiple_of3A_41, %dma_start3A_140] : memref<10240x128xf32, #tpu.memory_space<vmem_shared>> -> memref<80x128xf32, #tpu.memory_space<vmem_shared>>
      tpu.enqueue_dma source(%arg6 : memref<80x128xf32, #tpu.memory_space<vmem>>) target(%dma_start3A_141 : memref<80x128xf32, #tpu.memory_space<vmem_shared>>) target_semaphore(%run_scoped3A_137 : memref<!tpu.dma_semaphore, #tpu.memory_space<semaphore_mem>>)
      %dma_wait3A_142 = arith.constant 0 : i32
      %dma_wait3A_143 = tpu.memref_slice %arg8[%multiple_of3A_41, %dma_wait3A_142] : memref<10240x128xf32, #tpu.memory_space<vmem_shared>> -> memref<80x128xf32, #tpu.memory_space<vmem_shared>>
      %dma_wait3A_144 = arith.constant 0 : i32
      %dma_wait3A_145 = tpu.memref_slice %arg8[%multiple_of3A_41, %dma_wait3A_144] : memref<10240x128xf32, #tpu.memory_space<vmem_shared>> -> memref<80x128xf32, #tpu.memory_space<vmem_shared>>
      tpu.wait_dma2 semaphore(%run_scoped3A_137 : memref<!tpu.dma_semaphore, #tpu.memory_space<semaphore_mem>>) src(%arg6 : memref<80x128xf32, #tpu.memory_space<vmem>>) dst(%dma_wait3A_145 : memref<80x128xf32, #tpu.memory_space<vmem_shared>>)
      tpu.yield
    }) : () -> ()
    %mul3A_42 = arith.constant 640 : i32
    %mul3A_43 = arith.muli %arg1, %mul3A_42 : i32
    %add3A_44 = arith.constant 560 : i32
    %add3A_45 = arith.addi %mul3A_43, %add3A_44 : i32
    %multiple_of3A_46 = tpu.assume_multiple %add3A_45, 8 : i32
    "tpu.region"() ({
      %run_scoped3A_137 = tpu.sem_alloc : memref<!tpu.dma_semaphore, #tpu.memory_space<semaphore_mem>>
      %dma_start3A_138 = arith.constant 0 : i32
      %dma_start3A_139 = tpu.memref_slice %arg8[%multiple_of3A_46, %dma_start3A_138] : memref<10240x128xf32, #tpu.memory_space<vmem_shared>> -> memref<80x128xf32, #tpu.memory_space<vmem_shared>>
      %dma_start3A_140 = arith.constant 0 : i32
      %dma_start3A_141 = tpu.memref_slice %arg8[%multiple_of3A_46, %dma_start3A_140] : memref<10240x128xf32, #tpu.memory_space<vmem_shared>> -> memref<80x128xf32, #tpu.memory_space<vmem_shared>>
      tpu.enqueue_dma source(%arg6 : memref<80x128xf32, #tpu.memory_space<vmem>>) target(%dma_start3A_141 : memref<80x128xf32, #tpu.memory_space<vmem_shared>>) target_semaphore(%run_scoped3A_137 : memref<!tpu.dma_semaphore, #tpu.memory_space<semaphore_mem>>)
      %dma_wait3A_142 = arith.constant 0 : i32
      %dma_wait3A_143 = tpu.memref_slice %arg8[%multiple_of3A_46, %dma_wait3A_142] : memref<10240x128xf32, #tpu.memory_space<vmem_shared>> -> memref<80x128xf32, #tpu.memory_space<vmem_shared>>
      %dma_wait3A_144 = arith.constant 0 : i32
      %dma_wait3A_145 = tpu.memref_slice %arg8[%multiple_of3A_46, %dma_wait3A_144] : memref<10240x128xf32, #tpu.memory_space<vmem_shared>> -> memref<80x128xf32, #tpu.memory_space<vmem_shared>>
      tpu.wait_dma2 semaphore(%run_scoped3A_137 : memref<!tpu.dma_semaphore, #tpu.memory_space<semaphore_mem>>) src(%arg6 : memref<80x128xf32, #tpu.memory_space<vmem>>) dst(%dma_wait3A_145 : memref<80x128xf32, #tpu.memory_space<vmem_shared>>)
      tpu.yield
    }) : () -> ()
    %barrier3A = arith.constant 0 : index
    tpu.barrier barrier_id(%barrier3A)
    %add3A_47 = arith.constant 0 : i32
    %add3A_48 = arith.addi %mul3A_2, %add3A_47 : i32
    %multiple_of3A_49 = tpu.assume_multiple %add3A_48, 8 : i32
    %dma_start3A = arith.constant 0 : i32
    %dma_start3A_50 = tpu.memref_slice %arg2[%multiple_of3A_49, %dma_start3A] : memref<320000x128xf32, #tpu.memory_space<hbm>> -> memref<80x128xf32, #tpu.memory_space<hbm>>
    %dma_start3A_51 = arith.constant 0 : i32
    %dma_start3A_52 = tpu.memref_slice %arg2[%multiple_of3A_49, %dma_start3A_51] : memref<320000x128xf32, #tpu.memory_space<hbm>> -> memref<80x128xf32, #tpu.memory_space<hbm>>
    tpu.enqueue_dma source(%dma_start3A_52 : memref<80x128xf32, #tpu.memory_space<hbm>>) target(%arg6 : memref<80x128xf32, #tpu.memory_space<vmem>>) target_semaphore(%arg9 : memref<!tpu.dma_semaphore, #tpu.memory_space<semaphore_mem>>)
    %scan3A_53 = arith.constant 0 : i32
    %scan3A_54 = arith.constant 0 : i32
    %scan3A_55 = arith.constant 62 : i32
    %scan3A_56 = arith.addi %scan3A_54, %scan3A_55 : i32
    %scan3A_57 = arith.constant 1 : i32
    scf.for %scan3A_137 = %scan3A_54 to %scan3A_56 step %scan3A_57  : i32 {
      %mul3A_138 = arith.constant 2 : i32
      %mul3A_139 = arith.muli %scan3A_137, %mul3A_138 : i32
      %add3A_140 = arith.constant 1 : i32
      %add3A_141 = arith.addi %mul3A_139, %add3A_140 : i32
      %mul3A_142 = arith.constant 80 : i32
      %mul3A_143 = arith.muli %add3A_141, %mul3A_142 : i32
      %add3A_144 = arith.addi %mul3A_2, %mul3A_143 : i32
      %multiple_of3A_145 = tpu.assume_multiple %add3A_144, 8 : i32
      %dma_start3A_146 = arith.constant 0 : i32
      %dma_start3A_147 = tpu.memref_slice %arg2[%multiple_of3A_145, %dma_start3A_146] : memref<320000x128xf32, #tpu.memory_space<hbm>> -> memref<80x128xf32, #tpu.memory_space<hbm>>
      %dma_start3A_148 = arith.constant 0 : i32
      %dma_start3A_149 = tpu.memref_slice %arg2[%multiple_of3A_145, %dma_start3A_148] : memref<320000x128xf32, #tpu.memory_space<hbm>> -> memref<80x128xf32, #tpu.memory_space<hbm>>
      tpu.enqueue_dma source(%dma_start3A_149 : memref<80x128xf32, #tpu.memory_space<hbm>>) target(%arg7 : memref<80x128xf32, #tpu.memory_space<vmem>>) target_semaphore(%arg10 : memref<!tpu.dma_semaphore, #tpu.memory_space<semaphore_mem>>)
      %dma_wait3A_150 = arith.constant 0 : i32
      %dma_wait3A_151 = arith.constant 0 : i32
      %dma_wait3A_152 = tpu.memref_slice %arg2[%dma_wait3A_150, %dma_wait3A_151] : memref<320000x128xf32, #tpu.memory_space<hbm>> -> memref<80x128xf32, #tpu.memory_space<hbm>>
      %dma_wait3A_153 = arith.constant 0 : i32
      %dma_wait3A_154 = arith.constant 0 : i32
      %dma_wait3A_155 = tpu.memref_slice %arg2[%dma_wait3A_153, %dma_wait3A_154] : memref<320000x128xf32, #tpu.memory_space<hbm>> -> memref<80x128xf32, #tpu.memory_space<hbm>>
      tpu.wait_dma2 semaphore(%arg9 : memref<!tpu.dma_semaphore, #tpu.memory_space<semaphore_mem>>) src(%dma_wait3A_155 : memref<80x128xf32, #tpu.memory_space<hbm>>) dst(%arg6 : memref<80x128xf32, #tpu.memory_space<vmem>>)
      "tpu.region"() ({
        %run_scoped3A_174 = tpu.sem_alloc : memref<!tpu.dma_semaphore, #tpu.memory_space<semaphore_mem>>
        %dma_start3A_175 = arith.constant 0 : i32
        %dma_start3A_176 = tpu.memref_slice %arg5[%mul3A_139, %dma_start3A_175] : memref<125x80xi32, #tpu.memory_space<vmem>> -> memref<1x80xi32, #tpu.memory_space<vmem>>
        %dma_start3A_177 = tpu.memref_squeeze %dma_start3A_176 : memref<1x80xi32, #tpu.memory_space<vmem>> -> memref<80xi32, #tpu.memory_space<vmem>>
        %dma_start3A_178 = arith.constant 0 : i32
        %dma_start3A_179 = arith.constant 0 : i32
        %dma_start3A_180 = tpu.memref_slice %arg8[%dma_start3A_178, %dma_start3A_179] : memref<10240x128xf32, #tpu.memory_space<vmem_shared>> -> memref<10240x128xf32, #tpu.memory_space<vmem_shared>>
        tpu.enqueue_indirect_dma source(%arg6 : memref<80x128xf32, #tpu.memory_space<vmem>>) target(%dma_start3A_180 : memref<10240x128xf32, #tpu.memory_space<vmem_shared>>) offsets(%dma_start3A_177 : memref<80xi32, #tpu.memory_space<vmem>>) semaphore(%run_scoped3A_174 : memref<!tpu.dma_semaphore, #tpu.memory_space<semaphore_mem>>) {add = true}
        %dma_wait3A_181 = arith.constant 0 : i32
        %dma_wait3A_182 = tpu.memref_slice %arg5[%mul3A_139, %dma_wait3A_181] : memref<125x80xi32, #tpu.memory_space<vmem>> -> memref<1x80xi32, #tpu.memory_space<vmem>>
        %dma_wait3A_183 = tpu.memref_squeeze %dma_wait3A_182 : memref<1x80xi32, #tpu.memory_space<vmem>> -> memref<80xi32, #tpu.memory_space<vmem>>
        %dma_wait3A_184 = arith.constant 0 : i32
        %dma_wait3A_185 = arith.constant 0 : i32
        %dma_wait3A_186 = tpu.memref_slice %arg8[%dma_wait3A_184, %dma_wait3A_185] : memref<10240x128xf32, #tpu.memory_space<vmem_shared>> -> memref<10240x128xf32, #tpu.memory_space<vmem_shared>>
        tpu.wait_indirect_dma semaphore(%run_scoped3A_174 : memref<!tpu.dma_semaphore, #tpu.memory_space<semaphore_mem>>) src(%arg6 : memref<80x128xf32, #tpu.memory_space<vmem>>) dst(%dma_wait3A_186 : memref<10240x128xf32, #tpu.memory_space<vmem_shared>>)
        tpu.yield
      }) : () -> ()
      %add3A_156 = arith.constant 2 : i32
      %add3A_157 = arith.addi %mul3A_139, %add3A_156 : i32
      %mul3A_158 = arith.constant 80 : i32
      %mul3A_159 = arith.muli %add3A_157, %mul3A_158 : i32
      %add3A_160 = arith.addi %mul3A_2, %mul3A_159 : i32
      %multiple_of3A_161 = tpu.assume_multiple %add3A_160, 8 : i32
      %dma_start3A_162 = arith.constant 0 : i32
      %dma_start3A_163 = tpu.memref_slice %arg2[%multiple_of3A_161, %dma_start3A_162] : memref<320000x128xf32, #tpu.memory_space<hbm>> -> memref<80x128xf32, #tpu.memory_space<hbm>>
      %dma_start3A_164 = arith.constant 0 : i32
      %dma_start3A_165 = tpu.memref_slice %arg2[%multiple_of3A_161, %dma_start3A_164] : memref<320000x128xf32, #tpu.memory_space<hbm>> -> memref<80x128xf32, #tpu.memory_space<hbm>>
      tpu.enqueue_dma source(%dma_start3A_165 : memref<80x128xf32, #tpu.memory_space<hbm>>) target(%arg6 : memref<80x128xf32, #tpu.memory_space<vmem>>) target_semaphore(%arg9 : memref<!tpu.dma_semaphore, #tpu.memory_space<semaphore_mem>>)
      %dma_wait3A_166 = arith.constant 0 : i32
      %dma_wait3A_167 = arith.constant 0 : i32
      %dma_wait3A_168 = tpu.memref_slice %arg2[%dma_wait3A_166, %dma_wait3A_167] : memref<320000x128xf32, #tpu.memory_space<hbm>> -> memref<80x128xf32, #tpu.memory_space<hbm>>
      %dma_wait3A_169 = arith.constant 0 : i32
      %dma_wait3A_170 = arith.constant 0 : i32
      %dma_wait3A_171 = tpu.memref_slice %arg2[%dma_wait3A_169, %dma_wait3A_170] : memref<320000x128xf32, #tpu.memory_space<hbm>> -> memref<80x128xf32, #tpu.memory_space<hbm>>
      tpu.wait_dma2 semaphore(%arg10 : memref<!tpu.dma_semaphore, #tpu.memory_space<semaphore_mem>>) src(%dma_wait3A_171 : memref<80x128xf32, #tpu.memory_space<hbm>>) dst(%arg7 : memref<80x128xf32, #tpu.memory_space<vmem>>)
      %add3A_172 = arith.constant 1 : i32
      %add3A_173 = arith.addi %mul3A_139, %add3A_172 : i32
      "tpu.region"() ({
        %run_scoped3A_174 = tpu.sem_alloc : memref<!tpu.dma_semaphore, #tpu.memory_space<semaphore_mem>>
        %dma_start3A_175 = arith.constant 0 : i32
        %dma_start3A_176 = tpu.memref_slice %arg5[%add3A_173, %dma_start3A_175] : memref<125x80xi32, #tpu.memory_space<vmem>> -> memref<1x80xi32, #tpu.memory_space<vmem>>
        %dma_start3A_177 = tpu.memref_squeeze %dma_start3A_176 : memref<1x80xi32, #tpu.memory_space<vmem>> -> memref<80xi32, #tpu.memory_space<vmem>>
        %dma_start3A_178 = arith.constant 0 : i32
        %dma_start3A_179 = arith.constant 0 : i32
        %dma_start3A_180 = tpu.memref_slice %arg8[%dma_start3A_178, %dma_start3A_179] : memref<10240x128xf32, #tpu.memory_space<vmem_shared>> -> memref<10240x128xf32, #tpu.memory_space<vmem_shared>>
        tpu.enqueue_indirect_dma source(%arg7 : memref<80x128xf32, #tpu.memory_space<vmem>>) target(%dma_start3A_180 : memref<10240x128xf32, #tpu.memory_space<vmem_shared>>) offsets(%dma_start3A_177 : memref<80xi32, #tpu.memory_space<vmem>>) semaphore(%run_scoped3A_174 : memref<!tpu.dma_semaphore, #tpu.memory_space<semaphore_mem>>) {add = true}
        %dma_wait3A_181 = arith.constant 0 : i32
        %dma_wait3A_182 = tpu.memref_slice %arg5[%add3A_173, %dma_wait3A_181] : memref<125x80xi32, #tpu.memory_space<vmem>> -> memref<1x80xi32, #tpu.memory_space<vmem>>
        %dma_wait3A_183 = tpu.memref_squeeze %dma_wait3A_182 : memref<1x80xi32, #tpu.memory_space<vmem>> -> memref<80xi32, #tpu.memory_space<vmem>>
        %dma_wait3A_184 = arith.constant 0 : i32
        %dma_wait3A_185 = arith.constant 0 : i32
        %dma_wait3A_186 = tpu.memref_slice %arg8[%dma_wait3A_184, %dma_wait3A_185] : memref<10240x128xf32, #tpu.memory_space<vmem_shared>> -> memref<10240x128xf32, #tpu.memory_space<vmem_shared>>
        tpu.wait_indirect_dma semaphore(%run_scoped3A_174 : memref<!tpu.dma_semaphore, #tpu.memory_space<semaphore_mem>>) src(%arg7 : memref<80x128xf32, #tpu.memory_space<vmem>>) dst(%dma_wait3A_186 : memref<10240x128xf32, #tpu.memory_space<vmem_shared>>)
        tpu.yield
      }) : () -> ()
    }
    %scan3A_58 = arith.constant 62 : i32
    %dma_wait3A = arith.constant 0 : i32
    %dma_wait3A_59 = arith.constant 0 : i32
    %dma_wait3A_60 = tpu.memref_slice %arg2[%dma_wait3A, %dma_wait3A_59] : memref<320000x128xf32, #tpu.memory_space<hbm>> -> memref<80x128xf32, #tpu.memory_space<hbm>>
    %dma_wait3A_61 = arith.constant 0 : i32
    %dma_wait3A_62 = arith.constant 0 : i32
    %dma_wait3A_63 = tpu.memref_slice %arg2[%dma_wait3A_61, %dma_wait3A_62] : memref<320000x128xf32, #tpu.memory_space<hbm>> -> memref<80x128xf32, #tpu.memory_space<hbm>>
    tpu.wait_dma2 semaphore(%arg9 : memref<!tpu.dma_semaphore, #tpu.memory_space<semaphore_mem>>) src(%dma_wait3A_63 : memref<80x128xf32, #tpu.memory_space<hbm>>) dst(%arg6 : memref<80x128xf32, #tpu.memory_space<vmem>>)
    %run_scoped3A = arith.constant 124 : i32
    "tpu.region"() ({
      %run_scoped3A_137 = tpu.sem_alloc : memref<!tpu.dma_semaphore, #tpu.memory_space<semaphore_mem>>
      %dma_start3A_138 = arith.constant 0 : i32
      %dma_start3A_139 = tpu.memref_slice %arg5[%run_scoped3A, %dma_start3A_138] : memref<125x80xi32, #tpu.memory_space<vmem>> -> memref<1x80xi32, #tpu.memory_space<vmem>>
      %dma_start3A_140 = tpu.memref_squeeze %dma_start3A_139 : memref<1x80xi32, #tpu.memory_space<vmem>> -> memref<80xi32, #tpu.memory_space<vmem>>
      %dma_start3A_141 = arith.constant 0 : i32
      %dma_start3A_142 = arith.constant 0 : i32
      %dma_start3A_143 = tpu.memref_slice %arg8[%dma_start3A_141, %dma_start3A_142] : memref<10240x128xf32, #tpu.memory_space<vmem_shared>> -> memref<10240x128xf32, #tpu.memory_space<vmem_shared>>
      tpu.enqueue_indirect_dma source(%arg6 : memref<80x128xf32, #tpu.memory_space<vmem>>) target(%dma_start3A_143 : memref<10240x128xf32, #tpu.memory_space<vmem_shared>>) offsets(%dma_start3A_140 : memref<80xi32, #tpu.memory_space<vmem>>) semaphore(%run_scoped3A_137 : memref<!tpu.dma_semaphore, #tpu.memory_space<semaphore_mem>>) {add = true}
      %dma_wait3A_144 = arith.constant 0 : i32
      %dma_wait3A_145 = tpu.memref_slice %arg5[%run_scoped3A, %dma_wait3A_144] : memref<125x80xi32, #tpu.memory_space<vmem>> -> memref<1x80xi32, #tpu.memory_space<vmem>>
      %dma_wait3A_146 = tpu.memref_squeeze %dma_wait3A_145 : memref<1x80xi32, #tpu.memory_space<vmem>> -> memref<80xi32, #tpu.memory_space<vmem>>
      %dma_wait3A_147 = arith.constant 0 : i32
      %dma_wait3A_148 = arith.constant 0 : i32
      %dma_wait3A_149 = tpu.memref_slice %arg8[%dma_wait3A_147, %dma_wait3A_148] : memref<10240x128xf32, #tpu.memory_space<vmem_shared>> -> memref<10240x128xf32, #tpu.memory_space<vmem_shared>>
      tpu.wait_indirect_dma semaphore(%run_scoped3A_137 : memref<!tpu.dma_semaphore, #tpu.memory_space<semaphore_mem>>) src(%arg6 : memref<80x128xf32, #tpu.memory_space<vmem>>) dst(%dma_wait3A_149 : memref<10240x128xf32, #tpu.memory_space<vmem_shared>>)
      tpu.yield
    }) : () -> ()
    %barrier3A_64 = arith.constant 0 : index
    tpu.barrier barrier_id(%barrier3A_64)
    %mul3A_65 = arith.constant 640 : i32
    %mul3A_66 = arith.muli %arg1, %mul3A_65 : i32
    %add3A_67 = arith.constant 0 : i32
    %add3A_68 = arith.addi %mul3A_66, %add3A_67 : i32
    %multiple_of3A_69 = tpu.assume_multiple %add3A_68, 8 : i32
    %mul3A_70 = arith.constant 10240 : i32
    %mul3A_71 = arith.muli %arg0, %mul3A_70 : i32
    %add3A_72 = arith.addi %mul3A_71, %multiple_of3A_69 : i32
    %multiple_of3A_73 = tpu.assume_multiple %add3A_72, 8 : i32
    "tpu.region"() ({
      %run_scoped3A_137 = tpu.sem_alloc : memref<!tpu.dma_semaphore, #tpu.memory_space<semaphore_mem>>
      %dma_start3A_138 = arith.constant 0 : i32
      %dma_start3A_139 = tpu.memref_slice %arg8[%multiple_of3A_69, %dma_start3A_138] : memref<10240x128xf32, #tpu.memory_space<vmem_shared>> -> memref<80x128xf32, #tpu.memory_space<vmem_shared>>
      %dma_start3A_140 = arith.constant 0 : i32
      %dma_start3A_141 = tpu.memref_slice %arg8[%multiple_of3A_69, %dma_start3A_140] : memref<10240x128xf32, #tpu.memory_space<vmem_shared>> -> memref<80x128xf32, #tpu.memory_space<vmem_shared>>
      tpu.enqueue_dma source(%dma_start3A_141 : memref<80x128xf32, #tpu.memory_space<vmem_shared>>) target(%arg6 : memref<80x128xf32, #tpu.memory_space<vmem>>) target_semaphore(%run_scoped3A_137 : memref<!tpu.dma_semaphore, #tpu.memory_space<semaphore_mem>>)
      %dma_wait3A_142 = arith.constant 0 : i32
      %dma_wait3A_143 = tpu.memref_slice %arg8[%multiple_of3A_69, %dma_wait3A_142] : memref<10240x128xf32, #tpu.memory_space<vmem_shared>> -> memref<80x128xf32, #tpu.memory_space<vmem_shared>>
      %dma_wait3A_144 = arith.constant 0 : i32
      %dma_wait3A_145 = tpu.memref_slice %arg8[%multiple_of3A_69, %dma_wait3A_144] : memref<10240x128xf32, #tpu.memory_space<vmem_shared>> -> memref<80x128xf32, #tpu.memory_space<vmem_shared>>
      tpu.wait_dma2 semaphore(%run_scoped3A_137 : memref<!tpu.dma_semaphore, #tpu.memory_space<semaphore_mem>>) src(%dma_wait3A_145 : memref<80x128xf32, #tpu.memory_space<vmem_shared>>) dst(%arg6 : memref<80x128xf32, #tpu.memory_space<vmem>>)
      tpu.yield
    }) : () -> ()
    "tpu.region"() ({
      %run_scoped3A_137 = tpu.sem_alloc : memref<!tpu.dma_semaphore, #tpu.memory_space<semaphore_mem>>
      %dma_start3A_138 = arith.constant 0 : i32
      %dma_start3A_139 = tpu.memref_slice %arg4[%multiple_of3A_73, %dma_start3A_138] : memref<20480x128xf32, #tpu.memory_space<hbm>> -> memref<80x128xf32, #tpu.memory_space<hbm>>
      %dma_start3A_140 = arith.constant 0 : i32
      %dma_start3A_141 = tpu.memref_slice %arg4[%multiple_of3A_73, %dma_start3A_140] : memref<20480x128xf32, #tpu.memory_space<hbm>> -> memref<80x128xf32, #tpu.memory_space<hbm>>
      tpu.enqueue_dma source(%arg6 : memref<80x128xf32, #tpu.memory_space<vmem>>) target(%dma_start3A_141 : memref<80x128xf32, #tpu.memory_space<hbm>>) target_semaphore(%run_scoped3A_137 : memref<!tpu.dma_semaphore, #tpu.memory_space<semaphore_mem>>)
      %dma_wait3A_142 = arith.constant 0 : i32
      %dma_wait3A_143 = tpu.memref_slice %arg4[%multiple_of3A_73, %dma_wait3A_142] : memref<20480x128xf32, #tpu.memory_space<hbm>> -> memref<80x128xf32, #tpu.memory_space<hbm>>
      %dma_wait3A_144 = arith.constant 0 : i32
      %dma_wait3A_145 = tpu.memref_slice %arg4[%multiple_of3A_73, %dma_wait3A_144] : memref<20480x128xf32, #tpu.memory_space<hbm>> -> memref<80x128xf32, #tpu.memory_space<hbm>>
      tpu.wait_dma2 semaphore(%run_scoped3A_137 : memref<!tpu.dma_semaphore, #tpu.memory_space<semaphore_mem>>) src(%arg6 : memref<80x128xf32, #tpu.memory_space<vmem>>) dst(%dma_wait3A_145 : memref<80x128xf32, #tpu.memory_space<hbm>>)
      tpu.yield
    }) : () -> ()
    %mul3A_74 = arith.constant 640 : i32
    %mul3A_75 = arith.muli %arg1, %mul3A_74 : i32
    %add3A_76 = arith.constant 80 : i32
    %add3A_77 = arith.addi %mul3A_75, %add3A_76 : i32
    %multiple_of3A_78 = tpu.assume_multiple %add3A_77, 8 : i32
    %mul3A_79 = arith.constant 10240 : i32
    %mul3A_80 = arith.muli %arg0, %mul3A_79 : i32
    %add3A_81 = arith.addi %mul3A_80, %multiple_of3A_78 : i32
    %multiple_of3A_82 = tpu.assume_multiple %add3A_81, 8 : i32
    "tpu.region"() ({
      %run_scoped3A_137 = tpu.sem_alloc : memref<!tpu.dma_semaphore, #tpu.memory_space<semaphore_mem>>
      %dma_start3A_138 = arith.constant 0 : i32
      %dma_start3A_139 = tpu.memref_slice %arg8[%multiple_of3A_78, %dma_start3A_138] : memref<10240x128xf32, #tpu.memory_space<vmem_shared>> -> memref<80x128xf32, #tpu.memory_space<vmem_shared>>
      %dma_start3A_140 = arith.constant 0 : i32
      %dma_start3A_141 = tpu.memref_slice %arg8[%multiple_of3A_78, %dma_start3A_140] : memref<10240x128xf32, #tpu.memory_space<vmem_shared>> -> memref<80x128xf32, #tpu.memory_space<vmem_shared>>
      tpu.enqueue_dma source(%dma_start3A_141 : memref<80x128xf32, #tpu.memory_space<vmem_shared>>) target(%arg6 : memref<80x128xf32, #tpu.memory_space<vmem>>) target_semaphore(%run_scoped3A_137 : memref<!tpu.dma_semaphore, #tpu.memory_space<semaphore_mem>>)
      %dma_wait3A_142 = arith.constant 0 : i32
      %dma_wait3A_143 = tpu.memref_slice %arg8[%multiple_of3A_78, %dma_wait3A_142] : memref<10240x128xf32, #tpu.memory_space<vmem_shared>> -> memref<80x128xf32, #tpu.memory_space<vmem_shared>>
      %dma_wait3A_144 = arith.constant 0 : i32
      %dma_wait3A_145 = tpu.memref_slice %arg8[%multiple_of3A_78, %dma_wait3A_144] : memref<10240x128xf32, #tpu.memory_space<vmem_shared>> -> memref<80x128xf32, #tpu.memory_space<vmem_shared>>
      tpu.wait_dma2 semaphore(%run_scoped3A_137 : memref<!tpu.dma_semaphore, #tpu.memory_space<semaphore_mem>>) src(%dma_wait3A_145 : memref<80x128xf32, #tpu.memory_space<vmem_shared>>) dst(%arg6 : memref<80x128xf32, #tpu.memory_space<vmem>>)
      tpu.yield
    }) : () -> ()
    "tpu.region"() ({
      %run_scoped3A_137 = tpu.sem_alloc : memref<!tpu.dma_semaphore, #tpu.memory_space<semaphore_mem>>
      %dma_start3A_138 = arith.constant 0 : i32
      %dma_start3A_139 = tpu.memref_slice %arg4[%multiple_of3A_82, %dma_start3A_138] : memref<20480x128xf32, #tpu.memory_space<hbm>> -> memref<80x128xf32, #tpu.memory_space<hbm>>
      %dma_start3A_140 = arith.constant 0 : i32
      %dma_start3A_141 = tpu.memref_slice %arg4[%multiple_of3A_82, %dma_start3A_140] : memref<20480x128xf32, #tpu.memory_space<hbm>> -> memref<80x128xf32, #tpu.memory_space<hbm>>
      tpu.enqueue_dma source(%arg6 : memref<80x128xf32, #tpu.memory_space<vmem>>) target(%dma_start3A_141 : memref<80x128xf32, #tpu.memory_space<hbm>>) target_semaphore(%run_scoped3A_137 : memref<!tpu.dma_semaphore, #tpu.memory_space<semaphore_mem>>)
      %dma_wait3A_142 = arith.constant 0 : i32
      %dma_wait3A_143 = tpu.memref_slice %arg4[%multiple_of3A_82, %dma_wait3A_142] : memref<20480x128xf32, #tpu.memory_space<hbm>> -> memref<80x128xf32, #tpu.memory_space<hbm>>
      %dma_wait3A_144 = arith.constant 0 : i32
      %dma_wait3A_145 = tpu.memref_slice %arg4[%multiple_of3A_82, %dma_wait3A_144] : memref<20480x128xf32, #tpu.memory_space<hbm>> -> memref<80x128xf32, #tpu.memory_space<hbm>>
      tpu.wait_dma2 semaphore(%run_scoped3A_137 : memref<!tpu.dma_semaphore, #tpu.memory_space<semaphore_mem>>) src(%arg6 : memref<80x128xf32, #tpu.memory_space<vmem>>) dst(%dma_wait3A_145 : memref<80x128xf32, #tpu.memory_space<hbm>>)
      tpu.yield
    }) : () -> ()
    %mul3A_83 = arith.constant 640 : i32
    %mul3A_84 = arith.muli %arg1, %mul3A_83 : i32
    %add3A_85 = arith.constant 160 : i32
    %add3A_86 = arith.addi %mul3A_84, %add3A_85 : i32
    %multiple_of3A_87 = tpu.assume_multiple %add3A_86, 8 : i32
    %mul3A_88 = arith.constant 10240 : i32
    %mul3A_89 = arith.muli %arg0, %mul3A_88 : i32
    %add3A_90 = arith.addi %mul3A_89, %multiple_of3A_87 : i32
    %multiple_of3A_91 = tpu.assume_multiple %add3A_90, 8 : i32
    "tpu.region"() ({
      %run_scoped3A_137 = tpu.sem_alloc : memref<!tpu.dma_semaphore, #tpu.memory_space<semaphore_mem>>
      %dma_start3A_138 = arith.constant 0 : i32
      %dma_start3A_139 = tpu.memref_slice %arg8[%multiple_of3A_87, %dma_start3A_138] : memref<10240x128xf32, #tpu.memory_space<vmem_shared>> -> memref<80x128xf32, #tpu.memory_space<vmem_shared>>
      %dma_start3A_140 = arith.constant 0 : i32
      %dma_start3A_141 = tpu.memref_slice %arg8[%multiple_of3A_87, %dma_start3A_140] : memref<10240x128xf32, #tpu.memory_space<vmem_shared>> -> memref<80x128xf32, #tpu.memory_space<vmem_shared>>
      tpu.enqueue_dma source(%dma_start3A_141 : memref<80x128xf32, #tpu.memory_space<vmem_shared>>) target(%arg6 : memref<80x128xf32, #tpu.memory_space<vmem>>) target_semaphore(%run_scoped3A_137 : memref<!tpu.dma_semaphore, #tpu.memory_space<semaphore_mem>>)
      %dma_wait3A_142 = arith.constant 0 : i32
      %dma_wait3A_143 = tpu.memref_slice %arg8[%multiple_of3A_87, %dma_wait3A_142] : memref<10240x128xf32, #tpu.memory_space<vmem_shared>> -> memref<80x128xf32, #tpu.memory_space<vmem_shared>>
      %dma_wait3A_144 = arith.constant 0 : i32
      %dma_wait3A_145 = tpu.memref_slice %arg8[%multiple_of3A_87, %dma_wait3A_144] : memref<10240x128xf32, #tpu.memory_space<vmem_shared>> -> memref<80x128xf32, #tpu.memory_space<vmem_shared>>
      tpu.wait_dma2 semaphore(%run_scoped3A_137 : memref<!tpu.dma_semaphore, #tpu.memory_space<semaphore_mem>>) src(%dma_wait3A_145 : memref<80x128xf32, #tpu.memory_space<vmem_shared>>) dst(%arg6 : memref<80x128xf32, #tpu.memory_space<vmem>>)
      tpu.yield
    }) : () -> ()
    "tpu.region"() ({
      %run_scoped3A_137 = tpu.sem_alloc : memref<!tpu.dma_semaphore, #tpu.memory_space<semaphore_mem>>
      %dma_start3A_138 = arith.constant 0 : i32
      %dma_start3A_139 = tpu.memref_slice %arg4[%multiple_of3A_91, %dma_start3A_138] : memref<20480x128xf32, #tpu.memory_space<hbm>> -> memref<80x128xf32, #tpu.memory_space<hbm>>
      %dma_start3A_140 = arith.constant 0 : i32
      %dma_start3A_141 = tpu.memref_slice %arg4[%multiple_of3A_91, %dma_start3A_140] : memref<20480x128xf32, #tpu.memory_space<hbm>> -> memref<80x128xf32, #tpu.memory_space<hbm>>
      tpu.enqueue_dma source(%arg6 : memref<80x128xf32, #tpu.memory_space<vmem>>) target(%dma_start3A_141 : memref<80x128xf32, #tpu.memory_space<hbm>>) target_semaphore(%run_scoped3A_137 : memref<!tpu.dma_semaphore, #tpu.memory_space<semaphore_mem>>)
      %dma_wait3A_142 = arith.constant 0 : i32
      %dma_wait3A_143 = tpu.memref_slice %arg4[%multiple_of3A_91, %dma_wait3A_142] : memref<20480x128xf32, #tpu.memory_space<hbm>> -> memref<80x128xf32, #tpu.memory_space<hbm>>
      %dma_wait3A_144 = arith.constant 0 : i32
      %dma_wait3A_145 = tpu.memref_slice %arg4[%multiple_of3A_91, %dma_wait3A_144] : memref<20480x128xf32, #tpu.memory_space<hbm>> -> memref<80x128xf32, #tpu.memory_space<hbm>>
      tpu.wait_dma2 semaphore(%run_scoped3A_137 : memref<!tpu.dma_semaphore, #tpu.memory_space<semaphore_mem>>) src(%arg6 : memref<80x128xf32, #tpu.memory_space<vmem>>) dst(%dma_wait3A_145 : memref<80x128xf32, #tpu.memory_space<hbm>>)
      tpu.yield
    }) : () -> ()
    %mul3A_92 = arith.constant 640 : i32
    %mul3A_93 = arith.muli %arg1, %mul3A_92 : i32
    %add3A_94 = arith.constant 240 : i32
    %add3A_95 = arith.addi %mul3A_93, %add3A_94 : i32
    %multiple_of3A_96 = tpu.assume_multiple %add3A_95, 8 : i32
    %mul3A_97 = arith.constant 10240 : i32
    %mul3A_98 = arith.muli %arg0, %mul3A_97 : i32
    %add3A_99 = arith.addi %mul3A_98, %multiple_of3A_96 : i32
    %multiple_of3A_100 = tpu.assume_multiple %add3A_99, 8 : i32
    "tpu.region"() ({
      %run_scoped3A_137 = tpu.sem_alloc : memref<!tpu.dma_semaphore, #tpu.memory_space<semaphore_mem>>
      %dma_start3A_138 = arith.constant 0 : i32
      %dma_start3A_139 = tpu.memref_slice %arg8[%multiple_of3A_96, %dma_start3A_138] : memref<10240x128xf32, #tpu.memory_space<vmem_shared>> -> memref<80x128xf32, #tpu.memory_space<vmem_shared>>
      %dma_start3A_140 = arith.constant 0 : i32
      %dma_start3A_141 = tpu.memref_slice %arg8[%multiple_of3A_96, %dma_start3A_140] : memref<10240x128xf32, #tpu.memory_space<vmem_shared>> -> memref<80x128xf32, #tpu.memory_space<vmem_shared>>
      tpu.enqueue_dma source(%dma_start3A_141 : memref<80x128xf32, #tpu.memory_space<vmem_shared>>) target(%arg6 : memref<80x128xf32, #tpu.memory_space<vmem>>) target_semaphore(%run_scoped3A_137 : memref<!tpu.dma_semaphore, #tpu.memory_space<semaphore_mem>>)
      %dma_wait3A_142 = arith.constant 0 : i32
      %dma_wait3A_143 = tpu.memref_slice %arg8[%multiple_of3A_96, %dma_wait3A_142] : memref<10240x128xf32, #tpu.memory_space<vmem_shared>> -> memref<80x128xf32, #tpu.memory_space<vmem_shared>>
      %dma_wait3A_144 = arith.constant 0 : i32
      %dma_wait3A_145 = tpu.memref_slice %arg8[%multiple_of3A_96, %dma_wait3A_144] : memref<10240x128xf32, #tpu.memory_space<vmem_shared>> -> memref<80x128xf32, #tpu.memory_space<vmem_shared>>
      tpu.wait_dma2 semaphore(%run_scoped3A_137 : memref<!tpu.dma_semaphore, #tpu.memory_space<semaphore_mem>>) src(%dma_wait3A_145 : memref<80x128xf32, #tpu.memory_space<vmem_shared>>) dst(%arg6 : memref<80x128xf32, #tpu.memory_space<vmem>>)
      tpu.yield
    }) : () -> ()
    "tpu.region"() ({
      %run_scoped3A_137 = tpu.sem_alloc : memref<!tpu.dma_semaphore, #tpu.memory_space<semaphore_mem>>
      %dma_start3A_138 = arith.constant 0 : i32
      %dma_start3A_139 = tpu.memref_slice %arg4[%multiple_of3A_100, %dma_start3A_138] : memref<20480x128xf32, #tpu.memory_space<hbm>> -> memref<80x128xf32, #tpu.memory_space<hbm>>
      %dma_start3A_140 = arith.constant 0 : i32
      %dma_start3A_141 = tpu.memref_slice %arg4[%multiple_of3A_100, %dma_start3A_140] : memref<20480x128xf32, #tpu.memory_space<hbm>> -> memref<80x128xf32, #tpu.memory_space<hbm>>
      tpu.enqueue_dma source(%arg6 : memref<80x128xf32, #tpu.memory_space<vmem>>) target(%dma_start3A_141 : memref<80x128xf32, #tpu.memory_space<hbm>>) target_semaphore(%run_scoped3A_137 : memref<!tpu.dma_semaphore, #tpu.memory_space<semaphore_mem>>)
      %dma_wait3A_142 = arith.constant 0 : i32
      %dma_wait3A_143 = tpu.memref_slice %arg4[%multiple_of3A_100, %dma_wait3A_142] : memref<20480x128xf32, #tpu.memory_space<hbm>> -> memref<80x128xf32, #tpu.memory_space<hbm>>
      %dma_wait3A_144 = arith.constant 0 : i32
      %dma_wait3A_145 = tpu.memref_slice %arg4[%multiple_of3A_100, %dma_wait3A_144] : memref<20480x128xf32, #tpu.memory_space<hbm>> -> memref<80x128xf32, #tpu.memory_space<hbm>>
      tpu.wait_dma2 semaphore(%run_scoped3A_137 : memref<!tpu.dma_semaphore, #tpu.memory_space<semaphore_mem>>) src(%arg6 : memref<80x128xf32, #tpu.memory_space<vmem>>) dst(%dma_wait3A_145 : memref<80x128xf32, #tpu.memory_space<hbm>>)
      tpu.yield
    }) : () -> ()
    %mul3A_101 = arith.constant 640 : i32
    %mul3A_102 = arith.muli %arg1, %mul3A_101 : i32
    %add3A_103 = arith.constant 320 : i32
    %add3A_104 = arith.addi %mul3A_102, %add3A_103 : i32
    %multiple_of3A_105 = tpu.assume_multiple %add3A_104, 8 : i32
    %mul3A_106 = arith.constant 10240 : i32
    %mul3A_107 = arith.muli %arg0, %mul3A_106 : i32
    %add3A_108 = arith.addi %mul3A_107, %multiple_of3A_105 : i32
    %multiple_of3A_109 = tpu.assume_multiple %add3A_108, 8 : i32
    "tpu.region"() ({
      %run_scoped3A_137 = tpu.sem_alloc : memref<!tpu.dma_semaphore, #tpu.memory_space<semaphore_mem>>
      %dma_start3A_138 = arith.constant 0 : i32
      %dma_start3A_139 = tpu.memref_slice %arg8[%multiple_of3A_105, %dma_start3A_138] : memref<10240x128xf32, #tpu.memory_space<vmem_shared>> -> memref<80x128xf32, #tpu.memory_space<vmem_shared>>
      %dma_start3A_140 = arith.constant 0 : i32
      %dma_start3A_141 = tpu.memref_slice %arg8[%multiple_of3A_105, %dma_start3A_140] : memref<10240x128xf32, #tpu.memory_space<vmem_shared>> -> memref<80x128xf32, #tpu.memory_space<vmem_shared>>
      tpu.enqueue_dma source(%dma_start3A_141 : memref<80x128xf32, #tpu.memory_space<vmem_shared>>) target(%arg6 : memref<80x128xf32, #tpu.memory_space<vmem>>) target_semaphore(%run_scoped3A_137 : memref<!tpu.dma_semaphore, #tpu.memory_space<semaphore_mem>>)
      %dma_wait3A_142 = arith.constant 0 : i32
      %dma_wait3A_143 = tpu.memref_slice %arg8[%multiple_of3A_105, %dma_wait3A_142] : memref<10240x128xf32, #tpu.memory_space<vmem_shared>> -> memref<80x128xf32, #tpu.memory_space<vmem_shared>>
      %dma_wait3A_144 = arith.constant 0 : i32
      %dma_wait3A_145 = tpu.memref_slice %arg8[%multiple_of3A_105, %dma_wait3A_144] : memref<10240x128xf32, #tpu.memory_space<vmem_shared>> -> memref<80x128xf32, #tpu.memory_space<vmem_shared>>
      tpu.wait_dma2 semaphore(%run_scoped3A_137 : memref<!tpu.dma_semaphore, #tpu.memory_space<semaphore_mem>>) src(%dma_wait3A_145 : memref<80x128xf32, #tpu.memory_space<vmem_shared>>) dst(%arg6 : memref<80x128xf32, #tpu.memory_space<vmem>>)
      tpu.yield
    }) : () -> ()
    "tpu.region"() ({
      %run_scoped3A_137 = tpu.sem_alloc : memref<!tpu.dma_semaphore, #tpu.memory_space<semaphore_mem>>
      %dma_start3A_138 = arith.constant 0 : i32
      %dma_start3A_139 = tpu.memref_slice %arg4[%multiple_of3A_109, %dma_start3A_138] : memref<20480x128xf32, #tpu.memory_space<hbm>> -> memref<80x128xf32, #tpu.memory_space<hbm>>
      %dma_start3A_140 = arith.constant 0 : i32
      %dma_start3A_141 = tpu.memref_slice %arg4[%multiple_of3A_109, %dma_start3A_140] : memref<20480x128xf32, #tpu.memory_space<hbm>> -> memref<80x128xf32, #tpu.memory_space<hbm>>
      tpu.enqueue_dma source(%arg6 : memref<80x128xf32, #tpu.memory_space<vmem>>) target(%dma_start3A_141 : memref<80x128xf32, #tpu.memory_space<hbm>>) target_semaphore(%run_scoped3A_137 : memref<!tpu.dma_semaphore, #tpu.memory_space<semaphore_mem>>)
      %dma_wait3A_142 = arith.constant 0 : i32
      %dma_wait3A_143 = tpu.memref_slice %arg4[%multiple_of3A_109, %dma_wait3A_142] : memref<20480x128xf32, #tpu.memory_space<hbm>> -> memref<80x128xf32, #tpu.memory_space<hbm>>
      %dma_wait3A_144 = arith.constant 0 : i32
      %dma_wait3A_145 = tpu.memref_slice %arg4[%multiple_of3A_109, %dma_wait3A_144] : memref<20480x128xf32, #tpu.memory_space<hbm>> -> memref<80x128xf32, #tpu.memory_space<hbm>>
      tpu.wait_dma2 semaphore(%run_scoped3A_137 : memref<!tpu.dma_semaphore, #tpu.memory_space<semaphore_mem>>) src(%arg6 : memref<80x128xf32, #tpu.memory_space<vmem>>) dst(%dma_wait3A_145 : memref<80x128xf32, #tpu.memory_space<hbm>>)
      tpu.yield
    }) : () -> ()
    %mul3A_110 = arith.constant 640 : i32
    %mul3A_111 = arith.muli %arg1, %mul3A_110 : i32
    %add3A_112 = arith.constant 400 : i32
    %add3A_113 = arith.addi %mul3A_111, %add3A_112 : i32
    %multiple_of3A_114 = tpu.assume_multiple %add3A_113, 8 : i32
    %mul3A_115 = arith.constant 10240 : i32
    %mul3A_116 = arith.muli %arg0, %mul3A_115 : i32
    %add3A_117 = arith.addi %mul3A_116, %multiple_of3A_114 : i32
    %multiple_of3A_118 = tpu.assume_multiple %add3A_117, 8 : i32
    "tpu.region"() ({
      %run_scoped3A_137 = tpu.sem_alloc : memref<!tpu.dma_semaphore, #tpu.memory_space<semaphore_mem>>
      %dma_start3A_138 = arith.constant 0 : i32
      %dma_start3A_139 = tpu.memref_slice %arg8[%multiple_of3A_114, %dma_start3A_138] : memref<10240x128xf32, #tpu.memory_space<vmem_shared>> -> memref<80x128xf32, #tpu.memory_space<vmem_shared>>
      %dma_start3A_140 = arith.constant 0 : i32
      %dma_start3A_141 = tpu.memref_slice %arg8[%multiple_of3A_114, %dma_start3A_140] : memref<10240x128xf32, #tpu.memory_space<vmem_shared>> -> memref<80x128xf32, #tpu.memory_space<vmem_shared>>
      tpu.enqueue_dma source(%dma_start3A_141 : memref<80x128xf32, #tpu.memory_space<vmem_shared>>) target(%arg6 : memref<80x128xf32, #tpu.memory_space<vmem>>) target_semaphore(%run_scoped3A_137 : memref<!tpu.dma_semaphore, #tpu.memory_space<semaphore_mem>>)
      %dma_wait3A_142 = arith.constant 0 : i32
      %dma_wait3A_143 = tpu.memref_slice %arg8[%multiple_of3A_114, %dma_wait3A_142] : memref<10240x128xf32, #tpu.memory_space<vmem_shared>> -> memref<80x128xf32, #tpu.memory_space<vmem_shared>>
      %dma_wait3A_144 = arith.constant 0 : i32
      %dma_wait3A_145 = tpu.memref_slice %arg8[%multiple_of3A_114, %dma_wait3A_144] : memref<10240x128xf32, #tpu.memory_space<vmem_shared>> -> memref<80x128xf32, #tpu.memory_space<vmem_shared>>
      tpu.wait_dma2 semaphore(%run_scoped3A_137 : memref<!tpu.dma_semaphore, #tpu.memory_space<semaphore_mem>>) src(%dma_wait3A_145 : memref<80x128xf32, #tpu.memory_space<vmem_shared>>) dst(%arg6 : memref<80x128xf32, #tpu.memory_space<vmem>>)
      tpu.yield
    }) : () -> ()
    "tpu.region"() ({
      %run_scoped3A_137 = tpu.sem_alloc : memref<!tpu.dma_semaphore, #tpu.memory_space<semaphore_mem>>
      %dma_start3A_138 = arith.constant 0 : i32
      %dma_start3A_139 = tpu.memref_slice %arg4[%multiple_of3A_118, %dma_start3A_138] : memref<20480x128xf32, #tpu.memory_space<hbm>> -> memref<80x128xf32, #tpu.memory_space<hbm>>
      %dma_start3A_140 = arith.constant 0 : i32
      %dma_start3A_141 = tpu.memref_slice %arg4[%multiple_of3A_118, %dma_start3A_140] : memref<20480x128xf32, #tpu.memory_space<hbm>> -> memref<80x128xf32, #tpu.memory_space<hbm>>
      tpu.enqueue_dma source(%arg6 : memref<80x128xf32, #tpu.memory_space<vmem>>) target(%dma_start3A_141 : memref<80x128xf32, #tpu.memory_space<hbm>>) target_semaphore(%run_scoped3A_137 : memref<!tpu.dma_semaphore, #tpu.memory_space<semaphore_mem>>)
      %dma_wait3A_142 = arith.constant 0 : i32
      %dma_wait3A_143 = tpu.memref_slice %arg4[%multiple_of3A_118, %dma_wait3A_142] : memref<20480x128xf32, #tpu.memory_space<hbm>> -> memref<80x128xf32, #tpu.memory_space<hbm>>
      %dma_wait3A_144 = arith.constant 0 : i32
      %dma_wait3A_145 = tpu.memref_slice %arg4[%multiple_of3A_118, %dma_wait3A_144] : memref<20480x128xf32, #tpu.memory_space<hbm>> -> memref<80x128xf32, #tpu.memory_space<hbm>>
      tpu.wait_dma2 semaphore(%run_scoped3A_137 : memref<!tpu.dma_semaphore, #tpu.memory_space<semaphore_mem>>) src(%arg6 : memref<80x128xf32, #tpu.memory_space<vmem>>) dst(%dma_wait3A_145 : memref<80x128xf32, #tpu.memory_space<hbm>>)
      tpu.yield
    }) : () -> ()
    %mul3A_119 = arith.constant 640 : i32
    %mul3A_120 = arith.muli %arg1, %mul3A_119 : i32
    %add3A_121 = arith.constant 480 : i32
    %add3A_122 = arith.addi %mul3A_120, %add3A_121 : i32
    %multiple_of3A_123 = tpu.assume_multiple %add3A_122, 8 : i32
    %mul3A_124 = arith.constant 10240 : i32
    %mul3A_125 = arith.muli %arg0, %mul3A_124 : i32
    %add3A_126 = arith.addi %mul3A_125, %multiple_of3A_123 : i32
    %multiple_of3A_127 = tpu.assume_multiple %add3A_126, 8 : i32
    "tpu.region"() ({
      %run_scoped3A_137 = tpu.sem_alloc : memref<!tpu.dma_semaphore, #tpu.memory_space<semaphore_mem>>
      %dma_start3A_138 = arith.constant 0 : i32
      %dma_start3A_139 = tpu.memref_slice %arg8[%multiple_of3A_123, %dma_start3A_138] : memref<10240x128xf32, #tpu.memory_space<vmem_shared>> -> memref<80x128xf32, #tpu.memory_space<vmem_shared>>
      %dma_start3A_140 = arith.constant 0 : i32
      %dma_start3A_141 = tpu.memref_slice %arg8[%multiple_of3A_123, %dma_start3A_140] : memref<10240x128xf32, #tpu.memory_space<vmem_shared>> -> memref<80x128xf32, #tpu.memory_space<vmem_shared>>
      tpu.enqueue_dma source(%dma_start3A_141 : memref<80x128xf32, #tpu.memory_space<vmem_shared>>) target(%arg6 : memref<80x128xf32, #tpu.memory_space<vmem>>) target_semaphore(%run_scoped3A_137 : memref<!tpu.dma_semaphore, #tpu.memory_space<semaphore_mem>>)
      %dma_wait3A_142 = arith.constant 0 : i32
      %dma_wait3A_143 = tpu.memref_slice %arg8[%multiple_of3A_123, %dma_wait3A_142] : memref<10240x128xf32, #tpu.memory_space<vmem_shared>> -> memref<80x128xf32, #tpu.memory_space<vmem_shared>>
      %dma_wait3A_144 = arith.constant 0 : i32
      %dma_wait3A_145 = tpu.memref_slice %arg8[%multiple_of3A_123, %dma_wait3A_144] : memref<10240x128xf32, #tpu.memory_space<vmem_shared>> -> memref<80x128xf32, #tpu.memory_space<vmem_shared>>
      tpu.wait_dma2 semaphore(%run_scoped3A_137 : memref<!tpu.dma_semaphore, #tpu.memory_space<semaphore_mem>>) src(%dma_wait3A_145 : memref<80x128xf32, #tpu.memory_space<vmem_shared>>) dst(%arg6 : memref<80x128xf32, #tpu.memory_space<vmem>>)
      tpu.yield
    }) : () -> ()
    "tpu.region"() ({
      %run_scoped3A_137 = tpu.sem_alloc : memref<!tpu.dma_semaphore, #tpu.memory_space<semaphore_mem>>
      %dma_start3A_138 = arith.constant 0 : i32
      %dma_start3A_139 = tpu.memref_slice %arg4[%multiple_of3A_127, %dma_start3A_138] : memref<20480x128xf32, #tpu.memory_space<hbm>> -> memref<80x128xf32, #tpu.memory_space<hbm>>
      %dma_start3A_140 = arith.constant 0 : i32
      %dma_start3A_141 = tpu.memref_slice %arg4[%multiple_of3A_127, %dma_start3A_140] : memref<20480x128xf32, #tpu.memory_space<hbm>> -> memref<80x128xf32, #tpu.memory_space<hbm>>
      tpu.enqueue_dma source(%arg6 : memref<80x128xf32, #tpu.memory_space<vmem>>) target(%dma_start3A_141 : memref<80x128xf32, #tpu.memory_space<hbm>>) target_semaphore(%run_scoped3A_137 : memref<!tpu.dma_semaphore, #tpu.memory_space<semaphore_mem>>)
      %dma_wait3A_142 = arith.constant 0 : i32
      %dma_wait3A_143 = tpu.memref_slice %arg4[%multiple_of3A_127, %dma_wait3A_142] : memref<20480x128xf32, #tpu.memory_space<hbm>> -> memref<80x128xf32, #tpu.memory_space<hbm>>
      %dma_wait3A_144 = arith.constant 0 : i32
      %dma_wait3A_145 = tpu.memref_slice %arg4[%multiple_of3A_127, %dma_wait3A_144] : memref<20480x128xf32, #tpu.memory_space<hbm>> -> memref<80x128xf32, #tpu.memory_space<hbm>>
      tpu.wait_dma2 semaphore(%run_scoped3A_137 : memref<!tpu.dma_semaphore, #tpu.memory_space<semaphore_mem>>) src(%arg6 : memref<80x128xf32, #tpu.memory_space<vmem>>) dst(%dma_wait3A_145 : memref<80x128xf32, #tpu.memory_space<hbm>>)
      tpu.yield
    }) : () -> ()
    %mul3A_128 = arith.constant 640 : i32
    %mul3A_129 = arith.muli %arg1, %mul3A_128 : i32
    %add3A_130 = arith.constant 560 : i32
    %add3A_131 = arith.addi %mul3A_129, %add3A_130 : i32
    %multiple_of3A_132 = tpu.assume_multiple %add3A_131, 8 : i32
    %mul3A_133 = arith.constant 10240 : i32
    %mul3A_134 = arith.muli %arg0, %mul3A_133 : i32
    %add3A_135 = arith.addi %mul3A_134, %multiple_of3A_132 : i32
    %multiple_of3A_136 = tpu.assume_multiple %add3A_135, 8 : i32
    "tpu.region"() ({
      %run_scoped3A_137 = tpu.sem_alloc : memref<!tpu.dma_semaphore, #tpu.memory_space<semaphore_mem>>
      %dma_start3A_138 = arith.constant 0 : i32
      %dma_start3A_139 = tpu.memref_slice %arg8[%multiple_of3A_132, %dma_start3A_138] : memref<10240x128xf32, #tpu.memory_space<vmem_shared>> -> memref<80x128xf32, #tpu.memory_space<vmem_shared>>
      %dma_start3A_140 = arith.constant 0 : i32
      %dma_start3A_141 = tpu.memref_slice %arg8[%multiple_of3A_132, %dma_start3A_140] : memref<10240x128xf32, #tpu.memory_space<vmem_shared>> -> memref<80x128xf32, #tpu.memory_space<vmem_shared>>
      tpu.enqueue_dma source(%dma_start3A_141 : memref<80x128xf32, #tpu.memory_space<vmem_shared>>) target(%arg6 : memref<80x128xf32, #tpu.memory_space<vmem>>) target_semaphore(%run_scoped3A_137 : memref<!tpu.dma_semaphore, #tpu.memory_space<semaphore_mem>>)
      %dma_wait3A_142 = arith.constant 0 : i32
      %dma_wait3A_143 = tpu.memref_slice %arg8[%multiple_of3A_132, %dma_wait3A_142] : memref<10240x128xf32, #tpu.memory_space<vmem_shared>> -> memref<80x128xf32, #tpu.memory_space<vmem_shared>>
      %dma_wait3A_144 = arith.constant 0 : i32
      %dma_wait3A_145 = tpu.memref_slice %arg8[%multiple_of3A_132, %dma_wait3A_144] : memref<10240x128xf32, #tpu.memory_space<vmem_shared>> -> memref<80x128xf32, #tpu.memory_space<vmem_shared>>
      tpu.wait_dma2 semaphore(%run_scoped3A_137 : memref<!tpu.dma_semaphore, #tpu.memory_space<semaphore_mem>>) src(%dma_wait3A_145 : memref<80x128xf32, #tpu.memory_space<vmem_shared>>) dst(%arg6 : memref<80x128xf32, #tpu.memory_space<vmem>>)
      tpu.yield
    }) : () -> ()
    "tpu.region"() ({
      %run_scoped3A_137 = tpu.sem_alloc : memref<!tpu.dma_semaphore, #tpu.memory_space<semaphore_mem>>
      %dma_start3A_138 = arith.constant 0 : i32
      %dma_start3A_139 = tpu.memref_slice %arg4[%multiple_of3A_136, %dma_start3A_138] : memref<20480x128xf32, #tpu.memory_space<hbm>> -> memref<80x128xf32, #tpu.memory_space<hbm>>
      %dma_start3A_140 = arith.constant 0 : i32
      %dma_start3A_141 = tpu.memref_slice %arg4[%multiple_of3A_136, %dma_start3A_140] : memref<20480x128xf32, #tpu.memory_space<hbm>> -> memref<80x128xf32, #tpu.memory_space<hbm>>
      tpu.enqueue_dma source(%arg6 : memref<80x128xf32, #tpu.memory_space<vmem>>) target(%dma_start3A_141 : memref<80x128xf32, #tpu.memory_space<hbm>>) target_semaphore(%run_scoped3A_137 : memref<!tpu.dma_semaphore, #tpu.memory_space<semaphore_mem>>)
      %dma_wait3A_142 = arith.constant 0 : i32
      %dma_wait3A_143 = tpu.memref_slice %arg4[%multiple_of3A_136, %dma_wait3A_142] : memref<20480x128xf32, #tpu.memory_space<hbm>> -> memref<80x128xf32, #tpu.memory_space<hbm>>
      %dma_wait3A_144 = arith.constant 0 : i32
      %dma_wait3A_145 = tpu.memref_slice %arg4[%multiple_of3A_136, %dma_wait3A_144] : memref<20480x128xf32, #tpu.memory_space<hbm>> -> memref<80x128xf32, #tpu.memory_space<hbm>>
      tpu.wait_dma2 semaphore(%run_scoped3A_137 : memref<!tpu.dma_semaphore, #tpu.memory_space<semaphore_mem>>) src(%arg6 : memref<80x128xf32, #tpu.memory_space<vmem>>) dst(%dma_wait3A_145 : memref<80x128xf32, #tpu.memory_space<hbm>>)
      tpu.yield
    }) : () -> ()
    return
  }
}

module attributes {stable_mosaic.version = 14 : i64} {
  func.func @_p1_body(%arg0: memref<10000x128xf32, #tpu.memory_space<vmem>>, %arg1: memref<256x8xf32, #tpu.memory_space<vmem>>, %arg2: memref<128x128xf32, #tpu.memory_space<vmem>>, %arg3: memref<128x128xf32, #tpu.memory_space<vmem>>, %arg4: memref<8x128xf32, #tpu.memory_space<vmem>>, %arg5: memref<1x128xf32, #tpu.memory_space<vmem>>, %arg6: memref<10000x128xf32, #tpu.memory_space<vmem>>, %arg7: memref<10000x128xf32, #tpu.memory_space<vmem>>, %arg8: memref<256x128xf32, #tpu.memory_space<vmem>>) attributes {dimension_semantics = [], scalar_prefetch = 0 : i64, scratch_operands = 0 : i64, tpu.core_type = #tpu.core_type<tc>} {
    %get3A = arith.constant 0 : index
    %get3A_0 = arith.constant 0 : index
    %get3A_1 = vector.load %arg0[%get3A, %get3A_0] : memref<10000x128xf32, #tpu.memory_space<vmem>>, vector<10000x128xf32>
    %get3A_2 = arith.constant 0 : index
    %get3A_3 = arith.constant 0 : index
    %get3A_4 = vector.load %arg2[%get3A_2, %get3A_3] : memref<128x128xf32, #tpu.memory_space<vmem>>, vector<128x128xf32>
    %dot_general3A = arith.constant dense<0.000000e+00> : vector<10000x128xf32>
    %dot_general3A_5 = tpu.matmul %get3A_1, %get3A_4, %dot_general3A {dimension_numbers = #tpu.dot_dimension_numbers<[1], [0], [0], [1], [0, 0, 1, 1], [], []>, transpose_lhs_hint = false} : vector<10000x128xf32>, vector<128x128xf32>, vector<10000x128xf32> -> vector<10000x128xf32>
    %swap3A = arith.constant 0 : index
    %swap3A_6 = arith.constant 0 : index
    %swap3A_7 = vector.load %arg6[%swap3A, %swap3A_6] : memref<10000x128xf32, #tpu.memory_space<vmem>>, vector<10000x128xf32>
    tpu.vector_store %arg6[%swap3A, %swap3A_6], %dot_general3A_5 {strides = array<i32>} : memref<10000x128xf32, #tpu.memory_space<vmem>>, vector<10000x128xf32>,
    %get3A_8 = arith.constant 0 : index
    %get3A_9 = arith.constant 0 : index
    %get3A_10 = vector.load %arg3[%get3A_8, %get3A_9] : memref<128x128xf32, #tpu.memory_space<vmem>>, vector<128x128xf32>
    %dot_general3A_11 = arith.constant dense<0.000000e+00> : vector<10000x128xf32>
    %dot_general3A_12 = tpu.matmul %get3A_1, %get3A_10, %dot_general3A_11 {dimension_numbers = #tpu.dot_dimension_numbers<[1], [0], [0], [1], [0, 0, 1, 1], [], []>, transpose_lhs_hint = false} : vector<10000x128xf32>, vector<128x128xf32>, vector<10000x128xf32> -> vector<10000x128xf32>
    %swap3A_13 = arith.constant 0 : index
    %swap3A_14 = arith.constant 0 : index
    %swap3A_15 = vector.load %arg7[%swap3A_13, %swap3A_14] : memref<10000x128xf32, #tpu.memory_space<vmem>>, vector<10000x128xf32>
    tpu.vector_store %arg7[%swap3A_13, %swap3A_14], %dot_general3A_12 {strides = array<i32>} : memref<10000x128xf32, #tpu.memory_space<vmem>>, vector<10000x128xf32>,
    %get3A_16 = arith.constant 0 : index
    %get3A_17 = arith.constant 0 : index
    %get3A_18 = vector.load %arg1[%get3A_16, %get3A_17] : memref<256x8xf32, #tpu.memory_space<vmem>>, vector<256x8xf32>
    %get3A_19 = arith.constant 0 : index
    %get3A_20 = arith.constant 0 : index
    %get3A_21 = vector.load %arg4[%get3A_19, %get3A_20] : memref<8x128xf32, #tpu.memory_space<vmem>>, vector<8x128xf32>
    %dot_general3A_22 = arith.constant dense<0.000000e+00> : vector<256x128xf32>
    %dot_general3A_23 = tpu.matmul %get3A_18, %get3A_21, %dot_general3A_22 {dimension_numbers = #tpu.dot_dimension_numbers<[1], [0], [0], [1], [0, 0, 1, 1], [], []>, transpose_lhs_hint = false} : vector<256x8xf32>, vector<8x128xf32>, vector<256x128xf32> -> vector<256x128xf32>
    %get3A_24 = arith.constant 0 : index
    %get3A_25 = arith.constant 0 : index
    %get3A_26 = vector.load %arg5[%get3A_24, %get3A_25] : memref<1x128xf32, #tpu.memory_space<vmem>>, vector<1x128xf32>
    %add3A = vector.broadcast %get3A_26 : vector<1x128xf32> to vector<256x128xf32>
    %add3A_27 = arith.addf %dot_general3A_23, %add3A : vector<256x128xf32>
    %swap3A_28 = arith.constant 0 : index
    %swap3A_29 = arith.constant 0 : index
    %swap3A_30 = vector.load %arg8[%swap3A_28, %swap3A_29] : memref<256x128xf32, #tpu.memory_space<vmem>>, vector<256x128xf32>
    tpu.vector_store %arg8[%swap3A_28, %swap3A_29], %add3A_27 {strides = array<i32>} : memref<256x128xf32, #tpu.memory_space<vmem>>, vector<256x128xf32>,
    return
  }
}

module attributes {stable_mosaic.version = 14 : i64} {
  func.func @_p3_body(%arg0: i32, %arg1: memref<2560x128xf32, #tpu.memory_space<vmem>>, %arg2: memref<2560x1xi32, #tpu.memory_space<vmem>>, %arg3: memref<256x128xf32, #tpu.memory_space<vmem>>, %arg4: memref<2560x8xf32, #tpu.memory_space<vmem>>, %arg5: memref<8x128xf32, #tpu.memory_space<vmem>>, %arg6: memref<128x128xf32, #tpu.memory_space<vmem>>, %arg7: memref<1x128xf32, #tpu.memory_space<vmem>>, %arg8: memref<2560x128xf32, #tpu.memory_space<vmem>>) attributes {dimension_semantics = [#tpu.dimension_semantics<arbitrary>], iteration_bounds = array<i64: 125>, scalar_prefetch = 0 : i64, scratch_operands = 0 : i64, tpu.core_type = #tpu.core_type<tc>, window_params = [{transform_indices = @transform_0, window_bounds = array<i64: 2560, 128>}, {transform_indices = @transform_1, window_bounds = array<i64: 2560, 1>}, {pipeline_mode = #tpu.pipeline_mode<synchronous>, transform_indices = @transform_2, window_bounds = array<i64: 256, 128>}, {transform_indices = @transform_3, window_bounds = array<i64: 2560, 8>}, {pipeline_mode = #tpu.pipeline_mode<synchronous>, transform_indices = @transform_4, window_bounds = array<i64: 8, 128>}, {pipeline_mode = #tpu.pipeline_mode<synchronous>, transform_indices = @transform_5, window_bounds = array<i64: 128, 128>}, {pipeline_mode = #tpu.pipeline_mode<synchronous>, transform_indices = @transform_6, window_bounds = array<i64: 1, 128>}, {transform_indices = @transform_7, window_bounds = array<i64: 2560, 128>}]} {
    %iota3A = tpu.iota {dimensions = array<i32: 1>} : vector<2560x256xi32>
    %get3A = arith.constant 0 : index
    %get3A_0 = arith.constant 0 : index
    %get3A_1 = vector.load %arg2[%get3A, %get3A_0] : memref<2560x1xi32, #tpu.memory_space<vmem>>, vector<2560x1xi32>
    %eq3A = vector.broadcast %get3A_1 : vector<2560x1xi32> to vector<2560x256xi32>
    %eq3A_2 = arith.cmpi eq, %iota3A, %eq3A : vector<2560x256xi32>
    %convert_element_type3A = arith.extui %eq3A_2 : vector<2560x256xi1> to vector<2560x256xi32>
    %convert_element_type3A_3 = arith.sitofp %convert_element_type3A : vector<2560x256xi32> to vector<2560x256xf32>
    %get3A_4 = arith.constant 0 : index
    %get3A_5 = arith.constant 0 : index
    %get3A_6 = vector.load %arg1[%get3A_4, %get3A_5] : memref<2560x128xf32, #tpu.memory_space<vmem>>, vector<2560x128xf32>
    %get3A_7 = arith.constant 0 : index
    %get3A_8 = arith.constant 0 : index
    %get3A_9 = vector.load %arg3[%get3A_7, %get3A_8] : memref<256x128xf32, #tpu.memory_space<vmem>>, vector<256x128xf32>
    %dot_general3A = arith.constant dense<0.000000e+00> : vector<2560x128xf32>
    %dot_general3A_10 = tpu.matmul %convert_element_type3A_3, %get3A_9, %dot_general3A {dimension_numbers = #tpu.dot_dimension_numbers<[1], [0], [0], [1], [0, 0, 1, 1], [], []>, transpose_lhs_hint = false} : vector<2560x256xf32>, vector<256x128xf32>, vector<2560x128xf32> -> vector<2560x128xf32>
    %add3A = arith.addf %get3A_6, %dot_general3A_10 : vector<2560x128xf32>
    %get3A_11 = arith.constant 0 : index
    %get3A_12 = arith.constant 0 : index
    %get3A_13 = vector.load %arg4[%get3A_11, %get3A_12] : memref<2560x8xf32, #tpu.memory_space<vmem>>, vector<2560x8xf32>
    %get3A_14 = arith.constant 0 : index
    %get3A_15 = arith.constant 0 : index
    %get3A_16 = vector.load %arg5[%get3A_14, %get3A_15] : memref<8x128xf32, #tpu.memory_space<vmem>>, vector<8x128xf32>
    %dot_general3A_17 = arith.constant dense<0.000000e+00> : vector<2560x128xf32>
    %dot_general3A_18 = tpu.matmul %get3A_13, %get3A_16, %dot_general3A_17 {dimension_numbers = #tpu.dot_dimension_numbers<[1], [0], [0], [1], [0, 0, 1, 1], [], []>, transpose_lhs_hint = false} : vector<2560x8xf32>, vector<8x128xf32>, vector<2560x128xf32> -> vector<2560x128xf32>
    %add3A_19 = arith.addf %add3A, %dot_general3A_18 : vector<2560x128xf32>
    %logistic3A = arith.negf %add3A_19 : vector<2560x128xf32>
    %logistic3A_20 = math.exp %logistic3A : vector<2560x128xf32>
    %logistic3A_21 = arith.constant 1.000000e+00 : f32
    %logistic3A_22 = vector.broadcast %logistic3A_21 : f32 to vector<2560x128xf32>
    %logistic3A_23 = arith.addf %logistic3A_22, %logistic3A_20 : vector<2560x128xf32>
    %logistic3A_24 = arith.divf %logistic3A_22, %logistic3A_23 : vector<2560x128xf32>
    %mul3A = arith.mulf %add3A_19, %logistic3A_24 : vector<2560x128xf32>
    %get3A_25 = arith.constant 0 : index
    %get3A_26 = arith.constant 0 : index
    %get3A_27 = vector.load %arg6[%get3A_25, %get3A_26] : memref<128x128xf32, #tpu.memory_space<vmem>>, vector<128x128xf32>
    %dot_general3A_28 = arith.constant dense<0.000000e+00> : vector<2560x128xf32>
    %dot_general3A_29 = tpu.matmul %mul3A, %get3A_27, %dot_general3A_28 {dimension_numbers = #tpu.dot_dimension_numbers<[1], [0], [0], [1], [0, 0, 1, 1], [], []>, transpose_lhs_hint = false} : vector<2560x128xf32>, vector<128x128xf32>, vector<2560x128xf32> -> vector<2560x128xf32>
    %get3A_30 = arith.constant 0 : index
    %get3A_31 = arith.constant 0 : index
    %get3A_32 = vector.load %arg7[%get3A_30, %get3A_31] : memref<1x128xf32, #tpu.memory_space<vmem>>, vector<1x128xf32>
    %add3A_33 = vector.broadcast %get3A_32 : vector<1x128xf32> to vector<2560x128xf32>
    %add3A_34 = arith.addf %dot_general3A_29, %add3A_33 : vector<2560x128xf32>
    %logistic3A_35 = arith.negf %add3A_34 : vector<2560x128xf32>
    %logistic3A_36 = math.exp %logistic3A_35 : vector<2560x128xf32>
    %logistic3A_37 = arith.constant 1.000000e+00 : f32
    %logistic3A_38 = vector.broadcast %logistic3A_37 : f32 to vector<2560x128xf32>
    %logistic3A_39 = arith.addf %logistic3A_38, %logistic3A_36 : vector<2560x128xf32>
    %logistic3A_40 = arith.divf %logistic3A_38, %logistic3A_39 : vector<2560x128xf32>
    %mul3A_41 = arith.mulf %add3A_34, %logistic3A_40 : vector<2560x128xf32>
    %swap3A = arith.constant 0 : index
    %swap3A_42 = arith.constant 0 : index
    %swap3A_43 = vector.load %arg8[%swap3A, %swap3A_42] : memref<2560x128xf32, #tpu.memory_space<vmem>>, vector<2560x128xf32>
    tpu.vector_store %arg8[%swap3A, %swap3A_42], %mul3A_41 {strides = array<i32>} : memref<2560x128xf32, #tpu.memory_space<vmem>>, vector<2560x128xf32>,
    return
  }
  func.func @transform_0(%arg0: i32) -> (i32, i32) {
    %c0_i32 = arith.constant 0 : i32
    %c0_i32_0 = arith.constant 0 : i32
    return %arg0, %c0_i32 : i32, i32
  }
  func.func @transform_1(%arg0: i32) -> (i32, i32) {
    %c0_i32 = arith.constant 0 : i32
    %c0_i32_0 = arith.constant 0 : i32
    return %arg0, %c0_i32 : i32, i32
  }
  func.func @transform_2(%arg0: i32) -> (i32, i32) {
    %c0_i32 = arith.constant 0 : i32
    %c0_i32_0 = arith.constant 0 : i32
    %c0_i32_1 = arith.constant 0 : i32
    return %c0_i32, %c0_i32_0 : i32, i32
  }
  func.func @transform_3(%arg0: i32) -> (i32, i32) {
    %c0_i32 = arith.constant 0 : i32
    %c0_i32_0 = arith.constant 0 : i32
    return %arg0, %c0_i32 : i32, i32
  }
  func.func @transform_4(%arg0: i32) -> (i32, i32) {
    %c0_i32 = arith.constant 0 : i32
    %c0_i32_0 = arith.constant 0 : i32
    %c0_i32_1 = arith.constant 0 : i32
    return %c0_i32, %c0_i32_0 : i32, i32
  }
  func.func @transform_5(%arg0: i32) -> (i32, i32) {
    %c0_i32 = arith.constant 0 : i32
    %c0_i32_0 = arith.constant 0 : i32
    %c0_i32_1 = arith.constant 0 : i32
    return %c0_i32, %c0_i32_0 : i32, i32
  }
  func.func @transform_6(%arg0: i32) -> (i32, i32) {
    %c0_i32 = arith.constant 0 : i32
    %c0_i32_0 = arith.constant 0 : i32
    %c0_i32_1 = arith.constant 0 : i32
    return %c0_i32, %c0_i32_0 : i32, i32
  }
  func.func @transform_7(%arg0: i32) -> (i32, i32) {
    %c0_i32 = arith.constant 0 : i32
    %c0_i32_0 = arith.constant 0 : i32
    return %arg0, %c0_i32 : i32, i32
  }
}

module attributes {stable_mosaic.version = 14 : i64} {
  func.func @_p5_body(%arg0: i32, %arg1: memref<2000x128xf32, #tpu.memory_space<vmem>>, %arg2: memref<1x2000x128xf32, #tpu.memory_space<vmem>>, %arg3: memref<1x2000x128xf32, #tpu.memory_space<vmem>>, %arg4: memref<1x2000x128xf32, #tpu.memory_space<vmem>>, %arg5: memref<1x2000x128xf32, #tpu.memory_space<vmem>>, %arg6: memref<128x128xf32, #tpu.memory_space<vmem>>, %arg7: memref<128x128xf32, #tpu.memory_space<vmem>>, %arg8: memref<1x128xf32, #tpu.memory_space<vmem>>, %arg9: memref<128x128xf32, #tpu.memory_space<vmem>>, %arg10: memref<1x128xf32, #tpu.memory_space<vmem>>, %arg11: memref<2000x128xf32, #tpu.memory_space<vmem>>) attributes {dimension_semantics = [#tpu.dimension_semantics<arbitrary>], iteration_bounds = array<i64: 5>, scalar_prefetch = 0 : i64, scratch_operands = 0 : i64, tpu.core_type = #tpu.core_type<tc>, window_params = [{transform_indices = @transform_0, window_bounds = array<i64: 2000, 128>}, {transform_indices = @transform_1, window_bounds = array<i64: 1, 2000, 128>}, {transform_indices = @transform_2, window_bounds = array<i64: 1, 2000, 128>}, {transform_indices = @transform_3, window_bounds = array<i64: 1, 2000, 128>}, {transform_indices = @transform_4, window_bounds = array<i64: 1, 2000, 128>}, {pipeline_mode = #tpu.pipeline_mode<synchronous>, transform_indices = @transform_5, window_bounds = array<i64: 128, 128>}, {pipeline_mode = #tpu.pipeline_mode<synchronous>, transform_indices = @transform_6, window_bounds = array<i64: 128, 128>}, {pipeline_mode = #tpu.pipeline_mode<synchronous>, transform_indices = @transform_7, window_bounds = array<i64: 1, 128>}, {pipeline_mode = #tpu.pipeline_mode<synchronous>, transform_indices = @transform_8, window_bounds = array<i64: 128, 128>}, {pipeline_mode = #tpu.pipeline_mode<synchronous>, transform_indices = @transform_9, window_bounds = array<i64: 1, 128>}, {transform_indices = @transform_10, window_bounds = array<i64: 2000, 128>}]} {
    %get3A = arith.constant 0 : index
    %get3A_0 = arith.constant 0 : index
    %get3A_1 = vector.load %arg1[%get3A, %get3A_0] : memref<2000x128xf32, #tpu.memory_space<vmem>>, vector<2000x128xf32>
    %get3A_2 = arith.constant 0 : index
    %get3A_3 = arith.constant 0 : index
    %get3A_4 = arith.constant 0 : index
    %get3A_5 = vector.load %arg2[%get3A_2, %get3A_3, %get3A_4] : memref<1x2000x128xf32, #tpu.memory_space<vmem>>, vector<1x2000x128xf32>
    %get3A_6 = vector.shape_cast %get3A_5 : vector<1x2000x128xf32> to vector<2000x128xf32>
    %get3A_7 = arith.constant 0 : index
    %get3A_8 = arith.constant 0 : index
    %get3A_9 = arith.constant 0 : index
    %get3A_10 = vector.load %arg3[%get3A_7, %get3A_8, %get3A_9] : memref<1x2000x128xf32, #tpu.memory_space<vmem>>, vector<1x2000x128xf32>
    %get3A_11 = vector.shape_cast %get3A_10 : vector<1x2000x128xf32> to vector<2000x128xf32>
    %add3A = arith.addf %get3A_6, %get3A_11 : vector<2000x128xf32>
    %get3A_12 = arith.constant 0 : index
    %get3A_13 = arith.constant 0 : index
    %get3A_14 = arith.constant 0 : index
    %get3A_15 = vector.load %arg4[%get3A_12, %get3A_13, %get3A_14] : memref<1x2000x128xf32, #tpu.memory_space<vmem>>, vector<1x2000x128xf32>
    %get3A_16 = vector.shape_cast %get3A_15 : vector<1x2000x128xf32> to vector<2000x128xf32>
    %slice3A = vector.extract_strided_slice %get3A_16 {offsets = [0, 0], sizes = [2000, 1], strides = [1, 1]} : vector<2000x128xf32> to vector<2000x1xf32>
    %get3A_17 = arith.constant 0 : index
    %get3A_18 = arith.constant 0 : index
    %get3A_19 = arith.constant 0 : index
    %get3A_20 = vector.load %arg5[%get3A_17, %get3A_18, %get3A_19] : memref<1x2000x128xf32, #tpu.memory_space<vmem>>, vector<1x2000x128xf32>
    %get3A_21 = vector.shape_cast %get3A_20 : vector<1x2000x128xf32> to vector<2000x128xf32>
    %slice3A_22 = vector.extract_strided_slice %get3A_21 {offsets = [0, 0], sizes = [2000, 1], strides = [1, 1]} : vector<2000x128xf32> to vector<2000x1xf32>
    %add3A_23 = arith.addf %slice3A, %slice3A_22 : vector<2000x1xf32>
    %jit3A = arith.constant 1.000000e+00 : f32
    %max3A = vector.broadcast %jit3A : f32 to vector<2000x1xf32>
    %max3A_24 = arith.maximumf %max3A, %add3A_23 : vector<2000x1xf32>
    %div3A = vector.broadcast %max3A_24 : vector<2000x1xf32> to vector<2000x128xf32>
    %div3A_25 = arith.divf %add3A, %div3A : vector<2000x128xf32>
    %get3A_26 = arith.constant 0 : index
    %get3A_27 = arith.constant 0 : index
    %get3A_28 = vector.load %arg6[%get3A_26, %get3A_27] : memref<128x128xf32, #tpu.memory_space<vmem>>, vector<128x128xf32>
    %dot_general3A = arith.constant dense<0.000000e+00> : vector<2000x128xf32>
    %dot_general3A_29 = tpu.matmul %get3A_1, %get3A_28, %dot_general3A {dimension_numbers = #tpu.dot_dimension_numbers<[1], [0], [0], [1], [0, 0, 1, 1], [], []>, transpose_lhs_hint = false} : vector<2000x128xf32>, vector<128x128xf32>, vector<2000x128xf32> -> vector<2000x128xf32>
    %get3A_30 = arith.constant 0 : index
    %get3A_31 = arith.constant 0 : index
    %get3A_32 = vector.load %arg7[%get3A_30, %get3A_31] : memref<128x128xf32, #tpu.memory_space<vmem>>, vector<128x128xf32>
    %dot_general3A_33 = arith.constant dense<0.000000e+00> : vector<2000x128xf32>
    %dot_general3A_34 = tpu.matmul %div3A_25, %get3A_32, %dot_general3A_33 {dimension_numbers = #tpu.dot_dimension_numbers<[1], [0], [0], [1], [0, 0, 1, 1], [], []>, transpose_lhs_hint = false} : vector<2000x128xf32>, vector<128x128xf32>, vector<2000x128xf32> -> vector<2000x128xf32>
    %add3A_35 = arith.addf %dot_general3A_29, %dot_general3A_34 : vector<2000x128xf32>
    %get3A_36 = arith.constant 0 : index
    %get3A_37 = arith.constant 0 : index
    %get3A_38 = vector.load %arg8[%get3A_36, %get3A_37] : memref<1x128xf32, #tpu.memory_space<vmem>>, vector<1x128xf32>
    %add3A_39 = vector.broadcast %get3A_38 : vector<1x128xf32> to vector<2000x128xf32>
    %add3A_40 = arith.addf %add3A_35, %add3A_39 : vector<2000x128xf32>
    %logistic3A = arith.negf %add3A_40 : vector<2000x128xf32>
    %logistic3A_41 = math.exp %logistic3A : vector<2000x128xf32>
    %logistic3A_42 = arith.constant 1.000000e+00 : f32
    %logistic3A_43 = vector.broadcast %logistic3A_42 : f32 to vector<2000x128xf32>
    %logistic3A_44 = arith.addf %logistic3A_43, %logistic3A_41 : vector<2000x128xf32>
    %logistic3A_45 = arith.divf %logistic3A_43, %logistic3A_44 : vector<2000x128xf32>
    %mul3A = arith.mulf %add3A_40, %logistic3A_45 : vector<2000x128xf32>
    %get3A_46 = arith.constant 0 : index
    %get3A_47 = arith.constant 0 : index
    %get3A_48 = vector.load %arg9[%get3A_46, %get3A_47] : memref<128x128xf32, #tpu.memory_space<vmem>>, vector<128x128xf32>
    %dot_general3A_49 = arith.constant dense<0.000000e+00> : vector<2000x128xf32>
    %dot_general3A_50 = tpu.matmul %mul3A, %get3A_48, %dot_general3A_49 {dimension_numbers = #tpu.dot_dimension_numbers<[1], [0], [0], [1], [0, 0, 1, 1], [], []>, transpose_lhs_hint = false} : vector<2000x128xf32>, vector<128x128xf32>, vector<2000x128xf32> -> vector<2000x128xf32>
    %get3A_51 = arith.constant 0 : index
    %get3A_52 = arith.constant 0 : index
    %get3A_53 = vector.load %arg10[%get3A_51, %get3A_52] : memref<1x128xf32, #tpu.memory_space<vmem>>, vector<1x128xf32>
    %add3A_54 = vector.broadcast %get3A_53 : vector<1x128xf32> to vector<2000x128xf32>
    %add3A_55 = arith.addf %dot_general3A_50, %add3A_54 : vector<2000x128xf32>
    %logistic3A_56 = arith.negf %add3A_55 : vector<2000x128xf32>
    %logistic3A_57 = math.exp %logistic3A_56 : vector<2000x128xf32>
    %logistic3A_58 = arith.constant 1.000000e+00 : f32
    %logistic3A_59 = vector.broadcast %logistic3A_58 : f32 to vector<2000x128xf32>
    %logistic3A_60 = arith.addf %logistic3A_59, %logistic3A_57 : vector<2000x128xf32>
    %logistic3A_61 = arith.divf %logistic3A_59, %logistic3A_60 : vector<2000x128xf32>
    %mul3A_62 = arith.mulf %add3A_55, %logistic3A_61 : vector<2000x128xf32>
    %add3A_63 = arith.addf %get3A_1, %mul3A_62 : vector<2000x128xf32>
    %swap3A = arith.constant 0 : index
    %swap3A_64 = arith.constant 0 : index
    %swap3A_65 = vector.load %arg11[%swap3A, %swap3A_64] : memref<2000x128xf32, #tpu.memory_space<vmem>>, vector<2000x128xf32>
    tpu.vector_store %arg11[%swap3A, %swap3A_64], %add3A_63 {strides = array<i32>} : memref<2000x128xf32, #tpu.memory_space<vmem>>, vector<2000x128xf32>,
    return
  }
  func.func @transform_0(%arg0: i32) -> (i32, i32) {
    %c0_i32 = arith.constant 0 : i32
    %c0_i32_0 = arith.constant 0 : i32
    return %arg0, %c0_i32 : i32, i32
  }
  func.func @transform_1(%arg0: i32) -> (i32, i32, i32) {
    %c0_i32 = arith.constant 0 : i32
    %c0_i32_0 = arith.constant 0 : i32
    %c0_i32_1 = arith.constant 0 : i32
    return %c0_i32, %arg0, %c0_i32_0 : i32, i32, i32
  }
  func.func @transform_2(%arg0: i32) -> (i32, i32, i32) {
    %c1_i32 = arith.constant 1 : i32
    %c0_i32 = arith.constant 0 : i32
    %c0_i32_0 = arith.constant 0 : i32
    return %c1_i32, %arg0, %c0_i32 : i32, i32, i32
  }
  func.func @transform_3(%arg0: i32) -> (i32, i32, i32) {
    %c0_i32 = arith.constant 0 : i32
    %c0_i32_0 = arith.constant 0 : i32
    %c0_i32_1 = arith.constant 0 : i32
    return %c0_i32, %arg0, %c0_i32_0 : i32, i32, i32
  }
  func.func @transform_4(%arg0: i32) -> (i32, i32, i32) {
    %c1_i32 = arith.constant 1 : i32
    %c0_i32 = arith.constant 0 : i32
    %c0_i32_0 = arith.constant 0 : i32
    return %c1_i32, %arg0, %c0_i32 : i32, i32, i32
  }
  func.func @transform_5(%arg0: i32) -> (i32, i32) {
    %c0_i32 = arith.constant 0 : i32
    %c0_i32_0 = arith.constant 0 : i32
    %c0_i32_1 = arith.constant 0 : i32
    return %c0_i32, %c0_i32_0 : i32, i32
  }
  func.func @transform_6(%arg0: i32) -> (i32, i32) {
    %c0_i32 = arith.constant 0 : i32
    %c0_i32_0 = arith.constant 0 : i32
    %c0_i32_1 = arith.constant 0 : i32
    return %c0_i32, %c0_i32_0 : i32, i32
  }
  func.func @transform_7(%arg0: i32) -> (i32, i32) {
    %c0_i32 = arith.constant 0 : i32
    %c0_i32_0 = arith.constant 0 : i32
    %c0_i32_1 = arith.constant 0 : i32
    return %c0_i32, %c0_i32_0 : i32, i32
  }
  func.func @transform_8(%arg0: i32) -> (i32, i32) {
    %c0_i32 = arith.constant 0 : i32
    %c0_i32_0 = arith.constant 0 : i32
    %c0_i32_1 = arith.constant 0 : i32
    return %c0_i32, %c0_i32_0 : i32, i32
  }
  func.func @transform_9(%arg0: i32) -> (i32, i32) {
    %c0_i32 = arith.constant 0 : i32
    %c0_i32_0 = arith.constant 0 : i32
    %c0_i32_1 = arith.constant 0 : i32
    return %c0_i32, %c0_i32_0 : i32, i32
  }
  func.func @transform_10(%arg0: i32) -> (i32, i32) {
    %c0_i32 = arith.constant 0 : i32
    %c0_i32_0 = arith.constant 0 : i32
    return %arg0, %c0_i32 : i32, i32
  }
}

</mosaic_0001>

<sc_bundles>
// kernel: kernel.11.cloned.1.call-start
scs
__scs_entry_jumppad:
0x0: {  	(pc) =	sbr.rel $0x88, $3  }
0x1: {  	(tag) =	ssettag $0x0;
	lr =	simm.s32 $0x1  }
0x2: {  	[smem:$0x3F94] =	sst lr;
	_ =	strace $0xD0000000  }
0x3: {  	_ = 	snop  }
0x4: {  	_ = 	snop  }
0x5: {  	_ = 	snop  }
0x6: {  	_ = 	snop  }
0x7: {  	_ = 	snop  }
__scs_overlays_trampoline_lowered:
0x8: {  	[smem:$0x3FA3] =	sst s0  }
0x9: {  	[smem:$0x3FA4] =	sst s1  }
0xa: {  	[smem:$0x3FA5] =	sst s2  }
0xb: {  	[smem:$0x3FA6] =	sst s3  }
0xc: {  	[smem:$0x3FA7] =	sst s4  }
0xd: {  	[smem:$0x3FA8] =	sst s5  }
0xe: {  	[smem:$0x3FA9] =	sst s6  }
0xf: {  	[smem:$0x3FAA] =	sst s7  }
0x10: {  	[smem:$0x3FAB] =	sst s8  }
0x11: {  	[smem:$0x3FAC] =	sst s9;
	s0 =	simm.s32 @!p0 $0x0  }
0x12: {  	s1 =	sld [smem:$0x3F92];
	s0 =	simm.s32 @p0 $0x1  }
0x13: {  	[smem:$0x3FAD] =	sst s0;
	s0 =	simm.s32 @!p1 $0x0  }
0x14: {  	s2 =	sld [smem:$0x3F91];
	s0 =	simm.s32 @p1 $0x1  }
0x15: {  	[smem:$0x3FAE] =	sst s0;
	s0 =	simm.s32 @!p2 $0x0  }
0x16: {  	s3 =	sld [smem:$0x3FDB];
	s0 =	simm.s32 @p2 $0x1  }
0x17: {  	s4 =	simm.s32 $0x1BF5;
	[smem:$0x3FB0] =	sst s0  }
0x18: {  	s0 =	sld [smem:$0x3F93];
	_ =	swait.ge [sflag:s4], $0x0  }
0x19: {  	s7 =	sld [smem:$0x3F94]  }
0x1a: {  	s8 =	sadd.s32 $0xFFFFE003, lr  }
0x1b: {  	s9 =	sadd.s32 $0xFFFFFEF7, lr;
	s5 =	simm.s32 $0xFFFFFFFF;
	p2 =	slt.u32 s8, $0xFFFFF086  }
0x1c: {  	p1 =	slt.u32 s9, $0xF7A;
	s5 =	simm.s32 @!p2 $0x0  }
0x1d: {  	s5 =	simm.s32 @p1 $0x1;
	p0 =	seq.s32 s7, s2  }
0x1e: {  	s7 =	smul.u32 @!p0 $0xF7A, s2;
	p2 =	seq.s32 @!p0 s5, $0x0  }
0x1f: {  	s9 =	smul.u32 $0xF7A, s1;
	s8 =	simm.s32 @!p0 $0x1BF5;
	p2 =	por !p2, p0  }
0x20: {  	[sflag:s8] =	ssyncset.s32 @!p0 $0xFFFFF086;
	s6 =	sadd.s32 @!p0 s3, s7;
	s7 =	simm.s32 @!p0 $0x108  }
0x21: {  	s3 =	sadd.s32 s3, s9;
	s6 =	sadd.s32 @!p0 $0x88, s6;
	s7 =	simm.s32 @p2 $0x1082  }
0x22: {  	[simem:s7], [sflag:s8] =	dma.local @!p0 [hbm:s6], $0xF7A  }
0x23: {  	s9 =	sor.u32 $0xD0000000, s2;
	s6 =	simm.s32 $0x108;
	_ =	swait.ge @!p0 [sflag:s8], $0x0  }
0x24: {  	s3 =	sadd.s32 $0x88, s3;
	s6 =	simm.s32 @!p1 $0x1082;
	[sflag:s4] =	ssyncset.s32 $0xFFFFF086  }
0x25: {  	[simem:s6], [sflag:s4] =	dma.local [hbm:s3], $0xF7A  }
0x26: {  	[smem:$0x3F94] =	sst s1;
	(tag) =	ssettag s2;
	_ =	strace s9  }
0x27: {  	s1 =	sld [smem:$0x3FA4]  }
0x28: {  	s2 =	sld [smem:$0x3FA5]  }
0x29: {  	s4 =	sld [smem:$0x3FA7]  }
0x2a: {  	p0 =	seq.s32 s5, $0x0;
	s5 =	sld [smem:$0x3FA8]  }
0x2b: {  	s6 =	sld [smem:$0x3FA9]  }
0x2c: {  	s7 =	sld [smem:$0x3FAA]  }
0x2d: {  	s3 =	simm.s32 $0x108;
	s8 =	sld [smem:$0x3FAB]  }
0x2e: {  	s3 =	simm.s32 @!p0 $0x1082;
	s9 =	sld [smem:$0x3FAC]  }
0x2f: {  	lr =	sadd.s32 s0, s3;
	s0 =	sld [smem:$0x3FA3]  }
0x30: {  	s3 =	sld [smem:$0x3FA6]  }
0x31: {  	[smem:$0x3FAF] =	sst s10  }
0x32: {  	s10 =	sld [smem:$0x3FAD];
	_ =	sdelay $0x3  }
0x33: {  	p0 =	seq.s32 s10, $0x1;
	s10 =	sld [smem:$0x3FAF];
	_ =	sdelay $0x3  }
0x34: {  	[smem:$0x3FAF] =	sst s10  }
0x35: {  	s10 =	sld [smem:$0x3FAE];
	_ =	sdelay $0x3  }
0x36: {  	p1 =	seq.s32 s10, $0x1;
	s10 =	sld [smem:$0x3FAF];
	_ =	sdelay $0x3  }
0x37: {  	[smem:$0x3FAF] =	sst s10  }
0x38: {  	s10 =	sld [smem:$0x3FB0]  }
0x39: {  	_ = 	snop;
	(pc) =	sbr.ind lr, $3  }
0x3a: {  	_ = 	snop  }
0x3b: {  	_ = 	snop  }
0x3c: {  	p2 =	seq.s32 s10, $0x1;
	s10 =	sld [smem:$0x3FAF]  }
0x3d: {  	_ =	shalt  }
0x3e: {  	_ =	shalt  }
0x3f: {  	_ =	shalt  }
0x40: {  	_ =	shalt  }
0x41: {  	_ =	shalt  }
0x42: {  	_ =	shalt  }
0x43: {  	_ =	shalt  }
0x44: {  	_ =	shalt  }
0x45: {  	_ =	shalt  }
0x46: {  	_ =	shalt  }
0x47: {  	_ =	shalt  }
0x48: {  	_ =	shalt  }
0x49: {  	_ =	shalt  }
0x4a: {  	_ =	shalt  }
0x4b: {  	_ =	shalt  }
0x4c: {  	_ =	shalt  }
0x4d: {  	_ =	shalt  }
0x4e: {  	_ =	shalt  }
0x4f: {  	_ =	shalt  }
0x50: {  	_ =	shalt  }
0x51: {  	_ =	shalt  }
0x52: {  	_ =	shalt  }
0x53: {  	_ =	shalt  }
0x54: {  	_ =	shalt  }
0x55: {  	_ =	shalt  }
0x56: {  	_ =	shalt  }
0x57: {  	_ =	shalt  }
0x58: {  	_ =	shalt  }
0x59: {  	_ =	shalt  }
0x5a: {  	_ =	shalt  }
0x5b: {  	_ =	shalt  }
0x5c: {  	_ =	shalt  }
0x5d: {  	_ =	shalt  }
0x5e: {  	_ =	shalt  }
0x5f: {  	_ =	shalt  }
0x60: {  	_ =	shalt  }
0x61: {  	_ =	shalt  }
0x62: {  	_ =	shalt  }
0x63: {  	_ =	shalt  }
0x64: {  	_ =	shalt  }
0x65: {  	_ =	shalt  }
0x66: {  	_ =	shalt  }
0x67: {  	_ =	shalt  }
0x68: {  	_ =	shalt  }
0x69: {  	_ =	shalt  }
0x6a: {  	_ =	shalt  }
0x6b: {  	_ =	shalt  }
0x6c: {  	_ =	shalt  }
0x6d: {  	_ =	shalt  }
0x6e: {  	_ =	shalt  }
0x6f: {  	_ =	shalt  }
0x70: {  	_ =	shalt  }
0x71: {  	_ =	shalt  }
0x72: {  	_ =	shalt  }
0x73: {  	_ =	shalt  }
0x74: {  	_ =	shalt  }
0x75: {  	_ =	shalt  }
0x76: {  	_ =	shalt  }
0x77: {  	_ =	shalt  }
0x78: {  	_ =	shalt  }
0x79: {  	_ =	shalt  }
0x7a: {  	_ =	shalt  }
0x7b: {  	_ =	shalt  }
0x7c: {  	_ =	shalt  }
0x7d: {  	_ =	shalt  }
0x7e: {  	_ =	shalt  }
0x7f: {  	_ =	shalt  }
0x80: {  	_ =	shalt  }
0x81: {  	_ =	shalt  }
0x82: {  	_ =	shalt  }
0x83: {  	_ =	shalt  }
0x84: {  	_ =	shalt  }
0x85: {  	_ =	shalt  }
0x86: {  	_ =	shalt  }
0x87: {  	_ =	shalt  }
.Lfunc_end0:
.L_simem_size_0:
called_computation.1_lowered:
.L_overlay_start_0:
0x88: {  	s2 =	sld [smem:$0x3FD9]  }
0x89: {  	s3 =	sld [smem:$0x3FFE];
	_ =	sdelay $0x1  }
0x8a: {  	s1 =	srdreg.scid  }
0x8b: {  	s0 =	sand.u32 $0x1, s1  }
0x8c: {  	s17 =	sshll.u32 s0, $0xA;
	s2 =	sadd.s32 s3, s2  }
0x8d: {  	s2 =	sadd.s32 s2, s17  }
0x8e: {  	[smem:$0x3FBB] =	sst s2  }
0x8f: {  	_ = 	snop  }
0x90: {  	(tm) =	ssettm $0x1  }
0x91: {  	s18 =	sld [smem:$0x3FFB];
	_ =	sdelay $0x3  }
0x92: {  	_ =	strace s18  }
0x93: {  	s2 =	sld [smem:$0x3FFC];
	_ =	sdelay $0x3  }
0x94: {  	_ =	strace s2  }
0x95: {  	s2 =	sld [smem:$0x3FFD];
	_ =	sdelay $0x3  }
0x96: {  	_ =	strace s2  }
0x97: {  	_ =	strace $0x8FFFFFFF  }
0x98: {  	s19 =	sld [smem:$0x3FDB];
	_ =	sdelay $0x1  }
0x99: {  	s20 =	simm.s32 $_scs_section_size  }
0x9a: {  	s4 =	simm.s32 $_size__tile_overlayer_lowered;
	s5 =	simm.s32 $_tile_overlayer_lowered  }
0x9b: {  	s6 =	simm.s32 $0x1BFF;
	s21 =	sshll.u32 s5, $0x1;
	s3 =	sadd.s32 s20, s19  }
0x9c: {  	s22 =	simm.s32 $0x0;
	s4 =	sshll.u32 s4, $0x1;
	s5 =	sadd.s32 s21, s3  }
0x9d: {  	[timem:s22], [sflag:s6] =	dma.local [hbm:s5], s4  }
0x9e: {  	_ =	swait.ge [sflag:s6], s4  }
0x9f: {  	s4 =	ssub.s32 $0x0, s4;
	[sflag:s6] =	ssyncset.done $0x0  }
0xa0: {  	[sflag:s6] =	ssyncadd.s32 s4;
	_ =	sdelay $0x1  }
0xa1: {  	s23 =	simm.s32 $0x1B8B  }
0xa2: {  	_ =	swait.ge [sflag:s23], $0x1  }
0xa3: {  	[sflag:s23] =	ssyncset.done $0x0  }
0xa4: {  	[sflag:s23] =	ssyncadd.s32 $0xFFFFFFFF  }
0xa5: {  	s4 =	sld [smem:$0x0]  }
0xa6: {  	s5 =	sand.u32 $0xFFFFFFFE, s1  }
0xa7: {  	p0 =	sne.s32 s1, s5  }
0xa8: {  	s5 =	sshll.u32 @p0 s5, $0xE  }
0xa9: {  	s5 =	sadd.s32 @p0 $0x11B8D, s5;
	s6 =	sshll.u32 @p0 s4, $0x11  }
0xaa: {  	s5 =	sor.u32 @p0 s6, s5  }
0xab: {  	[sflag:s5] =	ssyncadd.remote.s32 @p0 $0x1;
	_ =	sdelay $0x1  }
0xac: {  	s5 =	simm.s32 @p0 $0x1B8D  }
0xad: {  	_ =	swait.eq @p0 [sflag:s5], $0x1  }
0xae: {  	[sflag:s5] =	ssyncadd.s32 @p0 $0xFFFFFFFF  }
0xaf: {  	s6 =	sshll.u32 @!p0 s1, $0xE  }
0xb0: {  	s6 =	sor.u32 @!p0 $0x4000, s6;
	s5 =	simm.s32 @!p0 $0x1B8D  }
0xb1: {  	s4 =	sshll.u32 @!p0 s4, $0x11;
	s6 =	sadd.s32 @!p0 $0x11B8D, s6;
	_ =	swait.eq @!p0 [sflag:s5], $0x1  }
0xb2: {  	s4 =	sor.u32 @!p0 s4, s6;
	[sflag:s5] =	ssyncadd.s32 @!p0 $0xFFFFFFFF  }
0xb3: {  	s25 =	simm.s32 $0x1B8E;
	s24 =	sld [smem:$0x3FFE];
	[sflag:s4] =	ssyncadd.remote.s32 @!p0 $0x1  }
0xb4: {  	s26 =	simm.s32 $execute0_lowered;
	[smem:$0x3FD2] =	sst s25  }
0xb5: {  	s5 =	sshll.u32 s26, $0x1;
	_ =	strace $0x80000049;
	[dreg:$0x1] =	wrdreg $0xFFFFFFFF  }
0xb6: {  	s28 =	simm.s32 $_size_execute0_lowered;
	s3 =	sadd.s32 s3, s5;
	[dreg:$0x0] =	wrdreg $0x0  }
0xb7: {  	s5 =	sshll.u32 s28, $0x1;
	[dreg:$0x2] =	wrdreg s3  }
0xb8: {  	[dreg:$0x3] =	wrdreg s5  }
0xb9: {  	[dreg:$0x4] =	wrdreg $0xC0  }
0xba: {  	_ =	task [dreg:s22], $0x5FFFF  }
0xbb: {  	[dreg:$0x1] =	wrdreg $0xFFFFFFFF  }
0xbc: {  	[dreg:$0x0] =	wrdreg $0x60  }
0xbd: {  	[dreg:$0x2] =	wrdreg s24  }
0xbe: {  	[dreg:$0x3] =	wrdreg $0xA8000  }
0xbf: {  	[dreg:$0x4] =	wrdreg $0x9  }
0xc0: {  	_ =	task.clear_ibuf [dreg:s22], $0x5FFFF;
	_ =	strace $0x90000049  }
0xc1: {  	s29 =	simm.s32 $0x9;
	_ =	strace $0x8000004B  }
0xc2: {  	_ =	swait.ge [sflag:s29], $0x1  }
0xc3: {  	[sflag:s29] =	ssyncadd.s32 $0xFFFFFFFF  }
0xc4: {  	_ =	strace $0x9000004B  }
0xc5: {  	_ =	sfence  }
0xc6: {  	s30 =	sld [smem:$0x0];
	_ =	sdelay $0x2  }
0xc7: {  	s31 =	sshll.u32 s1, $0xD;
	s1 =	sshrl.u32 s1, $0x2  }
0xc8: {  	s4 =	sand.u32 $0x4000, s31;
	s1 =	sadd.s32 s1, s30  }
0xc9: {  	s0 =	sor.u32 s4, s0;
	s1 =	sshll.u32 s1, $0x11  }
0xca: {  	s0 =	sor.u32 s1, s0  }
0xcb: {  	s0 =	sadd.s32 $0x8F2B, s0  }
0xcc: {  	[sflag:s0] =	ssyncadd.remote.s32 $0x1  }
0xcd: {  	_ =	sfence.sel $0xFFFF  }
0xce: {  	[dreg:$0x0] =	wrdreg $0xFFFFFFFF;
	(pc) =	sbr.abs _section_cstart, $3  }
0xcf: {  	[dreg:$0x1] =	wrdreg $0xFFFFFFFF  }
0xd0: {  	_ =	task.clear_ibuf [dreg:s22], $0x2FFFF;
	_ =	strace $0x9FFFFFFF  }
0xd1: {  	(tm) =	ssettm $0x7FFFFFFF  }
tec
execute0_lowered:
.L_overlay_start_1:
0x0: {  	(tag) =	ssettag $0x1  }
0x1: {  	s4 =	rddreg [dreg:$0x0]  }
0x2: {  	s2 =	rddreg [dreg:$0x1]  }
0x3: {  	s0 =	rddreg [dreg:$0x2];
	s3 =	simm.s32 $0x0;
	s1 =	stileid.u32  }
0x4: {  	s6 =	srdreg.scid;
	s19 =	simm.s32 $0x4000;
	s20 =	simm.s32 $0x0  }
0x5: {  	[smem:$0x7FF] =	sst s3;
	s5 =	sshll.u32 s1, $0xB;
	s7 =	smul.u32 $0x50000, s1  }
0x6: {  	s6 =	sand.u32 $0x1, s6;
	s14 =	sadd.s32 $0x531000, s4;
	s10 =	smul.u32 $0x280, s1  }
0x7: {  	_ =	strace $0x8000004A;
	s5 =	sadd.s32 s5, s4;
	s24 =	ssub.s32 $0x2, s6  }
0x8: {  	s9 =	sshll.u32 s6, $0xF;
	s16 =	smul.u32 $0x2800, s6;
	s8 =	sshrl.u32 s24, $0x1  }
0x9: {  	s25 =	sadd.s32 s9, s5;
	s26 =	sshrl.u32 s7, $0x2;
	s28 =	sadd.s32 $0x80, s10  }
0xa: {  	s12 =	sadd.s32 $0x100, s10;
	s13 =	sadd.s32 $0x180, s10;
	s17 =	sadd.s32 $0x200, s10  }
0xb: {  	s15 =	ssub.s32 s24, s8;
	s4 =	sadd.s32 $0x521000, s25;
	s5 =	sadd.s32 s26, s2  }
0xc: {  	s29 =	sshll.u32 s28, $0x7;
	s30 =	sshll.u32 s12, $0x7;
	s11 =	sshll.u32 s13, $0x7  }
0xd: {  	s10 =	sadd.s32 s10, s16;
	s9 =	sadd.s32 s16, s28;
	s31 =	sshll.u32 s17, $0x7  }
0xe: {  	s12 =	sadd.s32 s16, s12;
	s13 =	sadd.s32 s16, s13;
	s16 =	sadd.s32 s16, s17  }
0xf: {  	s17 =	simm.s32 $0x6800;
	s6 =	sadd.s32 s29, s2;
	s7 =	sadd.s32 s30, s2  }
0x10: {  	s8 =	sadd.s32 s11, s2;
	s10 =	sshll.u32 s10, $0x4;
	s18 =	sshll.u32 s9, $0x4  }
0x11: {  	s9 =	sadd.s32 s31, s2;
	s12 =	sshll.u32 s12, $0x4;
	s13 =	sshll.u32 s13, $0x4  }
0x12: {  	s16 =	sshll.u32 s16, $0x4;
	s15 =	smax.u32 s15, $0x1;
	s10 =	sadd.s32 s14, s10  }
0x13: {  	s11 =	sadd.s32 s14, s18;
	s12 =	sadd.s32 s14, s12;
	s13 =	sadd.s32 s14, s13  }
0x14: {  	v0 =	vimm.f32 $1.000000000e+00;
	v1 =	vimm.f32 $0.0e+00;
	s14 =	sadd.s32 s14, s16;
	s16 =	simm.s32 $0x1;
	s18 =	simm.s32 $0x50  }
.LBB2_1:
0x15: {  	s21 =	simm.s32 $0x0;
	s22 =	simm.s32 $0x200  }
.LBB2_2:
0x16: {  	p0 =	sne.s32 s22, $0x9E00;
	[tilespmem:s21+$0x4070] =	vst v0  }
0x17: {  	[tilespmem:s21+$0x4000] =	vst v0  }
0x18: {  	[tilespmem:s21+$0x4010] =	vst v0  }
.Ltmp0:
0x19: {  	[tilespmem:s21+$0x4020] =	vst v0;
	(pc) =	sbr.rel @p0 .LBB2_2-.Ltmp0, $4  }
0x1a: {  	[tilespmem:s21+$0x4030] =	vst v0  }
0x1b: {  	[tilespmem:s21+$0x4040] =	vst v0  }
0x1c: {  	[tilespmem:s21+$0x4050] =	vst v0  }
0x1d: {  	[tilespmem:s21+$0x4060] =	vst v0;
	s21 =	sshra.s32 s22, $0x2;
	s22 =	sadd.s32 $0x200, s22  }
0x1e: {  	[tilespmem:s21+$0x4070] =	vst v0  }
0x1f: {  	[tilespmem:s21+$0x4000] =	vst v0  }
0x20: {  	[tilespmem:s21+$0x4010] =	vst v0  }
0x21: {  	[tilespmem:s21+$0x4020] =	vst v0  }
0x22: {  	[tilespmem:s21+$0x4030] =	vst v0  }
0x23: {  	[tilespmem:s21+$0x4040] =	vst v0  }
0x24: {  	[tilespmem:s21+$0x4050] =	vst v0  }
0x25: {  	[tilespmem:s21+$0x4060] =	vst v0;
	s21 =	simm.s32 $0x0;
	s22 =	simm.s32 $0x200  }
.LBB2_4:
0x26: {  	p0 =	sne.s32 s22, $0xFE00;
	[tilespmem:s21+$0x6870] =	vst v1  }
0x27: {  	[tilespmem:s21+$0x6800] =	vst v1  }
0x28: {  	[tilespmem:s21+$0x6810] =	vst v1  }
.Ltmp1:
0x29: {  	[tilespmem:s21+$0x6820] =	vst v1;
	(pc) =	sbr.rel @p0 .LBB2_4-.Ltmp1, $4  }
0x2a: {  	[tilespmem:s21+$0x6830] =	vst v1  }
0x2b: {  	[tilespmem:s21+$0x6840] =	vst v1  }
0x2c: {  	[tilespmem:s21+$0x6850] =	vst v1  }
0x2d: {  	[tilespmem:s21+$0x6860] =	vst v1;
	s21 =	sshra.s32 s22, $0x2;
	s22 =	sadd.s32 $0x200, s22  }
0x2e: {  	[tilespmem:s21+$0x6870] =	vst v1  }
0x2f: {  	[tilespmem:s21+$0x6800] =	vst v1  }
0x30: {  	[tilespmem:s21+$0x6810] =	vst v1  }
0x31: {  	[tilespmem:s21+$0x6820] =	vst v1  }
0x32: {  	[tilespmem:s21+$0x6830] =	vst v1  }
0x33: {  	[tilespmem:s21+$0x6840] =	vst v1  }
0x34: {  	[tilespmem:s21+$0x6850] =	vst v1  }
0x35: {  	[tilespmem:s21+$0x6860] =	vst v1;
	s30 =	simm.s32 $0x0  }
0x36: {  	[tilespmem:s30], [sflag:$0x1] =	stream.linear.gather [hbm4b:s4+s30], $0x3E80, $0x38;
	[tilespmem:$0x1E800] =	vst v63  }
0x37: {  	_ =	swait.ge [sflag:s16], $0x3E80  }
0x38: {  	[sflag:s16] =	ssyncset.done $0x0  }
0x39: {  	[sflag:s16] =	ssyncadd.s32 $0xFFFFC180  }
0x3a: {  	[spmem:s5] =	stream.linear.scatter [tilespmem:s17], [sflag:$0x1], $0x4000, $0x38;
	[tilespmem:$0x1E800] =	vst v63  }
0x3b: {  	_ =	swait.ge [sflag:s16], $0x4000  }
0x3c: {  	[sflag:s16] =	ssyncset.done $0x0  }
0x3d: {  	[sflag:s16] =	ssyncadd.s32 $0xFFFFC000  }
0x3e: {  	[spmem:s6] =	stream.linear.scatter [tilespmem:s17], [sflag:$0x1], $0x4000, $0x38;
	[tilespmem:$0x1E800] =	vst v63  }
0x3f: {  	_ =	swait.ge [sflag:s16], $0x4000  }
0x40: {  	[sflag:s16] =	ssyncset.done $0x0  }
0x41: {  	[sflag:s16] =	ssyncadd.s32 $0xFFFFC000  }
0x42: {  	[spmem:s7] =	stream.linear.scatter [tilespmem:s17], [sflag:$0x1], $0x4000, $0x38;
	[tilespmem:$0x1E800] =	vst v63  }
0x43: {  	_ =	swait.ge [sflag:s16], $0x4000  }
0x44: {  	[sflag:s16] =	ssyncset.done $0x0  }
0x45: {  	[sflag:s16] =	ssyncadd.s32 $0xFFFFC000  }
0x46: {  	[spmem:s8] =	stream.linear.scatter [tilespmem:s17], [sflag:$0x1], $0x4000, $0x38;
	[tilespmem:$0x1E800] =	vst v63  }
0x47: {  	_ =	swait.ge [sflag:s16], $0x4000  }
0x48: {  	[sflag:s16] =	ssyncset.done $0x0  }
0x49: {  	[sflag:s16] =	ssyncadd.s32 $0xFFFFC000  }
0x4a: {  	[spmem:s9] =	stream.linear.scatter [tilespmem:s17], [sflag:$0x1], $0x4000, $0x38;
	[tilespmem:$0x1E800] =	vst v63  }
0x4b: {  	_ =	swait.ge [sflag:s16], $0x4000  }
0x4c: {  	[sflag:s16] =	ssyncset.done $0x0  }
0x4d: {  	[sflag:s16] =	ssyncadd.s32 $0xFFFFC000  }
0x4e: {  	s31 =	simm.s32 $0x0;
	[bflag:$0x0] =	sbarrier.arrive $0xFFFF  }
0x4f: {  	[spmem:s2] =	stream.indirect.scatter.add.f32 [tilespmem:s19], [sflag:$0x1], $0x80, s31, s18, $0xb8;
	[tilespmem:$0x1E800] =	vst v63  }
0x50: {  	_ =	swait.ge [sflag:s16], $0x2800  }
0x51: {  	s21 =	simm.s32 $0x200;
	[sflag:s16] =	ssyncset.done $0x0  }
.LBB2_6:
0x52: {  	s22 =	sshra.s32 s21, $0x2;
	[sflag:s16] =	ssyncadd.s32 $0xFFFFD800;
	p0 =	sne.s32 s21, $0xF800  }
0x53: {  	[spmem:s2] =	stream.indirect.scatter.add.f32 [tilespmem:s19], [sflag:$0x1], $0x80, s22, s18, $0xb8;
	[tilespmem:$0x1E800] =	vst v63  }
.Ltmp2:
0x54: {  	_ = 	snop;
	(pc) =	sbr.rel @p0 .LBB2_6-.Ltmp2, $4  }
0x55: {  	_ = 	snop  }
0x56: {  	s21 =	sadd.s32 $0x200, s21  }
0x57: {  	_ =	swait.ge [sflag:s16], $0x2800  }
0x58: {  	[sflag:s16] =	ssyncset.done $0x0  }
0x59: {  	[sflag:s16] =	ssyncadd.s32 $0xFFFFD800  }
0x5a: {  	[bflag:$0x0] =	sbarrier.arrive $0xFFFF  }
0x5b: {  	[tilespmem:s17], [sflag:$0x1] =	stream.linear.gather [spmem:s5], $0x4000, $0x38;
	[tilespmem:$0x1E800] =	vst v63  }
0x5c: {  	_ =	swait.ge [sflag:s16], $0x4000  }
0x5d: {  	[sflag:s16] =	ssyncset.done $0x0  }
0x5e: {  	[sflag:s16] =	ssyncadd.s32 $0xFFFFC000  }
0x5f: {  	[hbm4b:s10+s3] =	stream.linear.scatter [tilespmem:s17], [sflag:$0x1], $0x4000, $0x38;
	[tilespmem:$0x1E800] =	vst v63  }
0x60: {  	_ =	swait.ge [sflag:s16], $0x4000  }
0x61: {  	[sflag:s16] =	ssyncset.done $0x0  }
0x62: {  	[sflag:s16] =	ssyncadd.s32 $0xFFFFC000  }
0x63: {  	[tilespmem:s17], [sflag:$0x1] =	stream.linear.gather [spmem:s6], $0x4000, $0x38;
	[tilespmem:$0x1E800] =	vst v63  }
0x64: {  	_ =	swait.ge [sflag:s16], $0x4000  }
0x65: {  	[sflag:s16] =	ssyncset.done $0x0  }
0x66: {  	[sflag:s16] =	ssyncadd.s32 $0xFFFFC000  }
0x67: {  	[hbm4b:s11+s3] =	stream.linear.scatter [tilespmem:s17], [sflag:$0x1], $0x4000, $0x38;
	[tilespmem:$0x1E800] =	vst v63  }
0x68: {  	_ =	swait.ge [sflag:s16], $0x4000  }
0x69: {  	[sflag:s16] =	ssyncset.done $0x0  }
0x6a: {  	[sflag:s16] =	ssyncadd.s32 $0xFFFFC000  }
0x6b: {  	[tilespmem:s17], [sflag:$0x1] =	stream.linear.gather [spmem:s7], $0x4000, $0x38;
	[tilespmem:$0x1E800] =	vst v63  }
0x6c: {  	_ =	swait.ge [sflag:s16], $0x4000  }
0x6d: {  	[sflag:s16] =	ssyncset.done $0x0  }
0x6e: {  	[sflag:s16] =	ssyncadd.s32 $0xFFFFC000  }
0x6f: {  	[hbm4b:s12+s3] =	stream.linear.scatter [tilespmem:s17], [sflag:$0x1], $0x4000, $0x38;
	[tilespmem:$0x1E800] =	vst v63  }
0x70: {  	_ =	swait.ge [sflag:s16], $0x4000  }
0x71: {  	[sflag:s16] =	ssyncset.done $0x0  }
0x72: {  	[sflag:s16] =	ssyncadd.s32 $0xFFFFC000  }
0x73: {  	[tilespmem:s17], [sflag:$0x1] =	stream.linear.gather [spmem:s8], $0x4000, $0x38;
	[tilespmem:$0x1E800] =	vst v63  }
0x74: {  	_ =	swait.ge [sflag:s16], $0x4000  }
0x75: {  	[sflag:s16] =	ssyncset.done $0x0  }
0x76: {  	[sflag:s16] =	ssyncadd.s32 $0xFFFFC000  }
0x77: {  	[hbm4b:s13+s3] =	stream.linear.scatter [tilespmem:s17], [sflag:$0x1], $0x4000, $0x38;
	[tilespmem:$0x1E800] =	vst v63  }
0x78: {  	_ =	swait.ge [sflag:s16], $0x4000  }
0x79: {  	[sflag:s16] =	ssyncset.done $0x0  }
0x7a: {  	[sflag:s16] =	ssyncadd.s32 $0xFFFFC000  }
0x7b: {  	[tilespmem:s17], [sflag:$0x1] =	stream.linear.gather [spmem:s9], $0x4000, $0x38;
	[tilespmem:$0x1E800] =	vst v63  }
0x7c: {  	s20 =	sadd.s32 $0x1, s20;
	_ =	swait.ge [sflag:s16], $0x4000  }
0x7d: {  	p0 =	sne.s32 s20, s15;
	[sflag:s16] =	ssyncset.done $0x0  }
.Ltmp3:
0x7e: {  	[sflag:s16] =	ssyncadd.s32 $0xFFFFC000;
	(pc) =	sbr.rel @p0 .LBB2_1-.Ltmp3, $4  }
0x7f: {  	[hbm4b:s14+s3] =	stream.linear.scatter [tilespmem:s17], [sflag:$0x1], $0x4000, $0x38;
	[tilespmem:$0x1E800] =	vst v63  }
0x80: {  	_ =	swait.ge [sflag:s16], $0x4000  }
0x81: {  	[sflag:s16] =	ssyncset.done $0x0  }
0x82: {  	[sflag:s16] =	ssyncadd.s32 $0xFFFFC000  }
0x83: {  	_ =	sfence.sel $0x180000  }
0x84: {  	[bflag:$0x0] =	sbarrier.arrive $0xFFFF  }
0x85: {  	p0 =	sne.s32 s1, $0x0;
	_ =	strace $0x9000004A  }
0x86: {  	s0 =	sadd.s32 @!p0 $0x100000, s0;
	[bflag:$0x2] =	sbarrier.arrive $0xFFFF  }
0x87: {  	[sflag:s0] =	ssyncadd.tile.s32 @!p0 $0x1;
	_ =	shalt  }
.Lfunc_end2:
_tile_overlayer_lowered:
.L_overlay_start_2:
0x88: {  	(tag) =	ssettag $0x2  }
0x89: {  	s0 =	rddreg [dreg:$0x0];
	s2 =	stileid.u32  }
0x8a: {  	s1 =	rddreg [dreg:$0x1];
	p0 =	sne.s32 s2, $0x0  }
0x8b: {  	s3 =	rddreg [dreg:$0x2];
	[bflag:$0x3] =	sbarrier.arrive $0xFFFF;
	s2 =	simm.s32 @!p0 $0x1C01  }
0x8c: {  	[timem:s3], [sflag:s2] =	dma.local @!p0 [hbm:s0], s1  }
0x8d: {  	s0 =	simm.s32 @!p0 $0x1  }
0x8e: {  	_ =	swait.ge @!p0 [sflag:s0], s1  }
0x8f: {  	s1 =	ssub.s32 @!p0 $0x0, s1;
	[sflag:s0] =	ssyncset.done @!p0 $0x0  }
0x90: {  	[sflag:s0] =	ssyncadd.s32 @!p0 s1  }
0x91: {  	[bflag:$0x3] =	sbarrier.arrive $0xFFFF  }
0x92: {  	_ =	shalt  }

// kernel: kernel.14.cloned.1.call-start
scs
__scs_entry_jumppad:
0x0: {  	(pc) =	sbr.rel $0x88, $3  }
0x1: {  	(tag) =	ssettag $0x0;
	lr =	simm.s32 $0x1  }
0x2: {  	[smem:$0x3F94] =	sst lr;
	_ =	strace $0xD0000000  }
0x3: {  	_ = 	snop  }
0x4: {  	_ = 	snop  }
0x5: {  	_ = 	snop  }
0x6: {  	_ = 	snop  }
0x7: {  	_ = 	snop  }
__scs_overlays_trampoline_lowered:
0x8: {  	[smem:$0x3FA3] =	sst s0  }
0x9: {  	[smem:$0x3FA4] =	sst s1  }
0xa: {  	[smem:$0x3FA5] =	sst s2  }
0xb: {  	[smem:$0x3FA6] =	sst s3  }
0xc: {  	[smem:$0x3FA7] =	sst s4  }
0xd: {  	[smem:$0x3FA8] =	sst s5  }
0xe: {  	[smem:$0x3FA9] =	sst s6  }
0xf: {  	[smem:$0x3FAA] =	sst s7  }
0x10: {  	[smem:$0x3FAB] =	sst s8  }
0x11: {  	[smem:$0x3FAC] =	sst s9;
	s0 =	simm.s32 @!p0 $0x0  }
0x12: {  	s1 =	sld [smem:$0x3F92];
	s0 =	simm.s32 @p0 $0x1  }
0x13: {  	[smem:$0x3FAD] =	sst s0;
	s0 =	simm.s32 @!p1 $0x0  }
0x14: {  	s2 =	sld [smem:$0x3F91];
	s0 =	simm.s32 @p1 $0x1  }
0x15: {  	[smem:$0x3FAE] =	sst s0;
	s0 =	simm.s32 @!p2 $0x0  }
0x16: {  	s3 =	sld [smem:$0x3FDB];
	s0 =	simm.s32 @p2 $0x1  }
0x17: {  	s4 =	simm.s32 $0x1BF5;
	[smem:$0x3FB0] =	sst s0  }
0x18: {  	s0 =	sld [smem:$0x3F93];
	_ =	swait.ge [sflag:s4], $0x0  }
0x19: {  	s7 =	sld [smem:$0x3F94]  }
0x1a: {  	s8 =	sadd.s32 $0xFFFFE003, lr  }
0x1b: {  	s9 =	sadd.s32 $0xFFFFFEF7, lr;
	s5 =	simm.s32 $0xFFFFFFFF;
	p2 =	slt.u32 s8, $0xFFFFF086  }
0x1c: {  	p1 =	slt.u32 s9, $0xF7A;
	s5 =	simm.s32 @!p2 $0x0  }
0x1d: {  	s5 =	simm.s32 @p1 $0x1;
	p0 =	seq.s32 s7, s2  }
0x1e: {  	s7 =	smul.u32 @!p0 $0xF7A, s2;
	p2 =	seq.s32 @!p0 s5, $0x0  }
0x1f: {  	s9 =	smul.u32 $0xF7A, s1;
	s8 =	simm.s32 @!p0 $0x1BF5;
	p2 =	por !p2, p0  }
0x20: {  	[sflag:s8] =	ssyncset.s32 @!p0 $0xFFFFF086;
	s6 =	sadd.s32 @!p0 s3, s7;
	s7 =	simm.s32 @!p0 $0x108  }
0x21: {  	s3 =	sadd.s32 s3, s9;
	s6 =	sadd.s32 @!p0 $0x88, s6;
	s7 =	simm.s32 @p2 $0x1082  }
0x22: {  	[simem:s7], [sflag:s8] =	dma.local @!p0 [hbm:s6], $0xF7A  }
0x23: {  	s9 =	sor.u32 $0xD0000000, s2;
	s6 =	simm.s32 $0x108;
	_ =	swait.ge @!p0 [sflag:s8], $0x0  }
0x24: {  	s3 =	sadd.s32 $0x88, s3;
	s6 =	simm.s32 @!p1 $0x1082;
	[sflag:s4] =	ssyncset.s32 $0xFFFFF086  }
0x25: {  	[simem:s6], [sflag:s4] =	dma.local [hbm:s3], $0xF7A  }
0x26: {  	[smem:$0x3F94] =	sst s1;
	(tag) =	ssettag s2;
	_ =	strace s9  }
0x27: {  	s1 =	sld [smem:$0x3FA4]  }
0x28: {  	s2 =	sld [smem:$0x3FA5]  }
0x29: {  	s4 =	sld [smem:$0x3FA7]  }
0x2a: {  	p0 =	seq.s32 s5, $0x0;
	s5 =	sld [smem:$0x3FA8]  }
0x2b: {  	s6 =	sld [smem:$0x3FA9]  }
0x2c: {  	s7 =	sld [smem:$0x3FAA]  }
0x2d: {  	s3 =	simm.s32 $0x108;
	s8 =	sld [smem:$0x3FAB]  }
0x2e: {  	s3 =	simm.s32 @!p0 $0x1082;
	s9 =	sld [smem:$0x3FAC]  }
0x2f: {  	lr =	sadd.s32 s0, s3;
	s0 =	sld [smem:$0x3FA3]  }
0x30: {  	s3 =	sld [smem:$0x3FA6]  }
0x31: {  	[smem:$0x3FAF] =	sst s10  }
0x32: {  	s10 =	sld [smem:$0x3FAD];
	_ =	sdelay $0x3  }
0x33: {  	p0 =	seq.s32 s10, $0x1;
	s10 =	sld [smem:$0x3FAF];
	_ =	sdelay $0x3  }
0x34: {  	[smem:$0x3FAF] =	sst s10  }
0x35: {  	s10 =	sld [smem:$0x3FAE];
	_ =	sdelay $0x3  }
0x36: {  	p1 =	seq.s32 s10, $0x1;
	s10 =	sld [smem:$0x3FAF];
	_ =	sdelay $0x3  }
0x37: {  	[smem:$0x3FAF] =	sst s10  }
0x38: {  	s10 =	sld [smem:$0x3FB0]  }
0x39: {  	_ = 	snop;
	(pc) =	sbr.ind lr, $3  }
0x3a: {  	_ = 	snop  }
0x3b: {  	_ = 	snop  }
0x3c: {  	p2 =	seq.s32 s10, $0x1;
	s10 =	sld [smem:$0x3FAF]  }
0x3d: {  	_ =	shalt  }
0x3e: {  	_ =	shalt  }
0x3f: {  	_ =	shalt  }
0x40: {  	_ =	shalt  }
0x41: {  	_ =	shalt  }
0x42: {  	_ =	shalt  }
0x43: {  	_ =	shalt  }
0x44: {  	_ =	shalt  }
0x45: {  	_ =	shalt  }
0x46: {  	_ =	shalt  }
0x47: {  	_ =	shalt  }
0x48: {  	_ =	shalt  }
0x49: {  	_ =	shalt  }
0x4a: {  	_ =	shalt  }
0x4b: {  	_ =	shalt  }
0x4c: {  	_ =	shalt  }
0x4d: {  	_ =	shalt  }
0x4e: {  	_ =	shalt  }
0x4f: {  	_ =	shalt  }
0x50: {  	_ =	shalt  }
0x51: {  	_ =	shalt  }
0x52: {  	_ =	shalt  }
0x53: {  	_ =	shalt  }
0x54: {  	_ =	shalt  }
0x55: {  	_ =	shalt  }
0x56: {  	_ =	shalt  }
0x57: {  	_ =	shalt  }
0x58: {  	_ =	shalt  }
0x59: {  	_ =	shalt  }
0x5a: {  	_ =	shalt  }
0x5b: {  	_ =	shalt  }
0x5c: {  	_ =	shalt  }
0x5d: {  	_ =	shalt  }
0x5e: {  	_ =	shalt  }
0x5f: {  	_ =	shalt  }
0x60: {  	_ =	shalt  }
0x61: {  	_ =	shalt  }
0x62: {  	_ =	shalt  }
0x63: {  	_ =	shalt  }
0x64: {  	_ =	shalt  }
0x65: {  	_ =	shalt  }
0x66: {  	_ =	shalt  }
0x67: {  	_ =	shalt  }
0x68: {  	_ =	shalt  }
0x69: {  	_ =	shalt  }
0x6a: {  	_ =	shalt  }
0x6b: {  	_ =	shalt  }
0x6c: {  	_ =	shalt  }
0x6d: {  	_ =	shalt  }
0x6e: {  	_ =	shalt  }
0x6f: {  	_ =	shalt  }
0x70: {  	_ =	shalt  }
0x71: {  	_ =	shalt  }
0x72: {  	_ =	shalt  }
0x73: {  	_ =	shalt  }
0x74: {  	_ =	shalt  }
0x75: {  	_ =	shalt  }
0x76: {  	_ =	shalt  }
0x77: {  	_ =	shalt  }
0x78: {  	_ =	shalt  }
0x79: {  	_ =	shalt  }
0x7a: {  	_ =	shalt  }
0x7b: {  	_ =	shalt  }
0x7c: {  	_ =	shalt  }
0x7d: {  	_ =	shalt  }
0x7e: {  	_ =	shalt  }
0x7f: {  	_ =	shalt  }
0x80: {  	_ =	shalt  }
0x81: {  	_ =	shalt  }
0x82: {  	_ =	shalt  }
0x83: {  	_ =	shalt  }
0x84: {  	_ =	shalt  }
0x85: {  	_ =	shalt  }
0x86: {  	_ =	shalt  }
0x87: {  	_ =	shalt  }
.Lfunc_end0:
.L_simem_size_0:
called_computation.2_lowered:
.L_overlay_start_0:
0x88: {  	s2 =	sld [smem:$0x3FD9]  }
0x89: {  	s3 =	sld [smem:$0x3FFE];
	_ =	sdelay $0x1  }
0x8a: {  	s1 =	srdreg.scid  }
0x8b: {  	s0 =	sand.u32 $0x1, s1  }
0x8c: {  	s17 =	sshll.u32 s0, $0xA;
	s2 =	sadd.s32 s3, s2  }
0x8d: {  	s2 =	sadd.s32 s2, s17  }
0x8e: {  	[smem:$0x3FBB] =	sst s2  }
0x8f: {  	_ = 	snop  }
0x90: {  	(tm) =	ssettm $0x1  }
0x91: {  	s18 =	sld [smem:$0x3FFB];
	_ =	sdelay $0x3  }
0x92: {  	_ =	strace s18  }
0x93: {  	s2 =	sld [smem:$0x3FFC];
	_ =	sdelay $0x3  }
0x94: {  	_ =	strace s2  }
0x95: {  	s2 =	sld [smem:$0x3FFD];
	_ =	sdelay $0x3  }
0x96: {  	_ =	strace s2  }
0x97: {  	_ =	strace $0x8FFFFFFF  }
0x98: {  	s19 =	sld [smem:$0x3FDB];
	_ =	sdelay $0x1  }
0x99: {  	s20 =	simm.s32 $_scs_section_size  }
0x9a: {  	s4 =	simm.s32 $_size__tile_overlayer_lowered;
	s5 =	simm.s32 $_tile_overlayer_lowered  }
0x9b: {  	s6 =	simm.s32 $0x1BFF;
	s21 =	sshll.u32 s5, $0x1;
	s3 =	sadd.s32 s20, s19  }
0x9c: {  	s22 =	simm.s32 $0x0;
	s4 =	sshll.u32 s4, $0x1;
	s5 =	sadd.s32 s21, s3  }
0x9d: {  	[timem:s22], [sflag:s6] =	dma.local [hbm:s5], s4  }
0x9e: {  	_ =	swait.ge [sflag:s6], s4  }
0x9f: {  	s4 =	ssub.s32 $0x0, s4;
	[sflag:s6] =	ssyncset.done $0x0  }
0xa0: {  	[sflag:s6] =	ssyncadd.s32 s4;
	_ =	sdelay $0x1  }
0xa1: {  	s23 =	simm.s32 $0x1B8B  }
0xa2: {  	_ =	swait.ge [sflag:s23], $0x1  }
0xa3: {  	[sflag:s23] =	ssyncset.done $0x0  }
0xa4: {  	[sflag:s23] =	ssyncadd.s32 $0xFFFFFFFF  }
0xa5: {  	s4 =	sld [smem:$0x0]  }
0xa6: {  	s5 =	sand.u32 $0xFFFFFFFE, s1  }
0xa7: {  	p0 =	sne.s32 s1, s5  }
0xa8: {  	s5 =	sshll.u32 @p0 s5, $0xE  }
0xa9: {  	s5 =	sadd.s32 @p0 $0x11B8D, s5;
	s6 =	sshll.u32 @p0 s4, $0x11  }
0xaa: {  	s5 =	sor.u32 @p0 s6, s5  }
0xab: {  	[sflag:s5] =	ssyncadd.remote.s32 @p0 $0x1;
	_ =	sdelay $0x1  }
0xac: {  	s5 =	simm.s32 @p0 $0x1B8D  }
0xad: {  	_ =	swait.eq @p0 [sflag:s5], $0x1  }
0xae: {  	[sflag:s5] =	ssyncadd.s32 @p0 $0xFFFFFFFF  }
0xaf: {  	s6 =	sshll.u32 @!p0 s1, $0xE  }
0xb0: {  	s6 =	sor.u32 @!p0 $0x4000, s6;
	s5 =	simm.s32 @!p0 $0x1B8D  }
0xb1: {  	s4 =	sshll.u32 @!p0 s4, $0x11;
	s6 =	sadd.s32 @!p0 $0x11B8D, s6;
	_ =	swait.eq @!p0 [sflag:s5], $0x1  }
0xb2: {  	s4 =	sor.u32 @!p0 s4, s6;
	[sflag:s5] =	ssyncadd.s32 @!p0 $0xFFFFFFFF  }
0xb3: {  	s25 =	simm.s32 $0x1B8E;
	s24 =	sld [smem:$0x3FFE];
	[sflag:s4] =	ssyncadd.remote.s32 @!p0 $0x1  }
0xb4: {  	s26 =	simm.s32 $execute0_lowered;
	[smem:$0x3FD2] =	sst s25  }
0xb5: {  	s5 =	sshll.u32 s26, $0x1;
	_ =	strace $0x8000004C;
	[dreg:$0x1] =	wrdreg $0xFFFFFFFF  }
0xb6: {  	s28 =	simm.s32 $_size_execute0_lowered;
	s3 =	sadd.s32 s3, s5;
	[dreg:$0x0] =	wrdreg $0x0  }
0xb7: {  	s5 =	sshll.u32 s28, $0x1;
	[dreg:$0x2] =	wrdreg s3  }
0xb8: {  	[dreg:$0x3] =	wrdreg s5  }
0xb9: {  	[dreg:$0x4] =	wrdreg $0xC0  }
0xba: {  	_ =	task [dreg:s22], $0x5FFFF  }
0xbb: {  	[dreg:$0x1] =	wrdreg $0xFFFFFFFF  }
0xbc: {  	[dreg:$0x0] =	wrdreg $0x60  }
0xbd: {  	[dreg:$0x2] =	wrdreg s24  }
0xbe: {  	[dreg:$0x3] =	wrdreg $0x90000  }
0xbf: {  	[dreg:$0x4] =	wrdreg $0xA  }
0xc0: {  	_ =	task.clear_ibuf [dreg:s22], $0x5FFFF;
	_ =	strace $0x9000004C  }
0xc1: {  	s29 =	simm.s32 $0xA;
	_ =	strace $0x8000004E  }
0xc2: {  	_ =	swait.ge [sflag:s29], $0x1  }
0xc3: {  	[sflag:s29] =	ssyncadd.s32 $0xFFFFFFFF  }
0xc4: {  	_ =	strace $0x9000004E  }
0xc5: {  	_ =	sfence  }
0xc6: {  	s30 =	sld [smem:$0x0];
	_ =	sdelay $0x2  }
0xc7: {  	s31 =	sshll.u32 s1, $0xD;
	s1 =	sshrl.u32 s1, $0x2  }
0xc8: {  	s4 =	sand.u32 $0x4000, s31;
	s1 =	sadd.s32 s1, s30  }
0xc9: {  	s0 =	sor.u32 s4, s0;
	s1 =	sshll.u32 s1, $0x11  }
0xca: {  	s0 =	sor.u32 s1, s0  }
0xcb: {  	s0 =	sadd.s32 $0x8F2B, s0  }
0xcc: {  	[sflag:s0] =	ssyncadd.remote.s32 $0x1  }
0xcd: {  	_ =	sfence.sel $0xFFFF  }
0xce: {  	[dreg:$0x0] =	wrdreg $0xFFFFFFFF;
	(pc) =	sbr.abs _section_cstart, $3  }
0xcf: {  	[dreg:$0x1] =	wrdreg $0xFFFFFFFF  }
0xd0: {  	_ =	task.clear_ibuf [dreg:s22], $0x2FFFF;
	_ =	strace $0x9FFFFFFF  }
0xd1: {  	(tm) =	ssettm $0x7FFFFFFF  }
tec
execute0_lowered:
.L_overlay_start_1:
0x0: {  	(tag) =	ssettag $0x1  }
0x1: {  	s0 =	rddreg [dreg:$0x0]  }
0x2: {  	s1 =	rddreg [dreg:$0x1]  }
0x3: {  	s2 =	srdreg.scid;
	s22 =	stileid.u32  }
0x4: {  	s3 =	simm.s32 $0x0;
	s2 =	sand.u32 $0x1, s2;
	s11 =	smul.u32 $0x280, s22  }
0x5: {  	[smem:$0x7FF] =	sst s3;
	s19 =	sadd.s32 $0xF45000, s0;
	s8 =	smul.u32 $0x50000, s22  }
0x6: {  	s4 =	sshll.u32 s2, $0x4;
	_ =	strace $0x8000004D;
	s18 =	smul.u32 $0x2800, s2  }
0x7: {  	s6 =	ssub.s32 $0x2, s2;
	s2 =	smul.u32 $0x271000, s2;
	s4 =	sor.u32 s22, s4  }
0x8: {  	s7 =	sshrl.u32 s6, $0x1;
	s12 =	sor.u32 $0x50, s11;
	s13 =	sadd.s32 $0xA0, s11  }
0x9: {  	s14 =	sadd.s32 $0xF0, s11;
	s15 =	sadd.s32 $0x140, s11;
	s16 =	sadd.s32 $0x190, s11  }
0xa: {  	s17 =	sadd.s32 $0x1E0, s11;
	s21 =	sadd.s32 $0x230, s11;
	s5 =	sshll.u32 s4, $0xB  }
0xb: {  	s6 =	ssub.s32 s6, s7;
	s7 =	sshrl.u32 s8, $0x2;
	s8 =	sshll.u32 s12, $0x7  }
0xc: {  	s9 =	sshll.u32 s13, $0x7;
	s10 =	sshll.u32 s14, $0x7;
	s20 =	sshll.u32 s17, $0x7  }
0xd: {  	s4 =	smul.u32 $0x27100, s4;
	s23 =	sadd.s32 s11, s18;
	s24 =	sadd.s32 s18, s12  }
0xe: {  	s25 =	sadd.s32 s18, s13;
	s26 =	sadd.s32 s18, s14;
	s28 =	sadd.s32 s18, s15  }
0xf: {  	s29 =	sadd.s32 s18, s16;
	s30 =	sadd.s32 s18, s17;
	s31 =	sadd.s32 s18, s21  }
0x10: {  	s14 =	sshll.u32 s21, $0x7;
	s2 =	sadd.s32 s2, s19;
	s5 =	sadd.s32 s5, s0  }
0x11: {  	s0 =	sadd.s32 $0x3200, s0;
	[dreg:$0x6] =	wrdreg s6;
	s6 =	sadd.s32 s8, s1  }
0x12: {  	s8 =	sadd.s32 s10, s1;
	s10 =	sshll.u32 s16, $0x7;
	s11 =	sadd.s32 s20, s1  }
0x13: {  	s12 =	sadd.s32 s14, s1;
	s16 =	sshll.u32 s24, $0x4;
	s17 =	sshll.u32 s25, $0x4  }
0x14: {  	s18 =	sshll.u32 s26, $0x4;
	s20 =	sshll.u32 s28, $0x4;
	s21 =	sshll.u32 s29, $0x4  }
0x15: {  	s24 =	smul.u32 $0x27100, s22;
	s25 =	sshll.u32 s31, $0x4;
	s28 =	simm.s32 $0x1  }
0x16: {  	s29 =	simm.s32 $0x50;
	s5 =	sadd.s32 $0x521000, s5;
	s10 =	sadd.s32 s10, s1  }
0x17: {  	s4 =	sadd.s32 s19, s4;
	s19 =	sadd.s32 s0, s21;
	s26 =	rddreg [dreg:$0x6]  }
0x18: {  	s21 =	sadd.s32 s0, s25;
	s25 =	simm.s32 $0x4000;
	[dreg:$0x3] =	wrdreg s5  }
0x19: {  	s5 =	sadd.s32 s7, s1;
	s7 =	sadd.s32 s9, s1;
	s9 =	sshll.u32 s15, $0x7  }
0x1a: {  	[dreg:$0x4] =	wrdreg s4;
	s15 =	sshll.u32 s23, $0x4;
	s23 =	sshll.u32 s30, $0x4  }
0x1b: {  	s22 =	smax.u32 s26, $0x1;
	s31 =	sadd.s32 s24, s2;
	s24 =	simm.s32 $0x3  }
0x1c: {  	s26 =	simm.s32 $0x6800;
	s30 =	simm.s32 $0x2;
	s9 =	sadd.s32 s9, s1  }
0x1d: {  	s4 =	sadd.s32 s0, s15;
	s15 =	sadd.s32 s0, s16;
	s16 =	sadd.s32 s0, s17  }
0x1e: {  	s17 =	sadd.s32 s0, s18;
	s18 =	sadd.s32 s0, s20;
	s20 =	sadd.s32 s0, s23  }
0x1f: {  	v0 =	vimm.f32 $0.0e+00;
	s23 =	sadd.s32 $0xA00, s31;
	s0 =	simm.s32 $0x0;
	[dreg:$0x5] =	wrdreg s4  }
.LBB2_1:
0x20: {  	s2 =	rddreg [dreg:$0x3]  }
0x21: {  	[tilespmem:s3], [sflag:$0x3] =	stream.linear.gather [hbm4b:s2+s3], $0x3E80, $0x38;
	[tilespmem:$0x1D000] =	vst v63  }
0x22: {  	_ =	swait.ge [sflag:s24], $0x3E80  }
0x23: {  	[sflag:s24] =	ssyncset.done $0x0  }
0x24: {  	s4 =	simm.s32 $0x200;
	s2 =	simm.s32 $0x0;
	[sflag:s24] =	ssyncadd.s32 $0xFFFFC180  }
.LBB2_2:
0x25: {  	p0 =	sne.s32 s4, $0x9E00;
	[tilespmem:s2+$0x4070] =	vst v0  }
0x26: {  	[tilespmem:s2+$0x4000] =	vst v0  }
0x27: {  	[tilespmem:s2+$0x4010] =	vst v0  }
.Ltmp0:
0x28: {  	[tilespmem:s2+$0x4020] =	vst v0;
	(pc) =	sbr.rel @p0 .LBB2_2-.Ltmp0, $4  }
0x29: {  	[tilespmem:s2+$0x4030] =	vst v0  }
0x2a: {  	[tilespmem:s2+$0x4040] =	vst v0  }
0x2b: {  	[tilespmem:s2+$0x4050] =	vst v0  }
0x2c: {  	[tilespmem:s2+$0x4060] =	vst v0;
	s2 =	sshra.s32 s4, $0x2;
	s4 =	sadd.s32 $0x200, s4  }
0x2d: {  	[tilespmem:s2+$0x4070] =	vst v0  }
0x2e: {  	[tilespmem:s2+$0x4000] =	vst v0  }
0x2f: {  	[tilespmem:s2+$0x4010] =	vst v0  }
0x30: {  	[tilespmem:s2+$0x4020] =	vst v0  }
0x31: {  	[tilespmem:s2+$0x4030] =	vst v0  }
0x32: {  	[tilespmem:s2+$0x4040] =	vst v0  }
0x33: {  	[tilespmem:s2+$0x4050] =	vst v0  }
0x34: {  	[tilespmem:s2+$0x4060] =	vst v0  }
0x35: {  	[spmem:s5] =	stream.linear.scatter [tilespmem:s25], [sflag:$0x3], $0x2800, $0x38;
	[tilespmem:$0x1D000] =	vst v63  }
0x36: {  	_ =	swait.ge [sflag:s24], $0x2800  }
0x37: {  	[sflag:s24] =	ssyncset.done $0x0  }
0x38: {  	[sflag:s24] =	ssyncadd.s32 $0xFFFFD800  }
0x39: {  	[spmem:s6] =	stream.linear.scatter [tilespmem:s25], [sflag:$0x3], $0x2800, $0x38;
	[tilespmem:$0x1D000] =	vst v63  }
0x3a: {  	_ =	swait.ge [sflag:s24], $0x2800  }
0x3b: {  	[sflag:s24] =	ssyncset.done $0x0  }
0x3c: {  	[sflag:s24] =	ssyncadd.s32 $0xFFFFD800  }
0x3d: {  	[spmem:s7] =	stream.linear.scatter [tilespmem:s25], [sflag:$0x3], $0x2800, $0x38;
	[tilespmem:$0x1D000] =	vst v63  }
0x3e: {  	_ =	swait.ge [sflag:s24], $0x2800  }
0x3f: {  	[sflag:s24] =	ssyncset.done $0x0  }
0x40: {  	[sflag:s24] =	ssyncadd.s32 $0xFFFFD800  }
0x41: {  	[spmem:s8] =	stream.linear.scatter [tilespmem:s25], [sflag:$0x3], $0x2800, $0x38;
	[tilespmem:$0x1D000] =	vst v63  }
0x42: {  	_ =	swait.ge [sflag:s24], $0x2800  }
0x43: {  	[sflag:s24] =	ssyncset.done $0x0  }
0x44: {  	[sflag:s24] =	ssyncadd.s32 $0xFFFFD800  }
0x45: {  	[spmem:s9] =	stream.linear.scatter [tilespmem:s25], [sflag:$0x3], $0x2800, $0x38;
	[tilespmem:$0x1D000] =	vst v63  }
0x46: {  	_ =	swait.ge [sflag:s24], $0x2800  }
0x47: {  	[sflag:s24] =	ssyncset.done $0x0  }
0x48: {  	[sflag:s24] =	ssyncadd.s32 $0xFFFFD800  }
0x49: {  	[spmem:s10] =	stream.linear.scatter [tilespmem:s25], [sflag:$0x3], $0x2800, $0x38;
	[tilespmem:$0x1D000] =	vst v63  }
0x4a: {  	_ =	swait.ge [sflag:s24], $0x2800  }
0x4b: {  	[sflag:s24] =	ssyncset.done $0x0  }
0x4c: {  	[sflag:s24] =	ssyncadd.s32 $0xFFFFD800  }
0x4d: {  	[spmem:s11] =	stream.linear.scatter [tilespmem:s25], [sflag:$0x3], $0x2800, $0x38;
	[tilespmem:$0x1D000] =	vst v63  }
0x4e: {  	_ =	swait.ge [sflag:s24], $0x2800  }
0x4f: {  	[sflag:s24] =	ssyncset.done $0x0  }
0x50: {  	[sflag:s24] =	ssyncadd.s32 $0xFFFFD800  }
0x51: {  	[spmem:s12] =	stream.linear.scatter [tilespmem:s25], [sflag:$0x3], $0x2800, $0x38;
	[tilespmem:$0x1D000] =	vst v63  }
0x52: {  	_ =	swait.ge [sflag:s24], $0x2800  }
0x53: {  	[sflag:s24] =	ssyncset.done $0x0  }
0x54: {  	[sflag:s24] =	ssyncadd.s32 $0xFFFFD800  }
0x55: {  	[bflag:$0x0] =	sbarrier.arrive $0xFFFF  }
0x56: {  	s14 =	simm.s32 $0x0;
	s4 =	rddreg [dreg:$0x4]  }
0x57: {  	[tilespmem:s25], [sflag:$0x1] =	stream.linear.gather [hbm4b:s4+s14], $0x2800, $0x38;
	[tilespmem:$0x1D000] =	vst v63  }
0x58: {  	s4 =	sadd.s32 $0xFFFFFB00, s23  }
0x59: {  	[tilespmem:s26], [sflag:$0x2] =	stream.linear.gather [hbm4b:s4+s3], $0x2800, $0x38;
	[tilespmem:$0x1D000] =	vst v63  }
0x5a: {  	_ =	swait.ge [sflag:s28], $0x2800  }
0x5b: {  	[sflag:s28] =	ssyncset.done $0x0  }
0x5c: {  	s13 =	simm.s32 $0x0;
	[sflag:s28] =	ssyncadd.s32 $0xFFFFD800  }
0x5d: {  	[spmem:s1] =	stream.indirect.scatter.add.f32 [tilespmem:s25], [sflag:$0x3], $0x80, s13, s29, $0xb8;
	[tilespmem:$0x1D000] =	vst v63  }
0x5e: {  	_ =	swait.ge [sflag:s24], $0x2800  }
0x5f: {  	[sflag:s24] =	ssyncset.done $0x0  }
0x60: {  	[sflag:s24] =	ssyncadd.s32 $0xFFFFD800  }
0x61: {  	[tilespmem:s25], [sflag:$0x1] =	stream.linear.gather [hbm4b:s23+s3], $0x2800, $0x38;
	[tilespmem:$0x1D000] =	vst v63  }
0x62: {  	_ =	swait.ge [sflag:s30], $0x2800  }
0x63: {  	[sflag:s30] =	ssyncset.done $0x0  }
0x64: {  	s14 =	simm.s32 $0x80;
	[sflag:s30] =	ssyncadd.s32 $0xFFFFD800  }
0x65: {  	[spmem:s1] =	stream.indirect.scatter.add.f32 [tilespmem:s26], [sflag:$0x3], $0x80, s14, s29, $0xb8;
	[tilespmem:$0x1D000] =	vst v63  }
0x66: {  	s31 =	simm.s32 $0x400;
	_ =	swait.ge [sflag:s24], $0x2800  }
0x67: {  	s2 =	sadd.s32 $0xA00, s23;
	s4 =	simm.s32 $0x800;
	[sflag:s24] =	ssyncset.done $0x0  }
.LBB2_4:
0x68: {  	p0 =	sne.s32 s4, $0xF400;
	s13 =	sadd.s32 $0xFFFFFB00, s2;
	[sflag:s24] =	ssyncadd.s32 $0xFFFFD800  }
0x69: {  	[tilespmem:s26], [sflag:$0x2] =	stream.linear.gather [hbm4b:s13+s3], $0x2800, $0x38;
	[tilespmem:$0x1D000] =	vst v63  }
0x6a: {  	s13 =	smov.u32 s4;
	s4 =	sadd.s32 $0x400, s4;
	_ =	swait.ge [sflag:s28], $0x2800  }
0x6b: {  	[sflag:s28] =	ssyncset.done $0x0  }
0x6c: {  	s14 =	sshra.s32 s31, $0x2;
	s31 =	smov.u32 s13;
	[sflag:s28] =	ssyncadd.s32 $0xFFFFD800  }
0x6d: {  	[spmem:s1] =	stream.indirect.scatter.add.f32 [tilespmem:s25], [sflag:$0x3], $0x80, s14, s29, $0xb8;
	[tilespmem:$0x1D000] =	vst v63  }
0x6e: {  	_ =	swait.ge [sflag:s24], $0x2800  }
0x6f: {  	[sflag:s24] =	ssyncset.done $0x0  }
0x70: {  	[sflag:s24] =	ssyncadd.s32 $0xFFFFD800  }
0x71: {  	[tilespmem:s25], [sflag:$0x1] =	stream.linear.gather [hbm4b:s2+s3], $0x2800, $0x38;
	[tilespmem:$0x1D000] =	vst v63  }
0x72: {  	_ =	swait.ge [sflag:s30], $0x2800  }
.Ltmp1:
0x73: {  	[sflag:s30] =	ssyncset.done $0x0;
	(pc) =	sbr.rel @p0 .LBB2_4-.Ltmp1, $4  }
0x74: {  	s13 =	sadd.s32 $0x80, s14;
	[sflag:s30] =	ssyncadd.s32 $0xFFFFD800  }
0x75: {  	[spmem:s1] =	stream.indirect.scatter.add.f32 [tilespmem:s26], [sflag:$0x3], $0x80, s13, s29, $0xb8;
	[tilespmem:$0x1D000] =	vst v63  }
0x76: {  	_ =	swait.ge [sflag:s24], $0x2800  }
0x77: {  	s2 =	sadd.s32 $0xA00, s2;
	[sflag:s24] =	ssyncset.done $0x0  }
0x78: {  	s4 =	sadd.s32 $0xFFFFFB00, s2;
	[sflag:s24] =	ssyncadd.s32 $0xFFFFD800  }
0x79: {  	[tilespmem:s26], [sflag:$0x2] =	stream.linear.gather [hbm4b:s4+s3], $0x2800, $0x38;
	[tilespmem:$0x1D000] =	vst v63  }
0x7a: {  	_ =	swait.ge [sflag:s28], $0x2800  }
0x7b: {  	[sflag:s28] =	ssyncset.done $0x0  }
0x7c: {  	s31 =	sshra.s32 s31, $0x2;
	[sflag:s28] =	ssyncadd.s32 $0xFFFFD800  }
0x7d: {  	[spmem:s1] =	stream.indirect.scatter.add.f32 [tilespmem:s25], [sflag:$0x3], $0x80, s31, s29, $0xb8;
	[tilespmem:$0x1D000] =	vst v63  }
0x7e: {  	_ =	swait.ge [sflag:s24], $0x2800  }
0x7f: {  	[sflag:s24] =	ssyncset.done $0x0  }
0x80: {  	[sflag:s24] =	ssyncadd.s32 $0xFFFFD800  }
0x81: {  	[tilespmem:s25], [sflag:$0x1] =	stream.linear.gather [hbm4b:s2+s3], $0x2800, $0x38;
	[tilespmem:$0x1D000] =	vst v63  }
0x82: {  	_ =	swait.ge [sflag:s30], $0x2800  }
0x83: {  	[sflag:s30] =	ssyncset.done $0x0  }
0x84: {  	s13 =	sadd.s32 $0x80, s31;
	[sflag:s30] =	ssyncadd.s32 $0xFFFFD800  }
0x85: {  	[spmem:s1] =	stream.indirect.scatter.add.f32 [tilespmem:s26], [sflag:$0x3], $0x80, s13, s29, $0xb8;
	[tilespmem:$0x1D000] =	vst v63  }
0x86: {  	_ =	swait.ge [sflag:s24], $0x2800  }
0x87: {  	[sflag:s24] =	ssyncset.done $0x0  }
0x88: {  	[sflag:s24] =	ssyncadd.s32 $0xFFFFD800  }
0x89: {  	_ =	swait.ge [sflag:s28], $0x2800  }
0x8a: {  	[sflag:s28] =	ssyncset.done $0x0  }
0x8b: {  	s14 =	simm.s32 $0x3E00;
	[sflag:s28] =	ssyncadd.s32 $0xFFFFD800  }
0x8c: {  	[spmem:s1] =	stream.indirect.scatter.add.f32 [tilespmem:s25], [sflag:$0x3], $0x80, s14, s29, $0xb8;
	[tilespmem:$0x1D000] =	vst v63  }
0x8d: {  	_ =	swait.ge [sflag:s24], $0x2800  }
0x8e: {  	[sflag:s24] =	ssyncset.done $0x0  }
0x8f: {  	[sflag:s24] =	ssyncadd.s32 $0xFFFFD800  }
0x90: {  	[bflag:$0x0] =	sbarrier.arrive $0xFFFF  }
0x91: {  	[tilespmem:s25], [sflag:$0x3] =	stream.linear.gather [spmem:s5], $0x2800, $0x38;
	[tilespmem:$0x1D000] =	vst v63  }
0x92: {  	_ =	swait.ge [sflag:s24], $0x2800  }
0x93: {  	[sflag:s24] =	ssyncset.done $0x0  }
0x94: {  	s31 =	rddreg [dreg:$0x5];
	[sflag:s24] =	ssyncadd.s32 $0xFFFFD800  }
0x95: {  	[hbm4b:s31+s3] =	stream.linear.scatter [tilespmem:s25], [sflag:$0x3], $0x2800, $0x38;
	[tilespmem:$0x1D000] =	vst v63  }
0x96: {  	_ =	swait.ge [sflag:s24], $0x2800  }
0x97: {  	[sflag:s24] =	ssyncset.done $0x0  }
0x98: {  	[sflag:s24] =	ssyncadd.s32 $0xFFFFD800  }
0x99: {  	[tilespmem:s25], [sflag:$0x3] =	stream.linear.gather [spmem:s6], $0x2800, $0x38;
	[tilespmem:$0x1D000] =	vst v63  }
0x9a: {  	_ =	swait.ge [sflag:s24], $0x2800  }
0x9b: {  	[sflag:s24] =	ssyncset.done $0x0  }
0x9c: {  	[sflag:s24] =	ssyncadd.s32 $0xFFFFD800  }
0x9d: {  	[hbm4b:s15+s3] =	stream.linear.scatter [tilespmem:s25], [sflag:$0x3], $0x2800, $0x38;
	[tilespmem:$0x1D000] =	vst v63  }
0x9e: {  	_ =	swait.ge [sflag:s24], $0x2800  }
0x9f: {  	[sflag:s24] =	ssyncset.done $0x0  }
0xa0: {  	[sflag:s24] =	ssyncadd.s32 $0xFFFFD800  }
0xa1: {  	[tilespmem:s25], [sflag:$0x3] =	stream.linear.gather [spmem:s7], $0x2800, $0x38;
	[tilespmem:$0x1D000] =	vst v63  }
0xa2: {  	_ =	swait.ge [sflag:s24], $0x2800  }
0xa3: {  	[sflag:s24] =	ssyncset.done $0x0  }
0xa4: {  	[sflag:s24] =	ssyncadd.s32 $0xFFFFD800  }
0xa5: {  	[hbm4b:s16+s3] =	stream.linear.scatter [tilespmem:s25], [sflag:$0x3], $0x2800, $0x38;
	[tilespmem:$0x1D000] =	vst v63  }
0xa6: {  	_ =	swait.ge [sflag:s24], $0x2800  }
0xa7: {  	[sflag:s24] =	ssyncset.done $0x0  }
0xa8: {  	[sflag:s24] =	ssyncadd.s32 $0xFFFFD800  }
0xa9: {  	[tilespmem:s25], [sflag:$0x3] =	stream.linear.gather [spmem:s8], $0x2800, $0x38;
	[tilespmem:$0x1D000] =	vst v63  }
0xaa: {  	_ =	swait.ge [sflag:s24], $0x2800  }
0xab: {  	[sflag:s24] =	ssyncset.done $0x0  }
0xac: {  	[sflag:s24] =	ssyncadd.s32 $0xFFFFD800  }
0xad: {  	[hbm4b:s17+s3] =	stream.linear.scatter [tilespmem:s25], [sflag:$0x3], $0x2800, $0x38;
	[tilespmem:$0x1D000] =	vst v63  }
0xae: {  	_ =	swait.ge [sflag:s24], $0x2800  }
0xaf: {  	[sflag:s24] =	ssyncset.done $0x0  }
0xb0: {  	[sflag:s24] =	ssyncadd.s32 $0xFFFFD800  }
0xb1: {  	[tilespmem:s25], [sflag:$0x3] =	stream.linear.gather [spmem:s9], $0x2800, $0x38;
	[tilespmem:$0x1D000] =	vst v63  }
0xb2: {  	_ =	swait.ge [sflag:s24], $0x2800  }
0xb3: {  	[sflag:s24] =	ssyncset.done $0x0  }
0xb4: {  	[sflag:s24] =	ssyncadd.s32 $0xFFFFD800  }
0xb5: {  	[hbm4b:s18+s3] =	stream.linear.scatter [tilespmem:s25], [sflag:$0x3], $0x2800, $0x38;
	[tilespmem:$0x1D000] =	vst v63  }
0xb6: {  	_ =	swait.ge [sflag:s24], $0x2800  }
0xb7: {  	[sflag:s24] =	ssyncset.done $0x0  }
0xb8: {  	[sflag:s24] =	ssyncadd.s32 $0xFFFFD800  }
0xb9: {  	[tilespmem:s25], [sflag:$0x3] =	stream.linear.gather [spmem:s10], $0x2800, $0x38;
	[tilespmem:$0x1D000] =	vst v63  }
0xba: {  	_ =	swait.ge [sflag:s24], $0x2800  }
0xbb: {  	[sflag:s24] =	ssyncset.done $0x0  }
0xbc: {  	[sflag:s24] =	ssyncadd.s32 $0xFFFFD800  }
0xbd: {  	[hbm4b:s19+s3] =	stream.linear.scatter [tilespmem:s25], [sflag:$0x3], $0x2800, $0x38;
	[tilespmem:$0x1D000] =	vst v63  }
0xbe: {  	_ =	swait.ge [sflag:s24], $0x2800  }
0xbf: {  	[sflag:s24] =	ssyncset.done $0x0  }
0xc0: {  	[sflag:s24] =	ssyncadd.s32 $0xFFFFD800  }
0xc1: {  	[tilespmem:s25], [sflag:$0x3] =	stream.linear.gather [spmem:s11], $0x2800, $0x38;
	[tilespmem:$0x1D000] =	vst v63  }
0xc2: {  	_ =	swait.ge [sflag:s24], $0x2800  }
0xc3: {  	[sflag:s24] =	ssyncset.done $0x0  }
0xc4: {  	[sflag:s24] =	ssyncadd.s32 $0xFFFFD800  }
0xc5: {  	[hbm4b:s20+s3] =	stream.linear.scatter [tilespmem:s25], [sflag:$0x3], $0x2800, $0x38;
	[tilespmem:$0x1D000] =	vst v63  }
0xc6: {  	_ =	swait.ge [sflag:s24], $0x2800  }
0xc7: {  	[sflag:s24] =	ssyncset.done $0x0  }
0xc8: {  	[sflag:s24] =	ssyncadd.s32 $0xFFFFD800  }
0xc9: {  	[tilespmem:s25], [sflag:$0x3] =	stream.linear.gather [spmem:s12], $0x2800, $0x38;
	[tilespmem:$0x1D000] =	vst v63  }
0xca: {  	s0 =	sadd.s32 $0x1, s0;
	_ =	swait.ge [sflag:s24], $0x2800  }
0xcb: {  	p0 =	sne.s32 s0, s22;
	[sflag:s24] =	ssyncset.done $0x0  }
.Ltmp2:
0xcc: {  	[sflag:s24] =	ssyncadd.s32 $0xFFFFD800;
	(pc) =	sbr.rel @p0 .LBB2_1-.Ltmp2, $4  }
0xcd: {  	[hbm4b:s21+s3] =	stream.linear.scatter [tilespmem:s25], [sflag:$0x3], $0x2800, $0x38;
	[tilespmem:$0x1D000] =	vst v63  }
0xce: {  	_ =	swait.ge [sflag:s24], $0x2800  }
0xcf: {  	[sflag:s24] =	ssyncset.done $0x0  }
0xd0: {  	[sflag:s24] =	ssyncadd.s32 $0xFFFFD800  }
0xd1: {  	_ =	sfence.sel $0x180000  }
0xd2: {  	[bflag:$0x0] =	sbarrier.arrive $0xFFFF  }
0xd3: {  	_ =	strace $0x9000004D  }
0xd4: {  	s0 =	stileid.u32;
	[bflag:$0x2] =	sbarrier.arrive $0xFFFF  }
0xd5: {  	p0 =	sne.s32 s0, $0x0;
	s0 =	rddreg [dreg:$0x2]  }
0xd6: {  	s0 =	sadd.s32 @!p0 $0x100000, s0  }
0xd7: {  	[sflag:s0] =	ssyncadd.tile.s32 @!p0 $0x1;
	_ =	shalt  }
.Lfunc_end2:
_tile_overlayer_lowered:
.L_overlay_start_2:
0xd8: {  	(tag) =	ssettag $0x2  }
0xd9: {  	s0 =	rddreg [dreg:$0x0];
	s2 =	stileid.u32  }
0xda: {  	s1 =	rddreg [dreg:$0x1];
	p0 =	sne.s32 s2, $0x0  }
0xdb: {  	s3 =	rddreg [dreg:$0x2];
	[bflag:$0x3] =	sbarrier.arrive $0xFFFF;
	s2 =	simm.s32 @!p0 $0x1C03  }
0xdc: {  	[timem:s3], [sflag:s2] =	dma.local @!p0 [hbm:s0], s1  }
0xdd: {  	s0 =	simm.s32 @!p0 $0x3  }
0xde: {  	_ =	swait.ge @!p0 [sflag:s0], s1  }
0xdf: {  	s1 =	ssub.s32 @!p0 $0x0, s1;
	[sflag:s0] =	ssyncset.done @!p0 $0x0  }
0xe0: {  	[sflag:s0] =	ssyncadd.s32 @!p0 s1  }
0xe1: {  	[bflag:$0x3] =	sbarrier.arrive $0xFFFF  }
0xe2: {  	_ =	shalt  }

// kernel: kernel.8.cloned.1.call-start
scs
__scs_entry_jumppad:
0x0: {  	(pc) =	sbr.rel $0x88, $3  }
0x1: {  	(tag) =	ssettag $0x0;
	lr =	simm.s32 $0x1  }
0x2: {  	[smem:$0x3F94] =	sst lr;
	_ =	strace $0xD0000000  }
0x3: {  	_ = 	snop  }
0x4: {  	_ = 	snop  }
0x5: {  	_ = 	snop  }
0x6: {  	_ = 	snop  }
0x7: {  	_ = 	snop  }
__scs_overlays_trampoline_lowered:
0x8: {  	[smem:$0x3FA3] =	sst s0  }
0x9: {  	[smem:$0x3FA4] =	sst s1  }
0xa: {  	[smem:$0x3FA5] =	sst s2  }
0xb: {  	[smem:$0x3FA6] =	sst s3  }
0xc: {  	[smem:$0x3FA7] =	sst s4  }
0xd: {  	[smem:$0x3FA8] =	sst s5  }
0xe: {  	[smem:$0x3FA9] =	sst s6  }
0xf: {  	[smem:$0x3FAA] =	sst s7  }
0x10: {  	[smem:$0x3FAB] =	sst s8  }
0x11: {  	[smem:$0x3FAC] =	sst s9;
	s0 =	simm.s32 @!p0 $0x0  }
0x12: {  	s1 =	sld [smem:$0x3F92];
	s0 =	simm.s32 @p0 $0x1  }
0x13: {  	[smem:$0x3FAD] =	sst s0;
	s0 =	simm.s32 @!p1 $0x0  }
0x14: {  	s2 =	sld [smem:$0x3F91];
	s0 =	simm.s32 @p1 $0x1  }
0x15: {  	[smem:$0x3FAE] =	sst s0;
	s0 =	simm.s32 @!p2 $0x0  }
0x16: {  	s3 =	sld [smem:$0x3FDB];
	s0 =	simm.s32 @p2 $0x1  }
0x17: {  	s4 =	simm.s32 $0x1BF5;
	[smem:$0x3FB0] =	sst s0  }
0x18: {  	s0 =	sld [smem:$0x3F93];
	_ =	swait.ge [sflag:s4], $0x0  }
0x19: {  	s7 =	sld [smem:$0x3F94]  }
0x1a: {  	s8 =	sadd.s32 $0xFFFFE003, lr  }
0x1b: {  	s9 =	sadd.s32 $0xFFFFFEF7, lr;
	s5 =	simm.s32 $0xFFFFFFFF;
	p2 =	slt.u32 s8, $0xFFFFF086  }
0x1c: {  	p1 =	slt.u32 s9, $0xF7A;
	s5 =	simm.s32 @!p2 $0x0  }
0x1d: {  	s5 =	simm.s32 @p1 $0x1;
	p0 =	seq.s32 s7, s2  }
0x1e: {  	s7 =	smul.u32 @!p0 $0xF7A, s2;
	p2 =	seq.s32 @!p0 s5, $0x0  }
0x1f: {  	s9 =	smul.u32 $0xF7A, s1;
	s8 =	simm.s32 @!p0 $0x1BF5;
	p2 =	por !p2, p0  }
0x20: {  	[sflag:s8] =	ssyncset.s32 @!p0 $0xFFFFF086;
	s6 =	sadd.s32 @!p0 s3, s7;
	s7 =	simm.s32 @!p0 $0x108  }
0x21: {  	s3 =	sadd.s32 s3, s9;
	s6 =	sadd.s32 @!p0 $0x88, s6;
	s7 =	simm.s32 @p2 $0x1082  }
0x22: {  	[simem:s7], [sflag:s8] =	dma.local @!p0 [hbm:s6], $0xF7A  }
0x23: {  	s9 =	sor.u32 $0xD0000000, s2;
	s6 =	simm.s32 $0x108;
	_ =	swait.ge @!p0 [sflag:s8], $0x0  }
0x24: {  	s3 =	sadd.s32 $0x88, s3;
	s6 =	simm.s32 @!p1 $0x1082;
	[sflag:s4] =	ssyncset.s32 $0xFFFFF086  }
0x25: {  	[simem:s6], [sflag:s4] =	dma.local [hbm:s3], $0xF7A  }
0x26: {  	[smem:$0x3F94] =	sst s1;
	(tag) =	ssettag s2;
	_ =	strace s9  }
0x27: {  	s1 =	sld [smem:$0x3FA4]  }
0x28: {  	s2 =	sld [smem:$0x3FA5]  }
0x29: {  	s4 =	sld [smem:$0x3FA7]  }
0x2a: {  	p0 =	seq.s32 s5, $0x0;
	s5 =	sld [smem:$0x3FA8]  }
0x2b: {  	s6 =	sld [smem:$0x3FA9]  }
0x2c: {  	s7 =	sld [smem:$0x3FAA]  }
0x2d: {  	s3 =	simm.s32 $0x108;
	s8 =	sld [smem:$0x3FAB]  }
0x2e: {  	s3 =	simm.s32 @!p0 $0x1082;
	s9 =	sld [smem:$0x3FAC]  }
0x2f: {  	lr =	sadd.s32 s0, s3;
	s0 =	sld [smem:$0x3FA3]  }
0x30: {  	s3 =	sld [smem:$0x3FA6]  }
0x31: {  	[smem:$0x3FAF] =	sst s10  }
0x32: {  	s10 =	sld [smem:$0x3FAD];
	_ =	sdelay $0x3  }
0x33: {  	p0 =	seq.s32 s10, $0x1;
	s10 =	sld [smem:$0x3FAF];
	_ =	sdelay $0x3  }
0x34: {  	[smem:$0x3FAF] =	sst s10  }
0x35: {  	s10 =	sld [smem:$0x3FAE];
	_ =	sdelay $0x3  }
0x36: {  	p1 =	seq.s32 s10, $0x1;
	s10 =	sld [smem:$0x3FAF];
	_ =	sdelay $0x3  }
0x37: {  	[smem:$0x3FAF] =	sst s10  }
0x38: {  	s10 =	sld [smem:$0x3FB0]  }
0x39: {  	_ = 	snop;
	(pc) =	sbr.ind lr, $3  }
0x3a: {  	_ = 	snop  }
0x3b: {  	_ = 	snop  }
0x3c: {  	p2 =	seq.s32 s10, $0x1;
	s10 =	sld [smem:$0x3FAF]  }
0x3d: {  	_ =	shalt  }
0x3e: {  	_ =	shalt  }
0x3f: {  	_ =	shalt  }
0x40: {  	_ =	shalt  }
0x41: {  	_ =	shalt  }
0x42: {  	_ =	shalt  }
0x43: {  	_ =	shalt  }
0x44: {  	_ =	shalt  }
0x45: {  	_ =	shalt  }
0x46: {  	_ =	shalt  }
0x47: {  	_ =	shalt  }
0x48: {  	_ =	shalt  }
0x49: {  	_ =	shalt  }
0x4a: {  	_ =	shalt  }
0x4b: {  	_ =	shalt  }
0x4c: {  	_ =	shalt  }
0x4d: {  	_ =	shalt  }
0x4e: {  	_ =	shalt  }
0x4f: {  	_ =	shalt  }
0x50: {  	_ =	shalt  }
0x51: {  	_ =	shalt  }
0x52: {  	_ =	shalt  }
0x53: {  	_ =	shalt  }
0x54: {  	_ =	shalt  }
0x55: {  	_ =	shalt  }
0x56: {  	_ =	shalt  }
0x57: {  	_ =	shalt  }
0x58: {  	_ =	shalt  }
0x59: {  	_ =	shalt  }
0x5a: {  	_ =	shalt  }
0x5b: {  	_ =	shalt  }
0x5c: {  	_ =	shalt  }
0x5d: {  	_ =	shalt  }
0x5e: {  	_ =	shalt  }
0x5f: {  	_ =	shalt  }
0x60: {  	_ =	shalt  }
0x61: {  	_ =	shalt  }
0x62: {  	_ =	shalt  }
0x63: {  	_ =	shalt  }
0x64: {  	_ =	shalt  }
0x65: {  	_ =	shalt  }
0x66: {  	_ =	shalt  }
0x67: {  	_ =	shalt  }
0x68: {  	_ =	shalt  }
0x69: {  	_ =	shalt  }
0x6a: {  	_ =	shalt  }
0x6b: {  	_ =	shalt  }
0x6c: {  	_ =	shalt  }
0x6d: {  	_ =	shalt  }
0x6e: {  	_ =	shalt  }
0x6f: {  	_ =	shalt  }
0x70: {  	_ =	shalt  }
0x71: {  	_ =	shalt  }
0x72: {  	_ =	shalt  }
0x73: {  	_ =	shalt  }
0x74: {  	_ =	shalt  }
0x75: {  	_ =	shalt  }
0x76: {  	_ =	shalt  }
0x77: {  	_ =	shalt  }
0x78: {  	_ =	shalt  }
0x79: {  	_ =	shalt  }
0x7a: {  	_ =	shalt  }
0x7b: {  	_ =	shalt  }
0x7c: {  	_ =	shalt  }
0x7d: {  	_ =	shalt  }
0x7e: {  	_ =	shalt  }
0x7f: {  	_ =	shalt  }
0x80: {  	_ =	shalt  }
0x81: {  	_ =	shalt  }
0x82: {  	_ =	shalt  }
0x83: {  	_ =	shalt  }
0x84: {  	_ =	shalt  }
0x85: {  	_ =	shalt  }
0x86: {  	_ =	shalt  }
0x87: {  	_ =	shalt  }
.Lfunc_end0:
.L_simem_size_0:
called_computation_lowered:
.L_overlay_start_0:
0x88: {  	s2 =	sld [smem:$0x3FD9]  }
0x89: {  	s3 =	sld [smem:$0x3FFE];
	_ =	sdelay $0x1  }
0x8a: {  	s1 =	srdreg.scid  }
0x8b: {  	s0 =	sand.u32 $0x1, s1  }
0x8c: {  	s17 =	sshll.u32 s0, $0xA;
	s2 =	sadd.s32 s3, s2  }
0x8d: {  	s2 =	sadd.s32 s2, s17  }
0x8e: {  	[smem:$0x3FBB] =	sst s2  }
0x8f: {  	_ = 	snop  }
0x90: {  	s2 =	sld [smem:$0x3FD0];
	(tm) =	ssettm $0x1  }
0x91: {  	s18 =	sld [smem:$0x3FFB];
	_ =	sdelay $0x3  }
0x92: {  	_ =	strace s18  }
0x93: {  	s3 =	sld [smem:$0x3FFC];
	_ =	sdelay $0x3  }
0x94: {  	_ =	strace s3  }
0x95: {  	s3 =	sld [smem:$0x3FFD];
	_ =	sdelay $0x3  }
0x96: {  	_ =	strace s3  }
0x97: {  	_ =	strace $0x8FFFFFFF  }
0x98: {  	s19 =	sld [smem:$0x3FDB];
	_ =	sdelay $0x1  }
0x99: {  	s4 =	simm.s32 $_scs_section_size  }
0x9a: {  	s5 =	simm.s32 $_size__tile_overlayer_lowered;
	s6 =	simm.s32 $_tile_overlayer_lowered  }
0x9b: {  	s22 =	simm.s32 $0x1BFF;
	s21 =	sshll.u32 s6, $0x1;
	s3 =	sadd.s32 s4, s19  }
0x9c: {  	s7 =	simm.s32 $0x0;
	s20 =	sshll.u32 s5, $0x1;
	s5 =	sadd.s32 s21, s3  }
0x9d: {  	[timem:s7], [sflag:s22] =	dma.local [hbm:s5], s20  }
0x9e: {  	_ =	swait.ge [sflag:s22], s20  }
0x9f: {  	s4 =	ssub.s32 $0x0, s20;
	[sflag:s22] =	ssyncset.done $0x0  }
0xa0: {  	[sflag:s22] =	ssyncadd.s32 s4;
	_ =	sdelay $0x1  }
0xa1: {  	s23 =	simm.s32 $0x1B8B  }
0xa2: {  	_ =	swait.ge [sflag:s23], $0x1  }
0xa3: {  	[sflag:s23] =	ssyncset.done $0x0  }
0xa4: {  	s25 =	simm.s32 $0x1B8E;
	s24 =	sld [smem:$0x3FFE];
	[sflag:s23] =	ssyncadd.s32 $0xFFFFFFFF  }
0xa5: {  	s26 =	simm.s32 $execute0_lowered;
	[smem:$0x3FD2] =	sst s25  }
0xa6: {  	s5 =	sshll.u32 s26, $0x1;
	_ =	strace $0x80000046;
	[dreg:$0x1] =	wrdreg $0xFFFFFFFF  }
0xa7: {  	s28 =	simm.s32 $_size_execute0_lowered;
	s3 =	sadd.s32 s3, s5;
	[dreg:$0x0] =	wrdreg $0x0  }
0xa8: {  	s5 =	sshll.u32 s28, $0x1;
	[dreg:$0x2] =	wrdreg s3  }
0xa9: {  	[dreg:$0x3] =	wrdreg s5  }
0xaa: {  	[dreg:$0x4] =	wrdreg $0xC0  }
0xab: {  	_ =	task [dreg:s7], $0x5FFFF  }
0xac: {  	[dreg:$0x1] =	wrdreg $0xFFFFFFFF  }
0xad: {  	[dreg:$0x0] =	wrdreg $0x60  }
0xae: {  	[dreg:$0x2] =	wrdreg s2  }
0xaf: {  	[dreg:$0x3] =	wrdreg s24  }
0xb0: {  	[dreg:$0x4] =	wrdreg $0xA  }
0xb1: {  	_ =	task.clear_ibuf [dreg:s7], $0x5FFFF;
	_ =	strace $0x90000046  }
0xb2: {  	s29 =	simm.s32 $0xA;
	_ =	strace $0x80000048  }
0xb3: {  	_ =	swait.ge [sflag:s29], $0x1  }
0xb4: {  	[sflag:s29] =	ssyncadd.s32 $0xFFFFFFFF  }
0xb5: {  	_ =	strace $0x90000048  }
0xb6: {  	_ =	sfence  }
0xb7: {  	s30 =	sld [smem:$0x0];
	_ =	sdelay $0x2  }
0xb8: {  	s31 =	sshll.u32 s1, $0xD;
	s1 =	sshrl.u32 s1, $0x2  }
0xb9: {  	s3 =	sand.u32 $0x4000, s31;
	s1 =	sadd.s32 s1, s30  }
0xba: {  	s0 =	sor.u32 s3, s0;
	s1 =	sshll.u32 s1, $0x11  }
0xbb: {  	s0 =	sor.u32 s1, s0  }
0xbc: {  	s0 =	sadd.s32 $0x8F2B, s0  }
0xbd: {  	[sflag:s0] =	ssyncadd.remote.s32 $0x1  }
0xbe: {  	_ =	sfence.sel $0xFFFF  }
0xbf: {  	[dreg:$0x0] =	wrdreg $0xFFFFFFFF;
	(pc) =	sbr.abs _section_cstart, $3  }
0xc0: {  	[dreg:$0x1] =	wrdreg $0xFFFFFFFF  }
0xc1: {  	_ =	task.clear_ibuf [dreg:s7], $0x2FFFF;
	_ =	strace $0x9FFFFFFF  }
0xc2: {  	(tm) =	ssettm $0x7FFFFFFF  }
0xc3: {  	_ =	shalt  }
tec
execute0_lowered:
.L_overlay_start_1:
0x0: {  	(tag) =	ssettag $0x1  }
0x1: {  	s2 =	rddreg [dreg:$0x0];
	s0 =	srdreg.scid  }
0x2: {  	s3 =	stileid.u32;
	s1 =	rddreg [dreg:$0x1];
	s11 =	simm.s32 $0x7  }
0x3: {  	s12 =	simm.s32 $0x2780;
	s13 =	simm.s32 $0x50;
	s14 =	simm.s32 $0x4F00  }
0x4: {  	s15 =	simm.s32 $0x7700;
	s16 =	simm.s32 $0x9F00;
	s17 =	simm.s32 $0xC700  }
0x5: {  	s18 =	simm.s32 $0x1;
	s19 =	simm.s32 $0x2;
	s20 =	simm.s32 $0xEF00  }
0x6: {  	s21 =	simm.s32 $0x3;
	s22 =	simm.s32 $0x4;
	s23 =	simm.s32 $0x11700  }
0x7: {  	s24 =	simm.s32 $0x5;
	s0 =	sand.u32 $0x1, s0;
	s4 =	sshll.u32 s3, $0x1  }
0x8: {  	s25 =	simm.s32 $0x6;
	s26 =	simm.s32 $0x0;
	s5 =	sor.u32 s0, s4  }
0x9: {  	s3 =	simm.s32 $0x0;
	s0 =	ssub.s32 $0x2, s0;
	s4 =	smul.u32 $0x2710, s5  }
0xa: {  	[smem:$0x7FF] =	sst s3;
	s7 =	smul.u32 $0x138800, s5;
	s9 =	sshrl.u32 s0, $0x1  }
0xb: {  	_ =	strace $0x80000047;
	s0 =	ssub.s32 s0, s9;
	s6 =	sshrl.u32 s4, $0x3  }
0xc: {  	s31 =	sshrl.u32 s7, $0x3;
	s8 =	sadd.s32 s6, s1;
	s6 =	sadd.s32 $0x3F000, s1  }
0xd: {  	s5 =	sadd.s32 $0x16E00, s1;
	s10 =	smax.u32 s0, $0x1;
	s1 =	sadd.s32 s6, s31  }
0xe: {  	s7 =	sadd.s32 $0xD000, s8;
	s8 =	sadd.s32 $0x3200, s8;
	s9 =	sadd.s32 $0x26C00, s1  }
.LBB2_1:
0xf: {  	[tilespmem:s3], [sflag:$0x7] =	stream.linear.gather [hbm4b:s7+s3], $0x2710, $0x38;
	[tilespmem:$0x13F00] =	vst v63  }
0x10: {  	_ =	swait.ge [sflag:s11], $0x2710  }
0x11: {  	[sflag:s11] =	ssyncset.done $0x0  }
0x12: {  	[sflag:s11] =	ssyncadd.s32 $0xFFFFD8F0  }
0x13: {  	[tilespmem:s12], [sflag:$0x7] =	stream.linear.gather [hbm4b:s8+s3], $0x2710, $0x38;
	[tilespmem:$0x13F00] =	vst v63  }
0x14: {  	_ =	swait.ge [sflag:s11], $0x2710  }
0x15: {  	[sflag:s11] =	ssyncset.done $0x0  }
0x16: {  	[sflag:s11] =	ssyncadd.s32 $0xFFFFD8F0  }
0x17: {  	[tilespmem:s14], [sflag:$0x1] =	stream.indirect.gather [hbm4b:s2+s13], $0x80, s3, s13, $0xb8;
	[tilespmem:$0x13F00] =	vst v63  }
0x18: {  	s28 =	simm.s32 $0x0  }
0x19: {  	[tilespmem:s15], [sflag:$0x2] =	stream.indirect.gather [hbm4b:s5+s13], $0x80, s12, s13, $0xb8;
	[tilespmem:$0x13F00] =	vst v63  }
.LBB2_2:
0x1a: {  	s30 =	smul.u32 $0xA0, s28;
	_ =	sdelay $0x1  }
0x1b: {  	s29 =	sadd.s32 $0x50, s30  }
0x1c: {  	[tilespmem:s16], [sflag:$0x3] =	stream.indirect.gather [hbm4b:s2+s13], $0x80, s29, s13, $0xb8;
	[tilespmem:$0x13F00] =	vst v63  }
0x1d: {  	s0 =	sadd.s32 $0x27D0, s30  }
0x1e: {  	[tilespmem:s17], [sflag:$0x4] =	stream.indirect.gather [hbm4b:s5+s13], $0x80, s0, s13, $0xb8;
	[tilespmem:$0x13F00] =	vst v63  }
0x1f: {  	_ =	swait.ge [sflag:s18], $0x2800  }
0x20: {  	[sflag:s18] =	ssyncset.done $0x0  }
0x21: {  	[sflag:s18] =	ssyncadd.s32 $0xFFFFD800  }
0x22: {  	_ =	swait.ge [sflag:s19], $0x2800  }
0x23: {  	p0 =	seq.s32 s28, $0x0;
	[sflag:s19] =	ssyncset.done $0x0  }
0x24: {  	s0 =	simm.s32 @!p0 $0x5;
	[sflag:s19] =	ssyncadd.s32 $0xFFFFD800  }
0x25: {  	_ =	swait.ge @!p0 [sflag:s0], $0x2800  }
0x26: {  	[sflag:s0] =	ssyncset.done @!p0 $0x0  }
0x27: {  	s31 =	simm.s32 $0x0;
	[sflag:s0] =	ssyncadd.s32 @!p0 $0xFFFFD800  }
0x28: {  	v0 =	vld [tilespmem:s31+$0x4F70]  }
0x29: {  	v1 =	vld [tilespmem:s31+$0x7770]  }
0x2a: {  	v2 =	vld [tilespmem:s31+$0x4F00]  }
0x2b: {  	v3 =	vld [tilespmem:s31+$0x7700]  }
0x2c: {  	v4 =	vld [tilespmem:s31+$0x4F10]  }
0x2d: {  	v5 =	vld [tilespmem:s31+$0x7710]  }
0x2e: {  	v6 =	vld [tilespmem:s31+$0x4F20]  }
0x2f: {  	v7 =	vld [tilespmem:s31+$0x4F30]  }
0x30: {  	v0 =	vadd.f32 v1, v0;
	v1 =	vld [tilespmem:s31+$0x7720]  }
0x31: {  	v8 =	vld [tilespmem:s31+$0x7730]  }
0x32: {  	v9 =	vld [tilespmem:s31+$0x7740];
	v2 =	vadd.f32 v3, v2  }
0x33: {  	[tilespmem:s31+$0xEF70] =	vst v0;
	v0 =	vadd.f32 v5, v4;
	v5 =	vld [tilespmem:s31+$0x4F40]  }
0x34: {  	v3 =	vld [tilespmem:s31+$0x7750];
	[tilespmem:s31+$0xEF00] =	vst v2  }
0x35: {  	v2 =	vld [tilespmem:s31+$0x4F50];
	[tilespmem:s31+$0xEF10] =	vst v0;
	v0 =	vadd.f32 v1, v6  }
0x36: {  	v4 =	vld [tilespmem:s31+$0x7760];
	v6 =	vadd.f32 v8, v7  }
0x37: {  	s1 =	simm.s32 $0x80;
	[tilespmem:s31+$0xEF20] =	vst v0;
	v0 =	vld [tilespmem:s31+$0x4F60]  }
0x38: {  	s0 =	simm.s32 $0x400;
	v5 =	vadd.f32 v9, v5;
	v1 =	vld [tilespmem:s1+$0x4F70];
	[tilespmem:s31+$0xEF30] =	vst v6  }
.LBB2_3:
0x39: {  	p1 =	sne.s32 s0, $0x9E00;
	v6 =	vld [tilespmem:s1+$0x7770]  }
0x3a: {  	v7 =	vld [tilespmem:s1+$0x4F00];
	[tilespmem:s31+$0xEF40] =	vst v5;
	v2 =	vadd.f32 v3, v2  }
0x3b: {  	v3 =	vld [tilespmem:s1+$0x7700]  }
0x3c: {  	v5 =	vld [tilespmem:s1+$0x4F10];
	[tilespmem:s31+$0xEF50] =	vst v2;
	v0 =	vadd.f32 v4, v0  }
0x3d: {  	v2 =	vld [tilespmem:s1+$0x7710]  }
0x3e: {  	v4 =	vld [tilespmem:s1+$0x4F20];
	v1 =	vadd.f32 v6, v1;
	[tilespmem:s31+$0xEF60] =	vst v0;
	s31 =	smov.u32 s1  }
0x3f: {  	v0 =	vld [tilespmem:s31+$0x7720]  }
0x40: {  	v3 =	vadd.f32 v3, v7;
	v6 =	vld [tilespmem:s31+$0x4F30];
	[tilespmem:s31+$0xEF70] =	vst v1  }
0x41: {  	v1 =	vld [tilespmem:s31+$0x7730]  }
0x42: {  	[tilespmem:s31+$0xEF00] =	vst v3;
	v2 =	vadd.f32 v2, v5;
	v5 =	vld [tilespmem:s31+$0x4F40]  }
0x43: {  	v7 =	vld [tilespmem:s31+$0x7740]  }
.Ltmp0:
0x44: {  	[tilespmem:s31+$0xEF10] =	vst v2;
	v0 =	vadd.f32 v0, v4;
	v2 =	vld [tilespmem:s31+$0x4F50];
	(pc) =	sbr.rel @p1 .LBB2_3-.Ltmp0, $4  }
0x45: {  	v3 =	vld [tilespmem:s31+$0x7750]  }
0x46: {  	[tilespmem:s31+$0xEF20] =	vst v0;
	v6 =	vadd.f32 v1, v6;
	v0 =	vld [tilespmem:s31+$0x4F60]  }
0x47: {  	s1 =	sshra.s32 s0, $0x2;
	v4 =	vld [tilespmem:s31+$0x7760]  }
0x48: {  	s0 =	sadd.s32 $0x200, s0;
	v1 =	vld [tilespmem:s1+$0x4F70];
	[tilespmem:s31+$0xEF30] =	vst v6;
	v5 =	vadd.f32 v7, v5  }
0x49: {  	v6 =	vld [tilespmem:s1+$0x7770]  }
0x4a: {  	v7 =	vld [tilespmem:s1+$0x4F00];
	[tilespmem:s31+$0xEF40] =	vst v5;
	v2 =	vadd.f32 v3, v2  }
0x4b: {  	v3 =	vld [tilespmem:s1+$0x7700]  }
0x4c: {  	v5 =	vld [tilespmem:s1+$0x4F10];
	[tilespmem:s31+$0xEF50] =	vst v2;
	v0 =	vadd.f32 v4, v0  }
0x4d: {  	v2 =	vld [tilespmem:s1+$0x7710]  }
0x4e: {  	v4 =	vld [tilespmem:s1+$0x4F20];
	[tilespmem:s31+$0xEF60] =	vst v0  }
0x4f: {  	v0 =	vadd.f32 v6, v1;
	v1 =	vld [tilespmem:s1+$0x7720]  }
0x50: {  	v6 =	vld [tilespmem:s1+$0x4F30]  }
0x51: {  	v3 =	vadd.f32 v3, v7;
	[tilespmem:s1+$0xEF70] =	vst v0;
	v0 =	vld [tilespmem:s1+$0x7730]  }
0x52: {  	v7 =	vld [tilespmem:s1+$0x7760]  }
0x53: {  	[tilespmem:s1+$0xEF00] =	vst v3;
	v2 =	vadd.f32 v2, v5;
	v3 =	vld [tilespmem:s1+$0x4F40]  }
0x54: {  	v5 =	vld [tilespmem:s1+$0x7740]  }
0x55: {  	[tilespmem:s1+$0xEF10] =	vst v2;
	v1 =	vadd.f32 v1, v4;
	v2 =	vld [tilespmem:s1+$0x4F50]  }
0x56: {  	v4 =	vld [tilespmem:s1+$0x7750]  }
0x57: {  	[tilespmem:s1+$0xEF20] =	vst v1;
	v1 =	vld [tilespmem:s1+$0x4F60];
	_ =	sdelay $0x1  }
0x58: {  	v0 =	vadd.f32 v0, v6  }
0x59: {  	v3 =	vadd.f32 v5, v3  }
0x5a: {  	[tilespmem:s1+$0xEF30] =	vst v0;
	v0 =	vadd.f32 v4, v2  }
0x5b: {  	s0 =	sadd.s32 s4, s30;
	[tilespmem:s1+$0xEF40] =	vst v3;
	v1 =	vadd.f32 v7, v1  }
0x5c: {  	s0 =	sshll.u32 s0, $0x4;
	[tilespmem:s1+$0xEF50] =	vst v0  }
0x5d: {  	s0 =	sadd.s32 s6, s0;
	[tilespmem:s1+$0xEF60] =	vst v1  }
0x5e: {  	[hbm4b:s0+s3] =	stream.linear.scatter [tilespmem:s20], [sflag:$0x5], $0x2800, $0x38;
	[tilespmem:$0x13F00] =	vst v63  }
0x5f: {  	s1 =	sadd.s32 $0xA0, s30  }
0x60: {  	[tilespmem:s14], [sflag:$0x1] =	stream.indirect.gather [hbm4b:s2+s13], $0x80, s1, s13, $0xb8;
	[tilespmem:$0x13F00] =	vst v63  }
0x61: {  	s31 =	sadd.s32 $0x2820, s30  }
0x62: {  	[tilespmem:s15], [sflag:$0x2] =	stream.indirect.gather [hbm4b:s5+s13], $0x80, s31, s13, $0xb8;
	[tilespmem:$0x13F00] =	vst v63  }
0x63: {  	_ =	swait.ge [sflag:s21], $0x2800  }
0x64: {  	[sflag:s21] =	ssyncset.done $0x0  }
0x65: {  	[sflag:s21] =	ssyncadd.s32 $0xFFFFD800  }
0x66: {  	_ =	swait.ge [sflag:s22], $0x2800  }
0x67: {  	[sflag:s22] =	ssyncset.done $0x0  }
0x68: {  	s0 =	simm.s32 @!p0 $0x6;
	[sflag:s22] =	ssyncadd.s32 $0xFFFFD800  }
0x69: {  	_ =	swait.ge @!p0 [sflag:s0], $0x2800  }
0x6a: {  	[sflag:s0] =	ssyncset.done @!p0 $0x0  }
0x6b: {  	s30 =	simm.s32 $0x0;
	[sflag:s0] =	ssyncadd.s32 @!p0 $0xFFFFD800  }
0x6c: {  	v0 =	vld [tilespmem:s30+$0x9F70]  }
0x6d: {  	v1 =	vld [tilespmem:s30+$0xC770]  }
0x6e: {  	v2 =	vld [tilespmem:s30+$0x9F00]  }
0x6f: {  	v3 =	vld [tilespmem:s30+$0xC700]  }
0x70: {  	v4 =	vld [tilespmem:s30+$0x9F10]  }
0x71: {  	v5 =	vld [tilespmem:s30+$0xC710]  }
0x72: {  	v6 =	vld [tilespmem:s30+$0x9F20]  }
0x73: {  	v7 =	vld [tilespmem:s30+$0x9F30]  }
0x74: {  	v0 =	vadd.f32 v1, v0;
	v1 =	vld [tilespmem:s30+$0xC720]  }
0x75: {  	v8 =	vld [tilespmem:s30+$0xC730]  }
0x76: {  	v9 =	vld [tilespmem:s30+$0xC740];
	v2 =	vadd.f32 v3, v2  }
0x77: {  	[tilespmem:s30+$0x11770] =	vst v0;
	v0 =	vadd.f32 v5, v4;
	v5 =	vld [tilespmem:s30+$0x9F40]  }
0x78: {  	v3 =	vld [tilespmem:s30+$0xC750];
	[tilespmem:s30+$0x11700] =	vst v2  }
0x79: {  	v2 =	vld [tilespmem:s30+$0x9F50];
	[tilespmem:s30+$0x11710] =	vst v0;
	v0 =	vadd.f32 v1, v6  }
0x7a: {  	v4 =	vld [tilespmem:s30+$0xC760];
	v6 =	vadd.f32 v8, v7  }
0x7b: {  	s1 =	simm.s32 $0x80;
	[tilespmem:s30+$0x11720] =	vst v0;
	v0 =	vld [tilespmem:s30+$0x9F60]  }
0x7c: {  	s0 =	simm.s32 $0x400;
	v5 =	vadd.f32 v9, v5;
	v1 =	vld [tilespmem:s1+$0x9F70];
	[tilespmem:s30+$0x11730] =	vst v6  }
.LBB2_5:
0x7d: {  	p0 =	sne.s32 s0, $0x9E00;
	v6 =	vld [tilespmem:s1+$0xC770]  }
0x7e: {  	v7 =	vld [tilespmem:s1+$0x9F00];
	[tilespmem:s30+$0x11740] =	vst v5;
	v2 =	vadd.f32 v3, v2  }
0x7f: {  	v3 =	vld [tilespmem:s1+$0xC700]  }
0x80: {  	v5 =	vld [tilespmem:s1+$0x9F10];
	[tilespmem:s30+$0x11750] =	vst v2;
	v0 =	vadd.f32 v4, v0  }
0x81: {  	v2 =	vld [tilespmem:s1+$0xC710]  }
0x82: {  	v4 =	vld [tilespmem:s1+$0x9F20];
	v1 =	vadd.f32 v6, v1;
	[tilespmem:s30+$0x11760] =	vst v0;
	s30 =	smov.u32 s1  }
0x83: {  	v0 =	vld [tilespmem:s30+$0xC720]  }
0x84: {  	v3 =	vadd.f32 v3, v7;
	v6 =	vld [tilespmem:s30+$0x9F30];
	[tilespmem:s30+$0x11770] =	vst v1  }
0x85: {  	v1 =	vld [tilespmem:s30+$0xC730]  }
0x86: {  	[tilespmem:s30+$0x11700] =	vst v3;
	v2 =	vadd.f32 v2, v5;
	v5 =	vld [tilespmem:s30+$0x9F40]  }
0x87: {  	v7 =	vld [tilespmem:s30+$0xC740]  }
.Ltmp1:
0x88: {  	[tilespmem:s30+$0x11710] =	vst v2;
	v0 =	vadd.f32 v0, v4;
	v2 =	vld [tilespmem:s30+$0x9F50];
	(pc) =	sbr.rel @p0 .LBB2_5-.Ltmp1, $4  }
0x89: {  	v3 =	vld [tilespmem:s30+$0xC750]  }
0x8a: {  	[tilespmem:s30+$0x11720] =	vst v0;
	v6 =	vadd.f32 v1, v6;
	v0 =	vld [tilespmem:s30+$0x9F60]  }
0x8b: {  	s1 =	sshra.s32 s0, $0x2;
	v4 =	vld [tilespmem:s30+$0xC760]  }
0x8c: {  	s0 =	sadd.s32 $0x200, s0;
	v1 =	vld [tilespmem:s1+$0x9F70];
	[tilespmem:s30+$0x11730] =	vst v6;
	v5 =	vadd.f32 v7, v5  }
0x8d: {  	v6 =	vld [tilespmem:s1+$0xC770]  }
0x8e: {  	v7 =	vld [tilespmem:s1+$0x9F00];
	[tilespmem:s30+$0x11740] =	vst v5;
	v2 =	vadd.f32 v3, v2  }
0x8f: {  	v51 =	vld [tilespmem:s1+$0xC700]  }
0x90: {  	v5 =	vld [tilespmem:s1+$0x9F10];
	[tilespmem:s30+$0x11750] =	vst v2;
	v0 =	vadd.f32 v4, v0  }
0x91: {  	v2 =	vld [tilespmem:s1+$0xC710]  }
0x92: {  	v52 =	vld [tilespmem:s1+$0x9F20];
	[tilespmem:s30+$0x11760] =	vst v0  }
0x93: {  	v54 =	vld [tilespmem:s1+$0xC720]  }
0x94: {  	v55 =	vld [tilespmem:s1+$0x9F30]  }
0x95: {  	v56 =	vld [tilespmem:s1+$0xC730]  }
0x96: {  	v57 =	vld [tilespmem:s1+$0x9F40]  }
0x97: {  	v58 =	vld [tilespmem:s1+$0xC740]  }
0x98: {  	v59 =	vld [tilespmem:s1+$0x9F50]  }
0x99: {  	v53 =	vadd.f32 v6, v1;
	v60 =	vld [tilespmem:s1+$0xC750]  }
0x9a: {  	v61 =	vld [tilespmem:s1+$0x9F60];
	v3 =	vadd.f32 v51, v7  }
0x9b: {  	v62 =	vld [tilespmem:s1+$0xC760];
	[tilespmem:s1+$0x11770] =	vst v53;
	v2 =	vadd.f32 v2, v5  }
0x9c: {  	[tilespmem:s1+$0x11700] =	vst v3;
	v1 =	vadd.f32 v54, v52  }
0x9d: {  	s28 =	sadd.s32 $0x1, s28;
	[tilespmem:s1+$0x11710] =	vst v2;
	v0 =	vadd.f32 v56, v55  }
0x9e: {  	p0 =	sne.s32 s28, $0x3E;
	v3 =	vadd.f32 v58, v57;
	[tilespmem:s1+$0x11720] =	vst v1  }
.Ltmp2:
0x9f: {  	v63 =	vadd.f32 v60, v59;
	[tilespmem:s1+$0x11730] =	vst v0;
	(pc) =	sbr.rel @p0 .LBB2_2-.Ltmp2, $4  }
0xa0: {  	s0 =	sadd.s32 s4, s29;
	[tilespmem:s1+$0x11740] =	vst v3;
	v1 =	vadd.f32 v62, v61  }
0xa1: {  	s0 =	sshll.u32 s0, $0x4;
	[tilespmem:s1+$0x11750] =	vst v63  }
0xa2: {  	s0 =	sadd.s32 s6, s0;
	[tilespmem:s1+$0x11760] =	vst v1  }
0xa3: {  	[hbm4b:s0+s3] =	stream.linear.scatter [tilespmem:s23], [sflag:$0x6], $0x2800, $0x38;
	[tilespmem:$0x13F00] =	vst v63  }
0xa4: {  	_ =	swait.ge [sflag:s18], $0x2800  }
0xa5: {  	[sflag:s18] =	ssyncset.done $0x0  }
0xa6: {  	[sflag:s18] =	ssyncadd.s32 $0xFFFFD800  }
0xa7: {  	_ =	swait.ge [sflag:s19], $0x2800  }
0xa8: {  	[sflag:s19] =	ssyncset.done $0x0  }
0xa9: {  	[sflag:s19] =	ssyncadd.s32 $0xFFFFD800  }
0xaa: {  	_ =	swait.ge [sflag:s24], $0x2800  }
0xab: {  	[sflag:s24] =	ssyncset.done $0x0  }
0xac: {  	s28 =	simm.s32 $0x0;
	[sflag:s24] =	ssyncadd.s32 $0xFFFFD800  }
0xad: {  	v0 =	vld [tilespmem:s28+$0x4F70]  }
0xae: {  	v1 =	vld [tilespmem:s28+$0x7770]  }
0xaf: {  	v2 =	vld [tilespmem:s28+$0x4F00]  }
0xb0: {  	v3 =	vld [tilespmem:s28+$0x7700]  }
0xb1: {  	v4 =	vld [tilespmem:s28+$0x4F10]  }
0xb2: {  	v5 =	vld [tilespmem:s28+$0x7710]  }
0xb3: {  	v6 =	vld [tilespmem:s28+$0x4F20]  }
0xb4: {  	v7 =	vld [tilespmem:s28+$0x4F30]  }
0xb5: {  	v0 =	vadd.f32 v1, v0;
	v1 =	vld [tilespmem:s28+$0x7720]  }
0xb6: {  	v8 =	vld [tilespmem:s28+$0x7730]  }
0xb7: {  	v9 =	vld [tilespmem:s28+$0x7740];
	v2 =	vadd.f32 v3, v2  }
0xb8: {  	[tilespmem:s28+$0xEF70] =	vst v0;
	v0 =	vadd.f32 v5, v4;
	v5 =	vld [tilespmem:s28+$0x4F40]  }
0xb9: {  	v3 =	vld [tilespmem:s28+$0x7750];
	[tilespmem:s28+$0xEF00] =	vst v2  }
0xba: {  	v2 =	vld [tilespmem:s28+$0x4F50];
	[tilespmem:s28+$0xEF10] =	vst v0;
	v0 =	vadd.f32 v1, v6  }
0xbb: {  	v4 =	vld [tilespmem:s28+$0x7760];
	v6 =	vadd.f32 v8, v7  }
0xbc: {  	s1 =	simm.s32 $0x80;
	[tilespmem:s28+$0xEF20] =	vst v0;
	v0 =	vld [tilespmem:s28+$0x4F60]  }
0xbd: {  	s0 =	simm.s32 $0x400;
	v5 =	vadd.f32 v9, v5;
	v1 =	vld [tilespmem:s1+$0x4F70];
	[tilespmem:s28+$0xEF30] =	vst v6  }
.LBB2_8:
0xbe: {  	p0 =	sne.s32 s0, $0x9E00;
	v6 =	vld [tilespmem:s1+$0x7770]  }
0xbf: {  	v7 =	vld [tilespmem:s1+$0x4F00];
	[tilespmem:s28+$0xEF40] =	vst v5;
	v2 =	vadd.f32 v3, v2  }
0xc0: {  	v3 =	vld [tilespmem:s1+$0x7700]  }
0xc1: {  	v5 =	vld [tilespmem:s1+$0x4F10];
	[tilespmem:s28+$0xEF50] =	vst v2;
	v0 =	vadd.f32 v4, v0  }
0xc2: {  	v2 =	vld [tilespmem:s1+$0x7710]  }
0xc3: {  	v4 =	vld [tilespmem:s1+$0x4F20];
	v1 =	vadd.f32 v6, v1;
	[tilespmem:s28+$0xEF60] =	vst v0;
	s28 =	smov.u32 s1  }
0xc4: {  	v0 =	vld [tilespmem:s28+$0x7720]  }
0xc5: {  	v3 =	vadd.f32 v3, v7;
	v6 =	vld [tilespmem:s28+$0x4F30];
	[tilespmem:s28+$0xEF70] =	vst v1  }
0xc6: {  	v1 =	vld [tilespmem:s28+$0x7730]  }
0xc7: {  	[tilespmem:s28+$0xEF00] =	vst v3;
	v2 =	vadd.f32 v2, v5;
	v5 =	vld [tilespmem:s28+$0x4F40]  }
0xc8: {  	v7 =	vld [tilespmem:s28+$0x7740]  }
.Ltmp3:
0xc9: {  	[tilespmem:s28+$0xEF10] =	vst v2;
	v0 =	vadd.f32 v0, v4;
	v2 =	vld [tilespmem:s28+$0x4F50];
	(pc) =	sbr.rel @p0 .LBB2_8-.Ltmp3, $4  }
0xca: {  	v3 =	vld [tilespmem:s28+$0x7750]  }
0xcb: {  	[tilespmem:s28+$0xEF20] =	vst v0;
	v6 =	vadd.f32 v1, v6;
	v0 =	vld [tilespmem:s28+$0x4F60]  }
0xcc: {  	s1 =	sshra.s32 s0, $0x2;
	v4 =	vld [tilespmem:s28+$0x7760]  }
0xcd: {  	s0 =	sadd.s32 $0x200, s0;
	v1 =	vld [tilespmem:s1+$0x4F70];
	[tilespmem:s28+$0xEF30] =	vst v6;
	v5 =	vadd.f32 v7, v5  }
0xce: {  	v6 =	vld [tilespmem:s1+$0x7770]  }
0xcf: {  	v7 =	vld [tilespmem:s1+$0x4F00];
	[tilespmem:s28+$0xEF40] =	vst v5;
	v2 =	vadd.f32 v3, v2  }
0xd0: {  	v51 =	vld [tilespmem:s1+$0x7700]  }
0xd1: {  	v5 =	vld [tilespmem:s1+$0x4F10];
	[tilespmem:s28+$0xEF50] =	vst v2;
	v0 =	vadd.f32 v4, v0  }
0xd2: {  	v2 =	vld [tilespmem:s1+$0x7710]  }
0xd3: {  	v52 =	vld [tilespmem:s1+$0x4F20];
	[tilespmem:s28+$0xEF60] =	vst v0  }
0xd4: {  	v54 =	vld [tilespmem:s1+$0x7720]  }
0xd5: {  	v55 =	vld [tilespmem:s1+$0x4F30]  }
0xd6: {  	v56 =	vld [tilespmem:s1+$0x7730]  }
0xd7: {  	v57 =	vld [tilespmem:s1+$0x4F40]  }
0xd8: {  	v58 =	vld [tilespmem:s1+$0x7740]  }
0xd9: {  	v59 =	vld [tilespmem:s1+$0x4F50]  }
0xda: {  	v53 =	vadd.f32 v6, v1;
	v60 =	vld [tilespmem:s1+$0x7750]  }
0xdb: {  	v61 =	vld [tilespmem:s1+$0x4F60];
	v3 =	vadd.f32 v51, v7  }
0xdc: {  	v62 =	vld [tilespmem:s1+$0x7760];
	[tilespmem:s1+$0xEF70] =	vst v53;
	v2 =	vadd.f32 v2, v5  }
0xdd: {  	[tilespmem:s1+$0xEF00] =	vst v3;
	v1 =	vadd.f32 v54, v52  }
0xde: {  	[tilespmem:s1+$0xEF10] =	vst v2;
	v0 =	vadd.f32 v56, v55  }
0xdf: {  	v3 =	vadd.f32 v58, v57;
	[tilespmem:s1+$0xEF20] =	vst v1  }
0xe0: {  	v63 =	vadd.f32 v60, v59;
	[tilespmem:s1+$0xEF30] =	vst v0  }
0xe1: {  	[tilespmem:s1+$0xEF40] =	vst v3;
	v1 =	vadd.f32 v62, v61  }
0xe2: {  	[tilespmem:s1+$0xEF50] =	vst v63  }
0xe3: {  	s26 =	sadd.s32 $0x1, s26;
	[tilespmem:s1+$0xEF60] =	vst v1  }
0xe4: {  	[hbm4b:s9+s3] =	stream.linear.scatter [tilespmem:s20], [sflag:$0x5], $0x2800, $0x38;
	[tilespmem:$0x13F00] =	vst v63  }
0xe5: {  	p0 =	sne.s32 s26, s10;
	_ =	swait.ge [sflag:s24], $0x2800  }
.Ltmp4:
0xe6: {  	[sflag:s24] =	ssyncset.done $0x0;
	(pc) =	sbr.rel @p0 .LBB2_1-.Ltmp4, $4  }
0xe7: {  	[sflag:s24] =	ssyncadd.s32 $0xFFFFD800  }
0xe8: {  	_ =	swait.ge [sflag:s25], $0x2800  }
0xe9: {  	[sflag:s25] =	ssyncset.done $0x0  }
0xea: {  	[sflag:s25] =	ssyncadd.s32 $0xFFFFD800  }
0xeb: {  	_ =	sfence.sel $0x180000  }
0xec: {  	[bflag:$0x0] =	sbarrier.arrive $0xFFFF  }
0xed: {  	_ =	strace $0x90000047  }
0xee: {  	s0 =	stileid.u32;
	[bflag:$0x2] =	sbarrier.arrive $0xFFFF  }
0xef: {  	p0 =	sne.s32 s0, $0x0;
	s0 =	rddreg [dreg:$0x2]  }
0xf0: {  	s0 =	sadd.s32 @!p0 $0x100000, s0  }
0xf1: {  	[sflag:s0] =	ssyncadd.tile.s32 @!p0 $0x1;
	_ =	shalt  }
.Lfunc_end2:
_tile_overlayer_lowered:
.L_overlay_start_2:
0xf2: {  	(tag) =	ssettag $0x2  }
0xf3: {  	s0 =	rddreg [dreg:$0x0];
	s2 =	stileid.u32  }
0xf4: {  	s1 =	rddreg [dreg:$0x1];
	p0 =	sne.s32 s2, $0x0  }
0xf5: {  	s3 =	rddreg [dreg:$0x2];
	[bflag:$0x3] =	sbarrier.arrive $0xFFFF;
	s2 =	simm.s32 @!p0 $0x1C07  }
0xf6: {  	[timem:s3], [sflag:s2] =	dma.local @!p0 [hbm:s0], s1  }
0xf7: {  	s0 =	simm.s32 @!p0 $0x7  }
0xf8: {  	_ =	swait.ge @!p0 [sflag:s0], s1  }
0xf9: {  	s1 =	ssub.s32 @!p0 $0x0, s1;
	[sflag:s0] =	ssyncset.done @!p0 $0x0  }
0xfa: {  	[sflag:s0] =	ssyncadd.s32 @!p0 s1  }
0xfb: {  	[bflag:$0x3] =	sbarrier.arrive $0xFFFF  }
0xfc: {  	_ =	shalt  }

</sc_bundles>
